<compile_context>
chip_gen: v7x
topology: tpu7x:2x2x1
jax: 0.10.2.dev20260603
libtpu: 0.0.44.dev20260713+nightly
codegen_flags: <defaults>
</compile_context>

<pallas_src>
import functools

import jax
import jax.numpy as jnp
from jax import lax
from jax.experimental import pallas as pl
from jax.experimental.pallas import tpu as pltpu
from jax.experimental.pallas import tpu_sc as plsc

_NC = 2
_NS = 16
_NW = _NC * _NS
_CH = 125


def _make_deg_kernel(np_, nchunk):
  mesh = plsc.VectorSubcoreMesh(core_axis_name="c", subcore_axis_name="s")
  rows_per_tile = np_ // _NS

  @functools.partial(
      pl.kernel,
      out_type=jax.ShapeDtypeStruct((_NC, np_, 16), jnp.float32),
      mesh=mesh,
      scratch_types=[
          pltpu.VMEM((nchunk, _CH), jnp.int32),
          pltpu.VMEM((_CH, 16), jnp.float32),
          pltpu.VMEM_SHARED((np_, 16), jnp.float32),
      ],
  )
  def deg_kernel(dst_hbm, ones_hbm, zeros_hbm, out_hbm, dst_v, ones_v, acc_sh):
    c = lax.axis_index("c")
    s = lax.axis_index("s")
    wid = s * _NC + c
    pltpu.sync_copy(
        zeros_hbm.at[pl.ds(s * rows_per_tile, rows_per_tile)],
        acc_sh.at[pl.ds(s * rows_per_tile, rows_per_tile)],
    )
    pltpu.sync_copy(dst_hbm.at[wid], dst_v)
    pltpu.sync_copy(ones_hbm, ones_v)
    plsc.subcore_barrier()

    def body(j, carry):
      pltpu.sync_copy(ones_v, acc_sh.at[dst_v.at[j]], add=True)
      return carry

    lax.fori_loop(0, nchunk, body, 0)
    plsc.subcore_barrier()
    pltpu.sync_copy(
        acc_sh.at[pl.ds(s * rows_per_tile, rows_per_tile)],
        out_hbm.at[c, pl.ds(s * rows_per_tile, rows_per_tile)],
    )

  return deg_kernel


def _make_agg_kernel(np_, nchunk, d):
  mesh = plsc.VectorSubcoreMesh(core_axis_name="c", subcore_axis_name="s")
  rows_per_tile = np_ // _NS

  @functools.partial(
      pl.kernel,
      out_type=jax.ShapeDtypeStruct((_NC, np_, d), jnp.float32),
      mesh=mesh,
      scratch_types=[
          pltpu.VMEM((nchunk // 2, _CH), jnp.int32),
          pltpu.VMEM((nchunk // 2, _CH), jnp.int32),
          pltpu.VMEM((_CH, d), jnp.float32),
          pltpu.VMEM((_CH, d), jnp.float32),
          pltpu.VMEM_SHARED((np_, d), jnp.float32),
          pltpu.SemaphoreType.DMA,
          pltpu.SemaphoreType.DMA,
      ],
  )
  def agg_kernel(y_hbm, src_hbm, dst_hbm, zeros_hbm, out_hbm,
                 src_v, dst_v, rows_a, rows_b, acc_sh, sem_a, sem_b):
    c = lax.axis_index("c")
    s = lax.axis_index("s")
    wid = s * _NC + c
    pltpu.sync_copy(
        zeros_hbm.at[pl.ds(s * rows_per_tile, rows_per_tile)],
        acc_sh.at[pl.ds(s * rows_per_tile, rows_per_tile)],
    )
    plsc.subcore_barrier()

    hc = nchunk // 2
    for half in range(2):
      pltpu.sync_copy(src_hbm.at[wid, pl.ds(half * hc, hc)], src_v)
      pltpu.sync_copy(dst_hbm.at[wid, pl.ds(half * hc, hc)], dst_v)
      pltpu.async_copy(y_hbm.at[src_v.at[0]], rows_a, sem_a)

      def body(k, carry):
        j = 2 * k
        pltpu.async_copy(y_hbm.at[src_v.at[j + 1]], rows_b, sem_b)
        pltpu.make_async_copy(y_hbm.at[src_v.at[j]], rows_a, sem_a).wait()
        pltpu.sync_copy(rows_a, acc_sh.at[dst_v.at[j]], add=True)

        @pl.when(k < hc // 2 - 1)
        def _():
          pltpu.async_copy(y_hbm.at[src_v.at[j + 2]], rows_a, sem_a)

        pltpu.make_async_copy(y_hbm.at[src_v.at[j + 1]], rows_b, sem_b).wait()
        pltpu.sync_copy(rows_b, acc_sh.at[dst_v.at[j + 1]], add=True)
        return carry

      lax.fori_loop(0, hc // 2, body, 0)
    plsc.subcore_barrier()
    pltpu.sync_copy(
        acc_sh.at[pl.ds(s * rows_per_tile, rows_per_tile)],
        out_hbm.at[c, pl.ds(s * rows_per_tile, rows_per_tile)],
    )

  return agg_kernel


_BN_RS = 1.0 / (1.0 + 1e-5) ** 0.5


def _first_tc(degp_ref, x_ref, w_ref, dis_ref, y_ref):
  deg = degp_ref[0, :, 0:1] + degp_ref[1, :, 0:1]
  dis = lax.rsqrt(deg)
  dis_ref[...] = dis
  xw = jnp.dot(x_ref[...], w_ref[...], preferred_element_type=jnp.float32)
  y_ref[...] = dis * xw


def _mid_tc(aggp_ref, y_ref, dis_ref, b_ref, g_ref, be_ref, w_ref, out_ref):
  dis = dis_ref[...]
  h = dis * (aggp_ref[0] + aggp_ref[1] + y_ref[...]) + b_ref[...]
  h = h * (g_ref[...] * _BN_RS) + be_ref[...]
  h = jnp.maximum(h, 0.0)
  hw = jnp.dot(h, w_ref[...], preferred_element_type=jnp.float32)
  out_ref[...] = dis * hw


def _last_tc(aggp_ref, y_ref, dis_ref, b_ref, out_ref):
  cdim = out_ref.shape[-1]
  dis = dis_ref[...]
  agg = aggp_ref[0, :, :cdim] + aggp_ref[1, :, :cdim]
  o = dis * (agg + y_ref[:, :cdim]) + b_ref[...]
  m = jnp.max(o, axis=-1, keepdims=True)
  z = o - m
  lse = jnp.log(jnp.sum(jnp.exp(z), axis=-1, keepdims=True))
  out_ref[...] = z - lse


def kernel(x, adj_t, W1, b1, g1, be1, W2, b2, g2, be2, W3, b3):
  n, f_in = x.shape
  e = adj_t.shape[1]
  h = W1.shape[1]
  cdim = W3.shape[1]
  assert e % (_NW * _CH) == 0
  nchunk = e // (_NW * _CH)
  assert nchunk % 4 == 0
  np_ = ((n + 8 * _NS - 1) // (8 * _NS)) * (8 * _NS)

  src = adj_t[0].reshape(_NW, nchunk, _CH)
  dst = adj_t[1].reshape(_NW, nchunk, _CH)

  ones16 = jnp.ones((_CH, 16), jnp.float32)
  zeros16 = jnp.zeros((np_, 16), jnp.float32)
  zeros_h = jnp.zeros((np_, h), jnp.float32)
  W3p = jnp.pad(W3, ((0, 0), (0, h - cdim)))

  degp = _make_deg_kernel(np_, nchunk)(dst, ones16, zeros16)

  blk = 1000
  assert n % blk == 0
  grid = (n // blk,)

  def full(shape):
    return pl.BlockSpec(shape, lambda i: tuple(0 for _ in shape))

  def rows2(d):
    return pl.BlockSpec((blk, d), lambda i: (i, 0))

  def parts(d):
    return pl.BlockSpec((_NC, blk, d), lambda i: (0, i, 0))

  dis, y1 = pl.pallas_call(
      _first_tc,
      grid=grid,
          in_specs=[parts(16), rows2(f_in), full((f_in, h))],
      out_specs=[rows2(1), rows2(h)],
      out_shape=[
          jax.ShapeDtypeStruct((n, 1), jnp.float32),
          jax.ShapeDtypeStruct((n, h), jnp.float32),
      ],
  )(degp, x, W1)

  agg_h = _make_agg_kernel(np_, nchunk, h)
  b1r, g1r, be1r = b1.reshape(1, h), g1.reshape(1, h), be1.reshape(1, h)
  b2r, g2r, be2r = b2.reshape(1, h), g2.reshape(1, h), be2.reshape(1, h)
  b3r = b3.reshape(1, cdim)

  agg1 = agg_h(y1, src, dst, zeros_h)
  y2 = pl.pallas_call(
      _mid_tc,
      grid=grid,
      in_specs=[parts(h), rows2(h), rows2(1), full((1, h)), full((1, h)),
                full((1, h)), full((h, h))],
      out_specs=rows2(h),
      out_shape=jax.ShapeDtypeStruct((n, h), jnp.float32),
  )(agg1, y1, dis, b1r, g1r, be1r, W2)

  agg2 = agg_h(y2, src, dst, zeros_h)
  y3 = pl.pallas_call(
      _mid_tc,
      grid=grid,
      in_specs=[parts(h), rows2(h), rows2(1), full((1, h)), full((1, h)),
                full((1, h)), full((h, h))],
      out_specs=rows2(h),
      out_shape=jax.ShapeDtypeStruct((n, h), jnp.float32),
  )(agg2, y2, dis, b2r, g2r, be2r, W3p)

  agg3 = agg_h(y3, src, dst, zeros_h)
  out = pl.pallas_call(
      _last_tc,
      grid=grid,
      in_specs=[parts(h), rows2(h), rows2(1), full((1, cdim))],
      out_specs=rows2(cdim),
      out_shape=jax.ShapeDtypeStruct((n, cdim), jnp.float32),
  )(agg3, y3, dis, b3r)
  return out

# --- scband reference (transcript-rebuilt; emitter-appended) ---
"""Pipeline reference for scband-gcn-343597384437 (READ-ONLY COPY).

The authoritative reference and input builder live on the scoring server;
editing this copy changes nothing except your own understanding.
"""

import jax, jax.numpy as jnp
import numpy as np


def _gcn_conv(x, src, dst, W, b, n):
    # GCNConv: x' = D^{-1/2} (A + I) D^{-1/2} X W + b
    xw = x @ W
    loop = jnp.arange(n, dtype=src.dtype)
    s = jnp.concatenate([src, loop])
    d = jnp.concatenate([dst, loop])
    deg = jax.ops.segment_sum(jnp.ones(s.shape[0], dtype=x.dtype), d, num_segments=n)
    dis = jnp.where(deg > 0, 1.0 / jnp.sqrt(deg), 0.0)
    norm = dis[s] * dis[d]
    msg = xw[s] * norm[:, None]
    out = jax.ops.segment_sum(msg, d, num_segments=n)
    return out + b


def _bn_eval(x, g, b, eps=1e-5):
    # BatchNorm1d in eval mode: running_mean=0, running_var=1
    return x / jnp.sqrt(1.0 + eps) * g + b


def setup_inputs(seed: int = 0):
    key = jax.random.key(seed)
    ks = jax.random.split(key, 8)
    N, E, F_in, H, C = 10000, 320000, 128, 128, 40
    x = jax.random.normal(ks[0], (N, F_in), dtype=jnp.float32)
    adj_t = jax.random.randint(ks[1], (2, E), 0, N, dtype=jnp.int32)
    s1 = 1.0 / np.sqrt(F_in)
    s2 = 1.0 / np.sqrt(H)
    W1 = jax.random.uniform(ks[2], (F_in, H), minval=-s1, maxval=s1, dtype=jnp.float32)
    b1 = jnp.zeros((H,), jnp.float32)
    g1 = jnp.ones((H,), jnp.float32)
    be1 = jnp.zeros((H,), jnp.float32)
    W2 = jax.random.uniform(ks[3], (H, H), minval=-s2, maxval=s2, dtype=jnp.float32)
    b2 = jnp.zeros((H,), jnp.float32)
    g2 = jnp.ones((H,), jnp.float32)
    be2 = jnp.zeros((H,), jnp.float32)
    W3 = jax.random.uniform(ks[4], (H, C), minval=-s2, maxval=s2, dtype=jnp.float32)
    b3 = jnp.zeros((C,), jnp.float32)
    return {"x": x, "adj_t": adj_t, "W1": W1, "b1": b1, "g1": g1, "be1": be1,
            "W2": W2, "b2": b2, "g2": g2, "be2": be2, "W3": W3, "b3": b3}


def reference(x, adj_t, W1, b1, g1, be1, W2, b2, g2, be2, W3, b3):
    n = x.shape[0]
    src, dst = adj_t[0], adj_t[1]
    h = _gcn_conv(x, src, dst, W1, b1, n)
    h = _bn_eval(h, g1, be1)
    h = jax.nn.relu(h)
    # dropout is identity in eval mode
    h = _gcn_conv(h, src, dst, W2, b2, n)
    h = _bn_eval(h, g2, be2)
    h = jax.nn.relu(h)
    h = _gcn_conv(h, src, dst, W3, b3, n)
    return jax.nn.log_softmax(h, axis=-1)

if __name__ == "__main__":
    import jax
    _d = setup_inputs()
    print(jax.jit(kernel)(*tuple(_d.values())))

</pallas_src>

<mosaic_0001>
#map = affine_map<(d0, d1) -> (0, 0, 0)>
#map1 = affine_map<(d0, d1) -> (0, 0)>
module attributes {stable_mosaic.version = 14 : i64} {
  func.func @deg_kernel(%arg0: i32, %arg1: i32, %arg2: memref<32x80x125xi32, #tpu.memory_space<hbm>>, %arg3: memref<125x16xf32, #tpu.memory_space<hbm>>, %arg4: memref<10112x16xf32, #tpu.memory_space<hbm>>, %arg5: memref<2x10112x16xf32, #tpu.memory_space<hbm>>, %arg6: memref<80x125xi32, #tpu.memory_space<vmem>>, %arg7: memref<125x16xf32, #tpu.memory_space<vmem>>, %arg8: memref<10112x16xf32, #tpu.memory_space<vmem_shared>>) attributes {dimension_semantics = [#tpu.dimension_semantics<core_parallel>, #tpu.dimension_semantics<subcore_parallel>], iteration_bounds = array<i64: 2, 16>, scalar_prefetch = 0 : i64, scratch_operands = 3 : i64, tpu.core_type = #tpu.core_type<sc_vector_subcore>, window_params = [{transform_indices = #map}, {transform_indices = #map1}, {transform_indices = #map1}, {transform_indices = #map}]} {
    %mul3A = arith.constant 2 : i32
    %mul3A_0 = arith.muli %arg1, %mul3A : i32
    %add3A = arith.addi %mul3A_0, %arg0 : i32
    %mul3A_1 = arith.constant 632 : i32
    %mul3A_2 = arith.muli %arg1, %mul3A_1 : i32
    %mul3A_3 = arith.constant 632 : i32
    %mul3A_4 = arith.muli %arg1, %mul3A_3 : i32
    "tpu.region"() ({
      %run_scoped3A = tpu.sem_alloc : memref<!tpu.dma_semaphore, #tpu.memory_space<semaphore_mem>>
      %dma_start3A = arith.constant 0 : i32
      %dma_start3A_15 = tpu.memref_slice %arg8[%mul3A_4, %dma_start3A] : memref<10112x16xf32, #tpu.memory_space<vmem_shared>> -> memref<632x16xf32, #tpu.memory_space<vmem_shared>>
      %dma_start3A_16 = arith.constant 0 : i32
      %dma_start3A_17 = tpu.memref_slice %arg4[%mul3A_2, %dma_start3A_16] : memref<10112x16xf32, #tpu.memory_space<hbm>> -> memref<632x16xf32, #tpu.memory_space<hbm>>
      tpu.enqueue_dma source(%dma_start3A_17 : memref<632x16xf32, #tpu.memory_space<hbm>>) target(%dma_start3A_15 : memref<632x16xf32, #tpu.memory_space<vmem_shared>>) target_semaphore(%run_scoped3A : memref<!tpu.dma_semaphore, #tpu.memory_space<semaphore_mem>>)
      %dma_wait3A = arith.constant 0 : i32
      %dma_wait3A_18 = tpu.memref_slice %arg8[%mul3A_4, %dma_wait3A] : memref<10112x16xf32, #tpu.memory_space<vmem_shared>> -> memref<632x16xf32, #tpu.memory_space<vmem_shared>>
      %dma_wait3A_19 = arith.constant 0 : i32
      %dma_wait3A_20 = tpu.memref_slice %arg4[%mul3A_2, %dma_wait3A_19] : memref<10112x16xf32, #tpu.memory_space<hbm>> -> memref<632x16xf32, #tpu.memory_space<hbm>>
      tpu.wait_dma2 semaphore(%run_scoped3A : memref<!tpu.dma_semaphore, #tpu.memory_space<semaphore_mem>>) src(%dma_wait3A_20 : memref<632x16xf32, #tpu.memory_space<hbm>>) dst(%dma_wait3A_18 : memref<632x16xf32, #tpu.memory_space<vmem_shared>>)
      tpu.yield
    }) : () -> ()
    "tpu.region"() ({
      %run_scoped3A = tpu.sem_alloc : memref<!tpu.dma_semaphore, #tpu.memory_space<semaphore_mem>>
      %dma_start3A = arith.constant 0 : i32
      %dma_start3A_15 = arith.constant 0 : i32
      %dma_start3A_16 = tpu.memref_slice %arg2[%add3A, %dma_start3A, %dma_start3A_15] : memref<32x80x125xi32, #tpu.memory_space<hbm>> -> memref<1x80x125xi32, #tpu.memory_space<hbm>>
      %dma_start3A_17 = tpu.memref_squeeze %dma_start3A_16 : memref<1x80x125xi32, #tpu.memory_space<hbm>> -> memref<80x125xi32, #tpu.memory_space<hbm>>
      %dma_start3A_18 = arith.constant 0 : i32
      %dma_start3A_19 = arith.constant 0 : i32
      %dma_start3A_20 = tpu.memref_slice %arg2[%add3A, %dma_start3A_18, %dma_start3A_19] : memref<32x80x125xi32, #tpu.memory_space<hbm>> -> memref<1x80x125xi32, #tpu.memory_space<hbm>>
      %dma_start3A_21 = tpu.memref_squeeze %dma_start3A_20 : memref<1x80x125xi32, #tpu.memory_space<hbm>> -> memref<80x125xi32, #tpu.memory_space<hbm>>
      tpu.enqueue_dma source(%dma_start3A_21 : memref<80x125xi32, #tpu.memory_space<hbm>>) target(%arg6 : memref<80x125xi32, #tpu.memory_space<vmem>>) target_semaphore(%run_scoped3A : memref<!tpu.dma_semaphore, #tpu.memory_space<semaphore_mem>>)
      %dma_wait3A = arith.constant 0 : i32
      %dma_wait3A_22 = arith.constant 0 : i32
      %dma_wait3A_23 = tpu.memref_slice %arg2[%add3A, %dma_wait3A, %dma_wait3A_22] : memref<32x80x125xi32, #tpu.memory_space<hbm>> -> memref<1x80x125xi32, #tpu.memory_space<hbm>>
      %dma_wait3A_24 = tpu.memref_squeeze %dma_wait3A_23 : memref<1x80x125xi32, #tpu.memory_space<hbm>> -> memref<80x125xi32, #tpu.memory_space<hbm>>
      %dma_wait3A_25 = arith.constant 0 : i32
      %dma_wait3A_26 = arith.constant 0 : i32
      %dma_wait3A_27 = tpu.memref_slice %arg2[%add3A, %dma_wait3A_25, %dma_wait3A_26] : memref<32x80x125xi32, #tpu.memory_space<hbm>> -> memref<1x80x125xi32, #tpu.memory_space<hbm>>
      %dma_wait3A_28 = tpu.memref_squeeze %dma_wait3A_27 : memref<1x80x125xi32, #tpu.memory_space<hbm>> -> memref<80x125xi32, #tpu.memory_space<hbm>>
      tpu.wait_dma2 semaphore(%run_scoped3A : memref<!tpu.dma_semaphore, #tpu.memory_space<semaphore_mem>>) src(%dma_wait3A_28 : memref<80x125xi32, #tpu.memory_space<hbm>>) dst(%arg6 : memref<80x125xi32, #tpu.memory_space<vmem>>)
      tpu.yield
    }) : () -> ()
    "tpu.region"() ({
      %run_scoped3A = tpu.sem_alloc : memref<!tpu.dma_semaphore, #tpu.memory_space<semaphore_mem>>
      tpu.enqueue_dma source(%arg3 : memref<125x16xf32, #tpu.memory_space<hbm>>) target(%arg7 : memref<125x16xf32, #tpu.memory_space<vmem>>) target_semaphore(%run_scoped3A : memref<!tpu.dma_semaphore, #tpu.memory_space<semaphore_mem>>)
      tpu.wait_dma2 semaphore(%run_scoped3A : memref<!tpu.dma_semaphore, #tpu.memory_space<semaphore_mem>>) src(%arg3 : memref<125x16xf32, #tpu.memory_space<hbm>>) dst(%arg7 : memref<125x16xf32, #tpu.memory_space<vmem>>)
      tpu.yield
    }) : () -> ()
    %barrier3A = arith.constant 0 : index
    tpu.barrier barrier_id(%barrier3A)
    %scan3A = arith.constant 0 : i32
    %scan3A_5 = arith.constant 0 : i32
    %scan3A_6 = arith.constant 80 : i32
    %scan3A_7 = arith.addi %scan3A_5, %scan3A_6 : i32
    %scan3A_8 = arith.constant 1 : i32
    scf.for %scan3A_15 = %scan3A_5 to %scan3A_7 step %scan3A_8  : i32 {
      "tpu.region"() ({
        %run_scoped3A = tpu.sem_alloc : memref<!tpu.dma_semaphore, #tpu.memory_space<semaphore_mem>>
        %dma_start3A = arith.constant 0 : i32
        %dma_start3A_16 = tpu.memref_slice %arg6[%scan3A_15, %dma_start3A] : memref<80x125xi32, #tpu.memory_space<vmem>> -> memref<1x125xi32, #tpu.memory_space<vmem>>
        %dma_start3A_17 = tpu.memref_squeeze %dma_start3A_16 : memref<1x125xi32, #tpu.memory_space<vmem>> -> memref<125xi32, #tpu.memory_space<vmem>>
        %dma_start3A_18 = arith.constant 0 : i32
        %dma_start3A_19 = arith.constant 0 : i32
        %dma_start3A_20 = tpu.memref_slice %arg8[%dma_start3A_18, %dma_start3A_19] : memref<10112x16xf32, #tpu.memory_space<vmem_shared>> -> memref<10112x16xf32, #tpu.memory_space<vmem_shared>>
        tpu.enqueue_indirect_dma source(%arg7 : memref<125x16xf32, #tpu.memory_space<vmem>>) target(%dma_start3A_20 : memref<10112x16xf32, #tpu.memory_space<vmem_shared>>) offsets(%dma_start3A_17 : memref<125xi32, #tpu.memory_space<vmem>>) semaphore(%run_scoped3A : memref<!tpu.dma_semaphore, #tpu.memory_space<semaphore_mem>>) {add = true}
        %dma_wait3A = arith.constant 0 : i32
        %dma_wait3A_21 = tpu.memref_slice %arg6[%scan3A_15, %dma_wait3A] : memref<80x125xi32, #tpu.memory_space<vmem>> -> memref<1x125xi32, #tpu.memory_space<vmem>>
        %dma_wait3A_22 = tpu.memref_squeeze %dma_wait3A_21 : memref<1x125xi32, #tpu.memory_space<vmem>> -> memref<125xi32, #tpu.memory_space<vmem>>
        %dma_wait3A_23 = arith.constant 0 : i32
        %dma_wait3A_24 = arith.constant 0 : i32
        %dma_wait3A_25 = tpu.memref_slice %arg8[%dma_wait3A_23, %dma_wait3A_24] : memref<10112x16xf32, #tpu.memory_space<vmem_shared>> -> memref<10112x16xf32, #tpu.memory_space<vmem_shared>>
        tpu.wait_indirect_dma semaphore(%run_scoped3A : memref<!tpu.dma_semaphore, #tpu.memory_space<semaphore_mem>>) src(%arg7 : memref<125x16xf32, #tpu.memory_space<vmem>>) dst(%dma_wait3A_25 : memref<10112x16xf32, #tpu.memory_space<vmem_shared>>)
        tpu.yield
      }) : () -> ()
    }
    %scan3A_9 = arith.constant 80 : i32
    %barrier3A_10 = arith.constant 0 : index
    tpu.barrier barrier_id(%barrier3A_10)
    %mul3A_11 = arith.constant 632 : i32
    %mul3A_12 = arith.muli %arg1, %mul3A_11 : i32
    %mul3A_13 = arith.constant 632 : i32
    %mul3A_14 = arith.muli %arg1, %mul3A_13 : i32
    "tpu.region"() ({
      %run_scoped3A = tpu.sem_alloc : memref<!tpu.dma_semaphore, #tpu.memory_space<semaphore_mem>>
      %dma_start3A = arith.constant 0 : i32
      %dma_start3A_15 = tpu.memref_slice %arg5[%arg0, %mul3A_14, %dma_start3A] : memref<2x10112x16xf32, #tpu.memory_space<hbm>> -> memref<1x632x16xf32, #tpu.memory_space<hbm>>
      %dma_start3A_16 = tpu.memref_squeeze %dma_start3A_15 : memref<1x632x16xf32, #tpu.memory_space<hbm>> -> memref<632x16xf32, #tpu.memory_space<hbm>>
      %dma_start3A_17 = arith.constant 0 : i32
      %dma_start3A_18 = tpu.memref_slice %arg8[%mul3A_12, %dma_start3A_17] : memref<10112x16xf32, #tpu.memory_space<vmem_shared>> -> memref<632x16xf32, #tpu.memory_space<vmem_shared>>
      tpu.enqueue_dma source(%dma_start3A_18 : memref<632x16xf32, #tpu.memory_space<vmem_shared>>) target(%dma_start3A_16 : memref<632x16xf32, #tpu.memory_space<hbm>>) target_semaphore(%run_scoped3A : memref<!tpu.dma_semaphore, #tpu.memory_space<semaphore_mem>>)
      %dma_wait3A = arith.constant 0 : i32
      %dma_wait3A_19 = tpu.memref_slice %arg5[%arg0, %mul3A_14, %dma_wait3A] : memref<2x10112x16xf32, #tpu.memory_space<hbm>> -> memref<1x632x16xf32, #tpu.memory_space<hbm>>
      %dma_wait3A_20 = tpu.memref_squeeze %dma_wait3A_19 : memref<1x632x16xf32, #tpu.memory_space<hbm>> -> memref<632x16xf32, #tpu.memory_space<hbm>>
      %dma_wait3A_21 = arith.constant 0 : i32
      %dma_wait3A_22 = tpu.memref_slice %arg8[%mul3A_12, %dma_wait3A_21] : memref<10112x16xf32, #tpu.memory_space<vmem_shared>> -> memref<632x16xf32, #tpu.memory_space<vmem_shared>>
      tpu.wait_dma2 semaphore(%run_scoped3A : memref<!tpu.dma_semaphore, #tpu.memory_space<semaphore_mem>>) src(%dma_wait3A_22 : memref<632x16xf32, #tpu.memory_space<vmem_shared>>) dst(%dma_wait3A_20 : memref<632x16xf32, #tpu.memory_space<hbm>>)
      tpu.yield
    }) : () -> ()
    return
  }
}

#map = affine_map<(d0, d1) -> (0, 0)>
#map1 = affine_map<(d0, d1) -> (0, 0, 0)>
module attributes {stable_mosaic.version = 14 : i64} {
  func.func @agg_kernel(%arg0: i32, %arg1: i32, %arg2: memref<10000x128xf32, #tpu.memory_space<hbm>>, %arg3: memref<32x80x125xi32, #tpu.memory_space<hbm>>, %arg4: memref<32x80x125xi32, #tpu.memory_space<hbm>>, %arg5: memref<10112x128xf32, #tpu.memory_space<hbm>>, %arg6: memref<2x10112x128xf32, #tpu.memory_space<hbm>>, %arg7: memref<40x125xi32, #tpu.memory_space<vmem>>, %arg8: memref<40x125xi32, #tpu.memory_space<vmem>>, %arg9: memref<125x128xf32, #tpu.memory_space<vmem>>, %arg10: memref<125x128xf32, #tpu.memory_space<vmem>>, %arg11: memref<10112x128xf32, #tpu.memory_space<vmem_shared>>, %arg12: memref<!tpu.dma_semaphore, #tpu.memory_space<semaphore_mem>>, %arg13: memref<!tpu.dma_semaphore, #tpu.memory_space<semaphore_mem>>) attributes {dimension_semantics = [#tpu.dimension_semantics<core_parallel>, #tpu.dimension_semantics<subcore_parallel>], iteration_bounds = array<i64: 2, 16>, scalar_prefetch = 0 : i64, scratch_operands = 7 : i64, tpu.core_type = #tpu.core_type<sc_vector_subcore>, window_params = [{transform_indices = #map}, {transform_indices = #map1}, {transform_indices = #map1}, {transform_indices = #map}, {transform_indices = #map1}]} {
    %mul3A = arith.constant 2 : i32
    %mul3A_0 = arith.muli %arg1, %mul3A : i32
    %add3A = arith.addi %mul3A_0, %arg0 : i32
    %mul3A_1 = arith.constant 632 : i32
    %mul3A_2 = arith.muli %arg1, %mul3A_1 : i32
    %mul3A_3 = arith.constant 632 : i32
    %mul3A_4 = arith.muli %arg1, %mul3A_3 : i32
    "tpu.region"() ({
      %run_scoped3A = tpu.sem_alloc : memref<!tpu.dma_semaphore, #tpu.memory_space<semaphore_mem>>
      %dma_start3A_34 = arith.constant 0 : i32
      %dma_start3A_35 = tpu.memref_slice %arg11[%mul3A_4, %dma_start3A_34] : memref<10112x128xf32, #tpu.memory_space<vmem_shared>> -> memref<632x128xf32, #tpu.memory_space<vmem_shared>>
      %dma_start3A_36 = arith.constant 0 : i32
      %dma_start3A_37 = tpu.memref_slice %arg5[%mul3A_2, %dma_start3A_36] : memref<10112x128xf32, #tpu.memory_space<hbm>> -> memref<632x128xf32, #tpu.memory_space<hbm>>
      tpu.enqueue_dma source(%dma_start3A_37 : memref<632x128xf32, #tpu.memory_space<hbm>>) target(%dma_start3A_35 : memref<632x128xf32, #tpu.memory_space<vmem_shared>>) target_semaphore(%run_scoped3A : memref<!tpu.dma_semaphore, #tpu.memory_space<semaphore_mem>>)
      %dma_wait3A = arith.constant 0 : i32
      %dma_wait3A_38 = tpu.memref_slice %arg11[%mul3A_4, %dma_wait3A] : memref<10112x128xf32, #tpu.memory_space<vmem_shared>> -> memref<632x128xf32, #tpu.memory_space<vmem_shared>>
      %dma_wait3A_39 = arith.constant 0 : i32
      %dma_wait3A_40 = tpu.memref_slice %arg5[%mul3A_2, %dma_wait3A_39] : memref<10112x128xf32, #tpu.memory_space<hbm>> -> memref<632x128xf32, #tpu.memory_space<hbm>>
      tpu.wait_dma2 semaphore(%run_scoped3A : memref<!tpu.dma_semaphore, #tpu.memory_space<semaphore_mem>>) src(%dma_wait3A_40 : memref<632x128xf32, #tpu.memory_space<hbm>>) dst(%dma_wait3A_38 : memref<632x128xf32, #tpu.memory_space<vmem_shared>>)
      tpu.yield
    }) : () -> ()
    %barrier3A = arith.constant 0 : index
    tpu.barrier barrier_id(%barrier3A)
    "tpu.region"() ({
      %run_scoped3A = tpu.sem_alloc : memref<!tpu.dma_semaphore, #tpu.memory_space<semaphore_mem>>
      %dma_start3A_34 = arith.constant 0 : i32
      %dma_start3A_35 = arith.constant 0 : i32
      %dma_start3A_36 = tpu.memref_slice %arg3[%add3A, %dma_start3A_34, %dma_start3A_35] : memref<32x80x125xi32, #tpu.memory_space<hbm>> -> memref<1x40x125xi32, #tpu.memory_space<hbm>>
      %dma_start3A_37 = tpu.memref_squeeze %dma_start3A_36 : memref<1x40x125xi32, #tpu.memory_space<hbm>> -> memref<40x125xi32, #tpu.memory_space<hbm>>
      %dma_start3A_38 = arith.constant 0 : i32
      %dma_start3A_39 = arith.constant 0 : i32
      %dma_start3A_40 = tpu.memref_slice %arg3[%add3A, %dma_start3A_38, %dma_start3A_39] : memref<32x80x125xi32, #tpu.memory_space<hbm>> -> memref<1x40x125xi32, #tpu.memory_space<hbm>>
      %dma_start3A_41 = tpu.memref_squeeze %dma_start3A_40 : memref<1x40x125xi32, #tpu.memory_space<hbm>> -> memref<40x125xi32, #tpu.memory_space<hbm>>
      tpu.enqueue_dma source(%dma_start3A_41 : memref<40x125xi32, #tpu.memory_space<hbm>>) target(%arg7 : memref<40x125xi32, #tpu.memory_space<vmem>>) target_semaphore(%run_scoped3A : memref<!tpu.dma_semaphore, #tpu.memory_space<semaphore_mem>>)
      %dma_wait3A = arith.constant 0 : i32
      %dma_wait3A_42 = arith.constant 0 : i32
      %dma_wait3A_43 = tpu.memref_slice %arg3[%add3A, %dma_wait3A, %dma_wait3A_42] : memref<32x80x125xi32, #tpu.memory_space<hbm>> -> memref<1x40x125xi32, #tpu.memory_space<hbm>>
      %dma_wait3A_44 = tpu.memref_squeeze %dma_wait3A_43 : memref<1x40x125xi32, #tpu.memory_space<hbm>> -> memref<40x125xi32, #tpu.memory_space<hbm>>
      %dma_wait3A_45 = arith.constant 0 : i32
      %dma_wait3A_46 = arith.constant 0 : i32
      %dma_wait3A_47 = tpu.memref_slice %arg3[%add3A, %dma_wait3A_45, %dma_wait3A_46] : memref<32x80x125xi32, #tpu.memory_space<hbm>> -> memref<1x40x125xi32, #tpu.memory_space<hbm>>
      %dma_wait3A_48 = tpu.memref_squeeze %dma_wait3A_47 : memref<1x40x125xi32, #tpu.memory_space<hbm>> -> memref<40x125xi32, #tpu.memory_space<hbm>>
      tpu.wait_dma2 semaphore(%run_scoped3A : memref<!tpu.dma_semaphore, #tpu.memory_space<semaphore_mem>>) src(%dma_wait3A_48 : memref<40x125xi32, #tpu.memory_space<hbm>>) dst(%arg7 : memref<40x125xi32, #tpu.memory_space<vmem>>)
      tpu.yield
    }) : () -> ()
    "tpu.region"() ({
      %run_scoped3A = tpu.sem_alloc : memref<!tpu.dma_semaphore, #tpu.memory_space<semaphore_mem>>
      %dma_start3A_34 = arith.constant 0 : i32
      %dma_start3A_35 = arith.constant 0 : i32
      %dma_start3A_36 = tpu.memref_slice %arg4[%add3A, %dma_start3A_34, %dma_start3A_35] : memref<32x80x125xi32, #tpu.memory_space<hbm>> -> memref<1x40x125xi32, #tpu.memory_space<hbm>>
      %dma_start3A_37 = tpu.memref_squeeze %dma_start3A_36 : memref<1x40x125xi32, #tpu.memory_space<hbm>> -> memref<40x125xi32, #tpu.memory_space<hbm>>
      %dma_start3A_38 = arith.constant 0 : i32
      %dma_start3A_39 = arith.constant 0 : i32
      %dma_start3A_40 = tpu.memref_slice %arg4[%add3A, %dma_start3A_38, %dma_start3A_39] : memref<32x80x125xi32, #tpu.memory_space<hbm>> -> memref<1x40x125xi32, #tpu.memory_space<hbm>>
      %dma_start3A_41 = tpu.memref_squeeze %dma_start3A_40 : memref<1x40x125xi32, #tpu.memory_space<hbm>> -> memref<40x125xi32, #tpu.memory_space<hbm>>
      tpu.enqueue_dma source(%dma_start3A_41 : memref<40x125xi32, #tpu.memory_space<hbm>>) target(%arg8 : memref<40x125xi32, #tpu.memory_space<vmem>>) target_semaphore(%run_scoped3A : memref<!tpu.dma_semaphore, #tpu.memory_space<semaphore_mem>>)
      %dma_wait3A = arith.constant 0 : i32
      %dma_wait3A_42 = arith.constant 0 : i32
      %dma_wait3A_43 = tpu.memref_slice %arg4[%add3A, %dma_wait3A, %dma_wait3A_42] : memref<32x80x125xi32, #tpu.memory_space<hbm>> -> memref<1x40x125xi32, #tpu.memory_space<hbm>>
      %dma_wait3A_44 = tpu.memref_squeeze %dma_wait3A_43 : memref<1x40x125xi32, #tpu.memory_space<hbm>> -> memref<40x125xi32, #tpu.memory_space<hbm>>
      %dma_wait3A_45 = arith.constant 0 : i32
      %dma_wait3A_46 = arith.constant 0 : i32
      %dma_wait3A_47 = tpu.memref_slice %arg4[%add3A, %dma_wait3A_45, %dma_wait3A_46] : memref<32x80x125xi32, #tpu.memory_space<hbm>> -> memref<1x40x125xi32, #tpu.memory_space<hbm>>
      %dma_wait3A_48 = tpu.memref_squeeze %dma_wait3A_47 : memref<1x40x125xi32, #tpu.memory_space<hbm>> -> memref<40x125xi32, #tpu.memory_space<hbm>>
      tpu.wait_dma2 semaphore(%run_scoped3A : memref<!tpu.dma_semaphore, #tpu.memory_space<semaphore_mem>>) src(%dma_wait3A_48 : memref<40x125xi32, #tpu.memory_space<hbm>>) dst(%arg8 : memref<40x125xi32, #tpu.memory_space<vmem>>)
      tpu.yield
    }) : () -> ()
    %dma_start3A = arith.constant 0 : i32
    %dma_start3A_5 = arith.constant 0 : i32
    %dma_start3A_6 = tpu.memref_slice %arg7[%dma_start3A, %dma_start3A_5] : memref<40x125xi32, #tpu.memory_space<vmem>> -> memref<1x125xi32, #tpu.memory_space<vmem>>
    %dma_start3A_7 = tpu.memref_squeeze %dma_start3A_6 : memref<1x125xi32, #tpu.memory_space<vmem>> -> memref<125xi32, #tpu.memory_space<vmem>>
    %dma_start3A_8 = arith.constant 0 : i32
    %dma_start3A_9 = arith.constant 0 : i32
    %dma_start3A_10 = tpu.memref_slice %arg2[%dma_start3A_8, %dma_start3A_9] : memref<10000x128xf32, #tpu.memory_space<hbm>> -> memref<10000x128xf32, #tpu.memory_space<hbm>>
    tpu.enqueue_indirect_dma source(%dma_start3A_10 : memref<10000x128xf32, #tpu.memory_space<hbm>>) target(%arg9 : memref<125x128xf32, #tpu.memory_space<vmem>>) offsets(%dma_start3A_7 : memref<125xi32, #tpu.memory_space<vmem>>) semaphore(%arg12 : memref<!tpu.dma_semaphore, #tpu.memory_space<semaphore_mem>>)
    %scan3A = arith.constant 0 : i32
    %scan3A_11 = arith.constant 0 : i32
    %scan3A_12 = arith.constant 20 : i32
    %scan3A_13 = arith.addi %scan3A_11, %scan3A_12 : i32
    %scan3A_14 = arith.constant 1 : i32
    scf.for %scan3A_34 = %scan3A_11 to %scan3A_13 step %scan3A_14  : i32 {
      %mul3A_35 = arith.constant 2 : i32
      %mul3A_36 = arith.muli %mul3A_35, %scan3A_34 : i32
      %add3A_37 = arith.constant 1 : i32
      %add3A_38 = arith.addi %mul3A_36, %add3A_37 : i32
      %dma_start3A_39 = arith.constant 0 : i32
      %dma_start3A_40 = tpu.memref_slice %arg7[%add3A_38, %dma_start3A_39] : memref<40x125xi32, #tpu.memory_space<vmem>> -> memref<1x125xi32, #tpu.memory_space<vmem>>
      %dma_start3A_41 = tpu.memref_squeeze %dma_start3A_40 : memref<1x125xi32, #tpu.memory_space<vmem>> -> memref<125xi32, #tpu.memory_space<vmem>>
      %dma_start3A_42 = arith.constant 0 : i32
      %dma_start3A_43 = arith.constant 0 : i32
      %dma_start3A_44 = tpu.memref_slice %arg2[%dma_start3A_42, %dma_start3A_43] : memref<10000x128xf32, #tpu.memory_space<hbm>> -> memref<10000x128xf32, #tpu.memory_space<hbm>>
      tpu.enqueue_indirect_dma source(%dma_start3A_44 : memref<10000x128xf32, #tpu.memory_space<hbm>>) target(%arg10 : memref<125x128xf32, #tpu.memory_space<vmem>>) offsets(%dma_start3A_41 : memref<125xi32, #tpu.memory_space<vmem>>) semaphore(%arg13 : memref<!tpu.dma_semaphore, #tpu.memory_space<semaphore_mem>>)
      %dma_wait3A = arith.constant 0 : i32
      %dma_wait3A_45 = tpu.memref_slice %arg7[%mul3A_36, %dma_wait3A] : memref<40x125xi32, #tpu.memory_space<vmem>> -> memref<1x125xi32, #tpu.memory_space<vmem>>
      %dma_wait3A_46 = tpu.memref_squeeze %dma_wait3A_45 : memref<1x125xi32, #tpu.memory_space<vmem>> -> memref<125xi32, #tpu.memory_space<vmem>>
      %dma_wait3A_47 = arith.constant 0 : i32
      %dma_wait3A_48 = arith.constant 0 : i32
      %dma_wait3A_49 = tpu.memref_slice %arg2[%dma_wait3A_47, %dma_wait3A_48] : memref<10000x128xf32, #tpu.memory_space<hbm>> -> memref<10000x128xf32, #tpu.memory_space<hbm>>
      tpu.wait_indirect_dma semaphore(%arg12 : memref<!tpu.dma_semaphore, #tpu.memory_space<semaphore_mem>>) src(%dma_wait3A_49 : memref<10000x128xf32, #tpu.memory_space<hbm>>) dst(%arg9 : memref<125x128xf32, #tpu.memory_space<vmem>>)
      "tpu.region"() ({
        %run_scoped3A = tpu.sem_alloc : memref<!tpu.dma_semaphore, #tpu.memory_space<semaphore_mem>>
        %dma_start3A_62 = arith.constant 0 : i32
        %dma_start3A_63 = tpu.memref_slice %arg8[%mul3A_36, %dma_start3A_62] : memref<40x125xi32, #tpu.memory_space<vmem>> -> memref<1x125xi32, #tpu.memory_space<vmem>>
        %dma_start3A_64 = tpu.memref_squeeze %dma_start3A_63 : memref<1x125xi32, #tpu.memory_space<vmem>> -> memref<125xi32, #tpu.memory_space<vmem>>
        %dma_start3A_65 = arith.constant 0 : i32
        %dma_start3A_66 = arith.constant 0 : i32
        %dma_start3A_67 = tpu.memref_slice %arg11[%dma_start3A_65, %dma_start3A_66] : memref<10112x128xf32, #tpu.memory_space<vmem_shared>> -> memref<10112x128xf32, #tpu.memory_space<vmem_shared>>
        tpu.enqueue_indirect_dma source(%arg9 : memref<125x128xf32, #tpu.memory_space<vmem>>) target(%dma_start3A_67 : memref<10112x128xf32, #tpu.memory_space<vmem_shared>>) offsets(%dma_start3A_64 : memref<125xi32, #tpu.memory_space<vmem>>) semaphore(%run_scoped3A : memref<!tpu.dma_semaphore, #tpu.memory_space<semaphore_mem>>) {add = true}
        %dma_wait3A_68 = arith.constant 0 : i32
        %dma_wait3A_69 = tpu.memref_slice %arg8[%mul3A_36, %dma_wait3A_68] : memref<40x125xi32, #tpu.memory_space<vmem>> -> memref<1x125xi32, #tpu.memory_space<vmem>>
        %dma_wait3A_70 = tpu.memref_squeeze %dma_wait3A_69 : memref<1x125xi32, #tpu.memory_space<vmem>> -> memref<125xi32, #tpu.memory_space<vmem>>
        %dma_wait3A_71 = arith.constant 0 : i32
        %dma_wait3A_72 = arith.constant 0 : i32
        %dma_wait3A_73 = tpu.memref_slice %arg11[%dma_wait3A_71, %dma_wait3A_72] : memref<10112x128xf32, #tpu.memory_space<vmem_shared>> -> memref<10112x128xf32, #tpu.memory_space<vmem_shared>>
        tpu.wait_indirect_dma semaphore(%run_scoped3A : memref<!tpu.dma_semaphore, #tpu.memory_space<semaphore_mem>>) src(%arg9 : memref<125x128xf32, #tpu.memory_space<vmem>>) dst(%dma_wait3A_73 : memref<10112x128xf32, #tpu.memory_space<vmem_shared>>)
        tpu.yield
      }) : () -> ()
      %lt3A = arith.constant 19 : i32
      %lt3A_50 = arith.cmpi slt, %scan3A_34, %lt3A : i32
      %convert_element_type3A = arith.extui %lt3A_50 : i1 to i32
      %cond3A = arith.constant 0 : i32
      %cond3A_51 = arith.cmpi ne, %convert_element_type3A, %cond3A : i32
      scf.if %cond3A_51 {
        %add3A_62 = arith.constant 2 : i32
        %add3A_63 = arith.addi %mul3A_36, %add3A_62 : i32
        %dma_start3A_64 = arith.constant 0 : i32
        %dma_start3A_65 = tpu.memref_slice %arg7[%add3A_63, %dma_start3A_64] : memref<40x125xi32, #tpu.memory_space<vmem>> -> memref<1x125xi32, #tpu.memory_space<vmem>>
        %dma_start3A_66 = tpu.memref_squeeze %dma_start3A_65 : memref<1x125xi32, #tpu.memory_space<vmem>> -> memref<125xi32, #tpu.memory_space<vmem>>
        %dma_start3A_67 = arith.constant 0 : i32
        %dma_start3A_68 = arith.constant 0 : i32
        %dma_start3A_69 = tpu.memref_slice %arg2[%dma_start3A_67, %dma_start3A_68] : memref<10000x128xf32, #tpu.memory_space<hbm>> -> memref<10000x128xf32, #tpu.memory_space<hbm>>
        tpu.enqueue_indirect_dma source(%dma_start3A_69 : memref<10000x128xf32, #tpu.memory_space<hbm>>) target(%arg9 : memref<125x128xf32, #tpu.memory_space<vmem>>) offsets(%dma_start3A_66 : memref<125xi32, #tpu.memory_space<vmem>>) semaphore(%arg12 : memref<!tpu.dma_semaphore, #tpu.memory_space<semaphore_mem>>)
      } else {
      }
      %add3A_52 = arith.constant 1 : i32
      %add3A_53 = arith.addi %mul3A_36, %add3A_52 : i32
      %dma_wait3A_54 = arith.constant 0 : i32
      %dma_wait3A_55 = tpu.memref_slice %arg7[%add3A_53, %dma_wait3A_54] : memref<40x125xi32, #tpu.memory_space<vmem>> -> memref<1x125xi32, #tpu.memory_space<vmem>>
      %dma_wait3A_56 = tpu.memref_squeeze %dma_wait3A_55 : memref<1x125xi32, #tpu.memory_space<vmem>> -> memref<125xi32, #tpu.memory_space<vmem>>
      %dma_wait3A_57 = arith.constant 0 : i32
      %dma_wait3A_58 = arith.constant 0 : i32
      %dma_wait3A_59 = tpu.memref_slice %arg2[%dma_wait3A_57, %dma_wait3A_58] : memref<10000x128xf32, #tpu.memory_space<hbm>> -> memref<10000x128xf32, #tpu.memory_space<hbm>>
      tpu.wait_indirect_dma semaphore(%arg13 : memref<!tpu.dma_semaphore, #tpu.memory_space<semaphore_mem>>) src(%dma_wait3A_59 : memref<10000x128xf32, #tpu.memory_space<hbm>>) dst(%arg10 : memref<125x128xf32, #tpu.memory_space<vmem>>)
      %add3A_60 = arith.constant 1 : i32
      %add3A_61 = arith.addi %mul3A_36, %add3A_60 : i32
      "tpu.region"() ({
        %run_scoped3A = tpu.sem_alloc : memref<!tpu.dma_semaphore, #tpu.memory_space<semaphore_mem>>
        %dma_start3A_62 = arith.constant 0 : i32
        %dma_start3A_63 = tpu.memref_slice %arg8[%add3A_61, %dma_start3A_62] : memref<40x125xi32, #tpu.memory_space<vmem>> -> memref<1x125xi32, #tpu.memory_space<vmem>>
        %dma_start3A_64 = tpu.memref_squeeze %dma_start3A_63 : memref<1x125xi32, #tpu.memory_space<vmem>> -> memref<125xi32, #tpu.memory_space<vmem>>
        %dma_start3A_65 = arith.constant 0 : i32
        %dma_start3A_66 = arith.constant 0 : i32
        %dma_start3A_67 = tpu.memref_slice %arg11[%dma_start3A_65, %dma_start3A_66] : memref<10112x128xf32, #tpu.memory_space<vmem_shared>> -> memref<10112x128xf32, #tpu.memory_space<vmem_shared>>
        tpu.enqueue_indirect_dma source(%arg10 : memref<125x128xf32, #tpu.memory_space<vmem>>) target(%dma_start3A_67 : memref<10112x128xf32, #tpu.memory_space<vmem_shared>>) offsets(%dma_start3A_64 : memref<125xi32, #tpu.memory_space<vmem>>) semaphore(%run_scoped3A : memref<!tpu.dma_semaphore, #tpu.memory_space<semaphore_mem>>) {add = true}
        %dma_wait3A_68 = arith.constant 0 : i32
        %dma_wait3A_69 = tpu.memref_slice %arg8[%add3A_61, %dma_wait3A_68] : memref<40x125xi32, #tpu.memory_space<vmem>> -> memref<1x125xi32, #tpu.memory_space<vmem>>
        %dma_wait3A_70 = tpu.memref_squeeze %dma_wait3A_69 : memref<1x125xi32, #tpu.memory_space<vmem>> -> memref<125xi32, #tpu.memory_space<vmem>>
        %dma_wait3A_71 = arith.constant 0 : i32
        %dma_wait3A_72 = arith.constant 0 : i32
        %dma_wait3A_73 = tpu.memref_slice %arg11[%dma_wait3A_71, %dma_wait3A_72] : memref<10112x128xf32, #tpu.memory_space<vmem_shared>> -> memref<10112x128xf32, #tpu.memory_space<vmem_shared>>
        tpu.wait_indirect_dma semaphore(%run_scoped3A : memref<!tpu.dma_semaphore, #tpu.memory_space<semaphore_mem>>) src(%arg10 : memref<125x128xf32, #tpu.memory_space<vmem>>) dst(%dma_wait3A_73 : memref<10112x128xf32, #tpu.memory_space<vmem_shared>>)
        tpu.yield
      }) : () -> ()
    }
    %scan3A_15 = arith.constant 20 : i32
    "tpu.region"() ({
      %run_scoped3A = tpu.sem_alloc : memref<!tpu.dma_semaphore, #tpu.memory_space<semaphore_mem>>
      %dma_start3A_34 = arith.constant 40 : i32
      %dma_start3A_35 = arith.constant 0 : i32
      %dma_start3A_36 = tpu.memref_slice %arg3[%add3A, %dma_start3A_34, %dma_start3A_35] : memref<32x80x125xi32, #tpu.memory_space<hbm>> -> memref<1x40x125xi32, #tpu.memory_space<hbm>>
      %dma_start3A_37 = tpu.memref_squeeze %dma_start3A_36 : memref<1x40x125xi32, #tpu.memory_space<hbm>> -> memref<40x125xi32, #tpu.memory_space<hbm>>
      %dma_start3A_38 = arith.constant 40 : i32
      %dma_start3A_39 = arith.constant 0 : i32
      %dma_start3A_40 = tpu.memref_slice %arg3[%add3A, %dma_start3A_38, %dma_start3A_39] : memref<32x80x125xi32, #tpu.memory_space<hbm>> -> memref<1x40x125xi32, #tpu.memory_space<hbm>>
      %dma_start3A_41 = tpu.memref_squeeze %dma_start3A_40 : memref<1x40x125xi32, #tpu.memory_space<hbm>> -> memref<40x125xi32, #tpu.memory_space<hbm>>
      tpu.enqueue_dma source(%dma_start3A_41 : memref<40x125xi32, #tpu.memory_space<hbm>>) target(%arg7 : memref<40x125xi32, #tpu.memory_space<vmem>>) target_semaphore(%run_scoped3A : memref<!tpu.dma_semaphore, #tpu.memory_space<semaphore_mem>>)
      %dma_wait3A = arith.constant 40 : i32
      %dma_wait3A_42 = arith.constant 0 : i32
      %dma_wait3A_43 = tpu.memref_slice %arg3[%add3A, %dma_wait3A, %dma_wait3A_42] : memref<32x80x125xi32, #tpu.memory_space<hbm>> -> memref<1x40x125xi32, #tpu.memory_space<hbm>>
      %dma_wait3A_44 = tpu.memref_squeeze %dma_wait3A_43 : memref<1x40x125xi32, #tpu.memory_space<hbm>> -> memref<40x125xi32, #tpu.memory_space<hbm>>
      %dma_wait3A_45 = arith.constant 40 : i32
      %dma_wait3A_46 = arith.constant 0 : i32
      %dma_wait3A_47 = tpu.memref_slice %arg3[%add3A, %dma_wait3A_45, %dma_wait3A_46] : memref<32x80x125xi32, #tpu.memory_space<hbm>> -> memref<1x40x125xi32, #tpu.memory_space<hbm>>
      %dma_wait3A_48 = tpu.memref_squeeze %dma_wait3A_47 : memref<1x40x125xi32, #tpu.memory_space<hbm>> -> memref<40x125xi32, #tpu.memory_space<hbm>>
      tpu.wait_dma2 semaphore(%run_scoped3A : memref<!tpu.dma_semaphore, #tpu.memory_space<semaphore_mem>>) src(%dma_wait3A_48 : memref<40x125xi32, #tpu.memory_space<hbm>>) dst(%arg7 : memref<40x125xi32, #tpu.memory_space<vmem>>)
      tpu.yield
    }) : () -> ()
    "tpu.region"() ({
      %run_scoped3A = tpu.sem_alloc : memref<!tpu.dma_semaphore, #tpu.memory_space<semaphore_mem>>
      %dma_start3A_34 = arith.constant 40 : i32
      %dma_start3A_35 = arith.constant 0 : i32
      %dma_start3A_36 = tpu.memref_slice %arg4[%add3A, %dma_start3A_34, %dma_start3A_35] : memref<32x80x125xi32, #tpu.memory_space<hbm>> -> memref<1x40x125xi32, #tpu.memory_space<hbm>>
      %dma_start3A_37 = tpu.memref_squeeze %dma_start3A_36 : memref<1x40x125xi32, #tpu.memory_space<hbm>> -> memref<40x125xi32, #tpu.memory_space<hbm>>
      %dma_start3A_38 = arith.constant 40 : i32
      %dma_start3A_39 = arith.constant 0 : i32
      %dma_start3A_40 = tpu.memref_slice %arg4[%add3A, %dma_start3A_38, %dma_start3A_39] : memref<32x80x125xi32, #tpu.memory_space<hbm>> -> memref<1x40x125xi32, #tpu.memory_space<hbm>>
      %dma_start3A_41 = tpu.memref_squeeze %dma_start3A_40 : memref<1x40x125xi32, #tpu.memory_space<hbm>> -> memref<40x125xi32, #tpu.memory_space<hbm>>
      tpu.enqueue_dma source(%dma_start3A_41 : memref<40x125xi32, #tpu.memory_space<hbm>>) target(%arg8 : memref<40x125xi32, #tpu.memory_space<vmem>>) target_semaphore(%run_scoped3A : memref<!tpu.dma_semaphore, #tpu.memory_space<semaphore_mem>>)
      %dma_wait3A = arith.constant 40 : i32
      %dma_wait3A_42 = arith.constant 0 : i32
      %dma_wait3A_43 = tpu.memref_slice %arg4[%add3A, %dma_wait3A, %dma_wait3A_42] : memref<32x80x125xi32, #tpu.memory_space<hbm>> -> memref<1x40x125xi32, #tpu.memory_space<hbm>>
      %dma_wait3A_44 = tpu.memref_squeeze %dma_wait3A_43 : memref<1x40x125xi32, #tpu.memory_space<hbm>> -> memref<40x125xi32, #tpu.memory_space<hbm>>
      %dma_wait3A_45 = arith.constant 40 : i32
      %dma_wait3A_46 = arith.constant 0 : i32
      %dma_wait3A_47 = tpu.memref_slice %arg4[%add3A, %dma_wait3A_45, %dma_wait3A_46] : memref<32x80x125xi32, #tpu.memory_space<hbm>> -> memref<1x40x125xi32, #tpu.memory_space<hbm>>
      %dma_wait3A_48 = tpu.memref_squeeze %dma_wait3A_47 : memref<1x40x125xi32, #tpu.memory_space<hbm>> -> memref<40x125xi32, #tpu.memory_space<hbm>>
      tpu.wait_dma2 semaphore(%run_scoped3A : memref<!tpu.dma_semaphore, #tpu.memory_space<semaphore_mem>>) src(%dma_wait3A_48 : memref<40x125xi32, #tpu.memory_space<hbm>>) dst(%arg8 : memref<40x125xi32, #tpu.memory_space<vmem>>)
      tpu.yield
    }) : () -> ()
    %dma_start3A_16 = arith.constant 0 : i32
    %dma_start3A_17 = arith.constant 0 : i32
    %dma_start3A_18 = tpu.memref_slice %arg7[%dma_start3A_16, %dma_start3A_17] : memref<40x125xi32, #tpu.memory_space<vmem>> -> memref<1x125xi32, #tpu.memory_space<vmem>>
    %dma_start3A_19 = tpu.memref_squeeze %dma_start3A_18 : memref<1x125xi32, #tpu.memory_space<vmem>> -> memref<125xi32, #tpu.memory_space<vmem>>
    %dma_start3A_20 = arith.constant 0 : i32
    %dma_start3A_21 = arith.constant 0 : i32
    %dma_start3A_22 = tpu.memref_slice %arg2[%dma_start3A_20, %dma_start3A_21] : memref<10000x128xf32, #tpu.memory_space<hbm>> -> memref<10000x128xf32, #tpu.memory_space<hbm>>
    tpu.enqueue_indirect_dma source(%dma_start3A_22 : memref<10000x128xf32, #tpu.memory_space<hbm>>) target(%arg9 : memref<125x128xf32, #tpu.memory_space<vmem>>) offsets(%dma_start3A_19 : memref<125xi32, #tpu.memory_space<vmem>>) semaphore(%arg12 : memref<!tpu.dma_semaphore, #tpu.memory_space<semaphore_mem>>)
    %scan3A_23 = arith.constant 0 : i32
    %scan3A_24 = arith.constant 0 : i32
    %scan3A_25 = arith.constant 20 : i32
    %scan3A_26 = arith.addi %scan3A_24, %scan3A_25 : i32
    %scan3A_27 = arith.constant 1 : i32
    scf.for %scan3A_34 = %scan3A_24 to %scan3A_26 step %scan3A_27  : i32 {
      %mul3A_35 = arith.constant 2 : i32
      %mul3A_36 = arith.muli %mul3A_35, %scan3A_34 : i32
      %add3A_37 = arith.constant 1 : i32
      %add3A_38 = arith.addi %mul3A_36, %add3A_37 : i32
      %dma_start3A_39 = arith.constant 0 : i32
      %dma_start3A_40 = tpu.memref_slice %arg7[%add3A_38, %dma_start3A_39] : memref<40x125xi32, #tpu.memory_space<vmem>> -> memref<1x125xi32, #tpu.memory_space<vmem>>
      %dma_start3A_41 = tpu.memref_squeeze %dma_start3A_40 : memref<1x125xi32, #tpu.memory_space<vmem>> -> memref<125xi32, #tpu.memory_space<vmem>>
      %dma_start3A_42 = arith.constant 0 : i32
      %dma_start3A_43 = arith.constant 0 : i32
      %dma_start3A_44 = tpu.memref_slice %arg2[%dma_start3A_42, %dma_start3A_43] : memref<10000x128xf32, #tpu.memory_space<hbm>> -> memref<10000x128xf32, #tpu.memory_space<hbm>>
      tpu.enqueue_indirect_dma source(%dma_start3A_44 : memref<10000x128xf32, #tpu.memory_space<hbm>>) target(%arg10 : memref<125x128xf32, #tpu.memory_space<vmem>>) offsets(%dma_start3A_41 : memref<125xi32, #tpu.memory_space<vmem>>) semaphore(%arg13 : memref<!tpu.dma_semaphore, #tpu.memory_space<semaphore_mem>>)
      %dma_wait3A = arith.constant 0 : i32
      %dma_wait3A_45 = tpu.memref_slice %arg7[%mul3A_36, %dma_wait3A] : memref<40x125xi32, #tpu.memory_space<vmem>> -> memref<1x125xi32, #tpu.memory_space<vmem>>
      %dma_wait3A_46 = tpu.memref_squeeze %dma_wait3A_45 : memref<1x125xi32, #tpu.memory_space<vmem>> -> memref<125xi32, #tpu.memory_space<vmem>>
      %dma_wait3A_47 = arith.constant 0 : i32
      %dma_wait3A_48 = arith.constant 0 : i32
      %dma_wait3A_49 = tpu.memref_slice %arg2[%dma_wait3A_47, %dma_wait3A_48] : memref<10000x128xf32, #tpu.memory_space<hbm>> -> memref<10000x128xf32, #tpu.memory_space<hbm>>
      tpu.wait_indirect_dma semaphore(%arg12 : memref<!tpu.dma_semaphore, #tpu.memory_space<semaphore_mem>>) src(%dma_wait3A_49 : memref<10000x128xf32, #tpu.memory_space<hbm>>) dst(%arg9 : memref<125x128xf32, #tpu.memory_space<vmem>>)
      "tpu.region"() ({
        %run_scoped3A = tpu.sem_alloc : memref<!tpu.dma_semaphore, #tpu.memory_space<semaphore_mem>>
        %dma_start3A_62 = arith.constant 0 : i32
        %dma_start3A_63 = tpu.memref_slice %arg8[%mul3A_36, %dma_start3A_62] : memref<40x125xi32, #tpu.memory_space<vmem>> -> memref<1x125xi32, #tpu.memory_space<vmem>>
        %dma_start3A_64 = tpu.memref_squeeze %dma_start3A_63 : memref<1x125xi32, #tpu.memory_space<vmem>> -> memref<125xi32, #tpu.memory_space<vmem>>
        %dma_start3A_65 = arith.constant 0 : i32
        %dma_start3A_66 = arith.constant 0 : i32
        %dma_start3A_67 = tpu.memref_slice %arg11[%dma_start3A_65, %dma_start3A_66] : memref<10112x128xf32, #tpu.memory_space<vmem_shared>> -> memref<10112x128xf32, #tpu.memory_space<vmem_shared>>
        tpu.enqueue_indirect_dma source(%arg9 : memref<125x128xf32, #tpu.memory_space<vmem>>) target(%dma_start3A_67 : memref<10112x128xf32, #tpu.memory_space<vmem_shared>>) offsets(%dma_start3A_64 : memref<125xi32, #tpu.memory_space<vmem>>) semaphore(%run_scoped3A : memref<!tpu.dma_semaphore, #tpu.memory_space<semaphore_mem>>) {add = true}
        %dma_wait3A_68 = arith.constant 0 : i32
        %dma_wait3A_69 = tpu.memref_slice %arg8[%mul3A_36, %dma_wait3A_68] : memref<40x125xi32, #tpu.memory_space<vmem>> -> memref<1x125xi32, #tpu.memory_space<vmem>>
        %dma_wait3A_70 = tpu.memref_squeeze %dma_wait3A_69 : memref<1x125xi32, #tpu.memory_space<vmem>> -> memref<125xi32, #tpu.memory_space<vmem>>
        %dma_wait3A_71 = arith.constant 0 : i32
        %dma_wait3A_72 = arith.constant 0 : i32
        %dma_wait3A_73 = tpu.memref_slice %arg11[%dma_wait3A_71, %dma_wait3A_72] : memref<10112x128xf32, #tpu.memory_space<vmem_shared>> -> memref<10112x128xf32, #tpu.memory_space<vmem_shared>>
        tpu.wait_indirect_dma semaphore(%run_scoped3A : memref<!tpu.dma_semaphore, #tpu.memory_space<semaphore_mem>>) src(%arg9 : memref<125x128xf32, #tpu.memory_space<vmem>>) dst(%dma_wait3A_73 : memref<10112x128xf32, #tpu.memory_space<vmem_shared>>)
        tpu.yield
      }) : () -> ()
      %lt3A = arith.constant 19 : i32
      %lt3A_50 = arith.cmpi slt, %scan3A_34, %lt3A : i32
      %convert_element_type3A = arith.extui %lt3A_50 : i1 to i32
      %cond3A = arith.constant 0 : i32
      %cond3A_51 = arith.cmpi ne, %convert_element_type3A, %cond3A : i32
      scf.if %cond3A_51 {
        %add3A_62 = arith.constant 2 : i32
        %add3A_63 = arith.addi %mul3A_36, %add3A_62 : i32
        %dma_start3A_64 = arith.constant 0 : i32
        %dma_start3A_65 = tpu.memref_slice %arg7[%add3A_63, %dma_start3A_64] : memref<40x125xi32, #tpu.memory_space<vmem>> -> memref<1x125xi32, #tpu.memory_space<vmem>>
        %dma_start3A_66 = tpu.memref_squeeze %dma_start3A_65 : memref<1x125xi32, #tpu.memory_space<vmem>> -> memref<125xi32, #tpu.memory_space<vmem>>
        %dma_start3A_67 = arith.constant 0 : i32
        %dma_start3A_68 = arith.constant 0 : i32
        %dma_start3A_69 = tpu.memref_slice %arg2[%dma_start3A_67, %dma_start3A_68] : memref<10000x128xf32, #tpu.memory_space<hbm>> -> memref<10000x128xf32, #tpu.memory_space<hbm>>
        tpu.enqueue_indirect_dma source(%dma_start3A_69 : memref<10000x128xf32, #tpu.memory_space<hbm>>) target(%arg9 : memref<125x128xf32, #tpu.memory_space<vmem>>) offsets(%dma_start3A_66 : memref<125xi32, #tpu.memory_space<vmem>>) semaphore(%arg12 : memref<!tpu.dma_semaphore, #tpu.memory_space<semaphore_mem>>)
      } else {
      }
      %add3A_52 = arith.constant 1 : i32
      %add3A_53 = arith.addi %mul3A_36, %add3A_52 : i32
      %dma_wait3A_54 = arith.constant 0 : i32
      %dma_wait3A_55 = tpu.memref_slice %arg7[%add3A_53, %dma_wait3A_54] : memref<40x125xi32, #tpu.memory_space<vmem>> -> memref<1x125xi32, #tpu.memory_space<vmem>>
      %dma_wait3A_56 = tpu.memref_squeeze %dma_wait3A_55 : memref<1x125xi32, #tpu.memory_space<vmem>> -> memref<125xi32, #tpu.memory_space<vmem>>
      %dma_wait3A_57 = arith.constant 0 : i32
      %dma_wait3A_58 = arith.constant 0 : i32
      %dma_wait3A_59 = tpu.memref_slice %arg2[%dma_wait3A_57, %dma_wait3A_58] : memref<10000x128xf32, #tpu.memory_space<hbm>> -> memref<10000x128xf32, #tpu.memory_space<hbm>>
      tpu.wait_indirect_dma semaphore(%arg13 : memref<!tpu.dma_semaphore, #tpu.memory_space<semaphore_mem>>) src(%dma_wait3A_59 : memref<10000x128xf32, #tpu.memory_space<hbm>>) dst(%arg10 : memref<125x128xf32, #tpu.memory_space<vmem>>)
      %add3A_60 = arith.constant 1 : i32
      %add3A_61 = arith.addi %mul3A_36, %add3A_60 : i32
      "tpu.region"() ({
        %run_scoped3A = tpu.sem_alloc : memref<!tpu.dma_semaphore, #tpu.memory_space<semaphore_mem>>
        %dma_start3A_62 = arith.constant 0 : i32
        %dma_start3A_63 = tpu.memref_slice %arg8[%add3A_61, %dma_start3A_62] : memref<40x125xi32, #tpu.memory_space<vmem>> -> memref<1x125xi32, #tpu.memory_space<vmem>>
        %dma_start3A_64 = tpu.memref_squeeze %dma_start3A_63 : memref<1x125xi32, #tpu.memory_space<vmem>> -> memref<125xi32, #tpu.memory_space<vmem>>
        %dma_start3A_65 = arith.constant 0 : i32
        %dma_start3A_66 = arith.constant 0 : i32
        %dma_start3A_67 = tpu.memref_slice %arg11[%dma_start3A_65, %dma_start3A_66] : memref<10112x128xf32, #tpu.memory_space<vmem_shared>> -> memref<10112x128xf32, #tpu.memory_space<vmem_shared>>
        tpu.enqueue_indirect_dma source(%arg10 : memref<125x128xf32, #tpu.memory_space<vmem>>) target(%dma_start3A_67 : memref<10112x128xf32, #tpu.memory_space<vmem_shared>>) offsets(%dma_start3A_64 : memref<125xi32, #tpu.memory_space<vmem>>) semaphore(%run_scoped3A : memref<!tpu.dma_semaphore, #tpu.memory_space<semaphore_mem>>) {add = true}
        %dma_wait3A_68 = arith.constant 0 : i32
        %dma_wait3A_69 = tpu.memref_slice %arg8[%add3A_61, %dma_wait3A_68] : memref<40x125xi32, #tpu.memory_space<vmem>> -> memref<1x125xi32, #tpu.memory_space<vmem>>
        %dma_wait3A_70 = tpu.memref_squeeze %dma_wait3A_69 : memref<1x125xi32, #tpu.memory_space<vmem>> -> memref<125xi32, #tpu.memory_space<vmem>>
        %dma_wait3A_71 = arith.constant 0 : i32
        %dma_wait3A_72 = arith.constant 0 : i32
        %dma_wait3A_73 = tpu.memref_slice %arg11[%dma_wait3A_71, %dma_wait3A_72] : memref<10112x128xf32, #tpu.memory_space<vmem_shared>> -> memref<10112x128xf32, #tpu.memory_space<vmem_shared>>
        tpu.wait_indirect_dma semaphore(%run_scoped3A : memref<!tpu.dma_semaphore, #tpu.memory_space<semaphore_mem>>) src(%arg10 : memref<125x128xf32, #tpu.memory_space<vmem>>) dst(%dma_wait3A_73 : memref<10112x128xf32, #tpu.memory_space<vmem_shared>>)
        tpu.yield
      }) : () -> ()
    }
    %scan3A_28 = arith.constant 20 : i32
    %barrier3A_29 = arith.constant 0 : index
    tpu.barrier barrier_id(%barrier3A_29)
    %mul3A_30 = arith.constant 632 : i32
    %mul3A_31 = arith.muli %arg1, %mul3A_30 : i32
    %mul3A_32 = arith.constant 632 : i32
    %mul3A_33 = arith.muli %arg1, %mul3A_32 : i32
    "tpu.region"() ({
      %run_scoped3A = tpu.sem_alloc : memref<!tpu.dma_semaphore, #tpu.memory_space<semaphore_mem>>
      %dma_start3A_34 = arith.constant 0 : i32
      %dma_start3A_35 = tpu.memref_slice %arg6[%arg0, %mul3A_33, %dma_start3A_34] : memref<2x10112x128xf32, #tpu.memory_space<hbm>> -> memref<1x632x128xf32, #tpu.memory_space<hbm>>
      %dma_start3A_36 = tpu.memref_squeeze %dma_start3A_35 : memref<1x632x128xf32, #tpu.memory_space<hbm>> -> memref<632x128xf32, #tpu.memory_space<hbm>>
      %dma_start3A_37 = arith.constant 0 : i32
      %dma_start3A_38 = tpu.memref_slice %arg11[%mul3A_31, %dma_start3A_37] : memref<10112x128xf32, #tpu.memory_space<vmem_shared>> -> memref<632x128xf32, #tpu.memory_space<vmem_shared>>
      tpu.enqueue_dma source(%dma_start3A_38 : memref<632x128xf32, #tpu.memory_space<vmem_shared>>) target(%dma_start3A_36 : memref<632x128xf32, #tpu.memory_space<hbm>>) target_semaphore(%run_scoped3A : memref<!tpu.dma_semaphore, #tpu.memory_space<semaphore_mem>>)
      %dma_wait3A = arith.constant 0 : i32
      %dma_wait3A_39 = tpu.memref_slice %arg6[%arg0, %mul3A_33, %dma_wait3A] : memref<2x10112x128xf32, #tpu.memory_space<hbm>> -> memref<1x632x128xf32, #tpu.memory_space<hbm>>
      %dma_wait3A_40 = tpu.memref_squeeze %dma_wait3A_39 : memref<1x632x128xf32, #tpu.memory_space<hbm>> -> memref<632x128xf32, #tpu.memory_space<hbm>>
      %dma_wait3A_41 = arith.constant 0 : i32
      %dma_wait3A_42 = tpu.memref_slice %arg11[%mul3A_31, %dma_wait3A_41] : memref<10112x128xf32, #tpu.memory_space<vmem_shared>> -> memref<632x128xf32, #tpu.memory_space<vmem_shared>>
      tpu.wait_dma2 semaphore(%run_scoped3A : memref<!tpu.dma_semaphore, #tpu.memory_space<semaphore_mem>>) src(%dma_wait3A_42 : memref<632x128xf32, #tpu.memory_space<vmem_shared>>) dst(%dma_wait3A_40 : memref<632x128xf32, #tpu.memory_space<hbm>>)
      tpu.yield
    }) : () -> ()
    return
  }
}

#map = affine_map<(d0, d1) -> (0, 0)>
#map1 = affine_map<(d0, d1) -> (0, 0, 0)>
module attributes {stable_mosaic.version = 14 : i64} {
  func.func @agg_kernel(%arg0: i32, %arg1: i32, %arg2: memref<10000x128xf32, #tpu.memory_space<hbm>>, %arg3: memref<32x80x125xi32, #tpu.memory_space<hbm>>, %arg4: memref<32x80x125xi32, #tpu.memory_space<hbm>>, %arg5: memref<10112x128xf32, #tpu.memory_space<hbm>>, %arg6: memref<2x10112x128xf32, #tpu.memory_space<hbm>>, %arg7: memref<40x125xi32, #tpu.memory_space<vmem>>, %arg8: memref<40x125xi32, #tpu.memory_space<vmem>>, %arg9: memref<125x128xf32, #tpu.memory_space<vmem>>, %arg10: memref<125x128xf32, #tpu.memory_space<vmem>>, %arg11: memref<10112x128xf32, #tpu.memory_space<vmem_shared>>, %arg12: memref<!tpu.dma_semaphore, #tpu.memory_space<semaphore_mem>>, %arg13: memref<!tpu.dma_semaphore, #tpu.memory_space<semaphore_mem>>) attributes {dimension_semantics = [#tpu.dimension_semantics<core_parallel>, #tpu.dimension_semantics<subcore_parallel>], iteration_bounds = array<i64: 2, 16>, scalar_prefetch = 0 : i64, scratch_operands = 7 : i64, tpu.core_type = #tpu.core_type<sc_vector_subcore>, window_params = [{transform_indices = #map}, {transform_indices = #map1}, {transform_indices = #map1}, {transform_indices = #map}, {transform_indices = #map1}]} {
    %mul3A = arith.constant 2 : i32
    %mul3A_0 = arith.muli %arg1, %mul3A : i32
    %add3A = arith.addi %mul3A_0, %arg0 : i32
    %mul3A_1 = arith.constant 632 : i32
    %mul3A_2 = arith.muli %arg1, %mul3A_1 : i32
    %mul3A_3 = arith.constant 632 : i32
    %mul3A_4 = arith.muli %arg1, %mul3A_3 : i32
    "tpu.region"() ({
      %run_scoped3A = tpu.sem_alloc : memref<!tpu.dma_semaphore, #tpu.memory_space<semaphore_mem>>
      %dma_start3A_34 = arith.constant 0 : i32
      %dma_start3A_35 = tpu.memref_slice %arg11[%mul3A_4, %dma_start3A_34] : memref<10112x128xf32, #tpu.memory_space<vmem_shared>> -> memref<632x128xf32, #tpu.memory_space<vmem_shared>>
      %dma_start3A_36 = arith.constant 0 : i32
      %dma_start3A_37 = tpu.memref_slice %arg5[%mul3A_2, %dma_start3A_36] : memref<10112x128xf32, #tpu.memory_space<hbm>> -> memref<632x128xf32, #tpu.memory_space<hbm>>
      tpu.enqueue_dma source(%dma_start3A_37 : memref<632x128xf32, #tpu.memory_space<hbm>>) target(%dma_start3A_35 : memref<632x128xf32, #tpu.memory_space<vmem_shared>>) target_semaphore(%run_scoped3A : memref<!tpu.dma_semaphore, #tpu.memory_space<semaphore_mem>>)
      %dma_wait3A = arith.constant 0 : i32
      %dma_wait3A_38 = tpu.memref_slice %arg11[%mul3A_4, %dma_wait3A] : memref<10112x128xf32, #tpu.memory_space<vmem_shared>> -> memref<632x128xf32, #tpu.memory_space<vmem_shared>>
      %dma_wait3A_39 = arith.constant 0 : i32
      %dma_wait3A_40 = tpu.memref_slice %arg5[%mul3A_2, %dma_wait3A_39] : memref<10112x128xf32, #tpu.memory_space<hbm>> -> memref<632x128xf32, #tpu.memory_space<hbm>>
      tpu.wait_dma2 semaphore(%run_scoped3A : memref<!tpu.dma_semaphore, #tpu.memory_space<semaphore_mem>>) src(%dma_wait3A_40 : memref<632x128xf32, #tpu.memory_space<hbm>>) dst(%dma_wait3A_38 : memref<632x128xf32, #tpu.memory_space<vmem_shared>>)
      tpu.yield
    }) : () -> ()
    %barrier3A = arith.constant 0 : index
    tpu.barrier barrier_id(%barrier3A)
    "tpu.region"() ({
      %run_scoped3A = tpu.sem_alloc : memref<!tpu.dma_semaphore, #tpu.memory_space<semaphore_mem>>
      %dma_start3A_34 = arith.constant 0 : i32
      %dma_start3A_35 = arith.constant 0 : i32
      %dma_start3A_36 = tpu.memref_slice %arg3[%add3A, %dma_start3A_34, %dma_start3A_35] : memref<32x80x125xi32, #tpu.memory_space<hbm>> -> memref<1x40x125xi32, #tpu.memory_space<hbm>>
      %dma_start3A_37 = tpu.memref_squeeze %dma_start3A_36 : memref<1x40x125xi32, #tpu.memory_space<hbm>> -> memref<40x125xi32, #tpu.memory_space<hbm>>
      %dma_start3A_38 = arith.constant 0 : i32
      %dma_start3A_39 = arith.constant 0 : i32
      %dma_start3A_40 = tpu.memref_slice %arg3[%add3A, %dma_start3A_38, %dma_start3A_39] : memref<32x80x125xi32, #tpu.memory_space<hbm>> -> memref<1x40x125xi32, #tpu.memory_space<hbm>>
      %dma_start3A_41 = tpu.memref_squeeze %dma_start3A_40 : memref<1x40x125xi32, #tpu.memory_space<hbm>> -> memref<40x125xi32, #tpu.memory_space<hbm>>
      tpu.enqueue_dma source(%dma_start3A_41 : memref<40x125xi32, #tpu.memory_space<hbm>>) target(%arg7 : memref<40x125xi32, #tpu.memory_space<vmem>>) target_semaphore(%run_scoped3A : memref<!tpu.dma_semaphore, #tpu.memory_space<semaphore_mem>>)
      %dma_wait3A = arith.constant 0 : i32
      %dma_wait3A_42 = arith.constant 0 : i32
      %dma_wait3A_43 = tpu.memref_slice %arg3[%add3A, %dma_wait3A, %dma_wait3A_42] : memref<32x80x125xi32, #tpu.memory_space<hbm>> -> memref<1x40x125xi32, #tpu.memory_space<hbm>>
      %dma_wait3A_44 = tpu.memref_squeeze %dma_wait3A_43 : memref<1x40x125xi32, #tpu.memory_space<hbm>> -> memref<40x125xi32, #tpu.memory_space<hbm>>
      %dma_wait3A_45 = arith.constant 0 : i32
      %dma_wait3A_46 = arith.constant 0 : i32
      %dma_wait3A_47 = tpu.memref_slice %arg3[%add3A, %dma_wait3A_45, %dma_wait3A_46] : memref<32x80x125xi32, #tpu.memory_space<hbm>> -> memref<1x40x125xi32, #tpu.memory_space<hbm>>
      %dma_wait3A_48 = tpu.memref_squeeze %dma_wait3A_47 : memref<1x40x125xi32, #tpu.memory_space<hbm>> -> memref<40x125xi32, #tpu.memory_space<hbm>>
      tpu.wait_dma2 semaphore(%run_scoped3A : memref<!tpu.dma_semaphore, #tpu.memory_space<semaphore_mem>>) src(%dma_wait3A_48 : memref<40x125xi32, #tpu.memory_space<hbm>>) dst(%arg7 : memref<40x125xi32, #tpu.memory_space<vmem>>)
      tpu.yield
    }) : () -> ()
    "tpu.region"() ({
      %run_scoped3A = tpu.sem_alloc : memref<!tpu.dma_semaphore, #tpu.memory_space<semaphore_mem>>
      %dma_start3A_34 = arith.constant 0 : i32
      %dma_start3A_35 = arith.constant 0 : i32
      %dma_start3A_36 = tpu.memref_slice %arg4[%add3A, %dma_start3A_34, %dma_start3A_35] : memref<32x80x125xi32, #tpu.memory_space<hbm>> -> memref<1x40x125xi32, #tpu.memory_space<hbm>>
      %dma_start3A_37 = tpu.memref_squeeze %dma_start3A_36 : memref<1x40x125xi32, #tpu.memory_space<hbm>> -> memref<40x125xi32, #tpu.memory_space<hbm>>
      %dma_start3A_38 = arith.constant 0 : i32
      %dma_start3A_39 = arith.constant 0 : i32
      %dma_start3A_40 = tpu.memref_slice %arg4[%add3A, %dma_start3A_38, %dma_start3A_39] : memref<32x80x125xi32, #tpu.memory_space<hbm>> -> memref<1x40x125xi32, #tpu.memory_space<hbm>>
      %dma_start3A_41 = tpu.memref_squeeze %dma_start3A_40 : memref<1x40x125xi32, #tpu.memory_space<hbm>> -> memref<40x125xi32, #tpu.memory_space<hbm>>
      tpu.enqueue_dma source(%dma_start3A_41 : memref<40x125xi32, #tpu.memory_space<hbm>>) target(%arg8 : memref<40x125xi32, #tpu.memory_space<vmem>>) target_semaphore(%run_scoped3A : memref<!tpu.dma_semaphore, #tpu.memory_space<semaphore_mem>>)
      %dma_wait3A = arith.constant 0 : i32
      %dma_wait3A_42 = arith.constant 0 : i32
      %dma_wait3A_43 = tpu.memref_slice %arg4[%add3A, %dma_wait3A, %dma_wait3A_42] : memref<32x80x125xi32, #tpu.memory_space<hbm>> -> memref<1x40x125xi32, #tpu.memory_space<hbm>>
      %dma_wait3A_44 = tpu.memref_squeeze %dma_wait3A_43 : memref<1x40x125xi32, #tpu.memory_space<hbm>> -> memref<40x125xi32, #tpu.memory_space<hbm>>
      %dma_wait3A_45 = arith.constant 0 : i32
      %dma_wait3A_46 = arith.constant 0 : i32
      %dma_wait3A_47 = tpu.memref_slice %arg4[%add3A, %dma_wait3A_45, %dma_wait3A_46] : memref<32x80x125xi32, #tpu.memory_space<hbm>> -> memref<1x40x125xi32, #tpu.memory_space<hbm>>
      %dma_wait3A_48 = tpu.memref_squeeze %dma_wait3A_47 : memref<1x40x125xi32, #tpu.memory_space<hbm>> -> memref<40x125xi32, #tpu.memory_space<hbm>>
      tpu.wait_dma2 semaphore(%run_scoped3A : memref<!tpu.dma_semaphore, #tpu.memory_space<semaphore_mem>>) src(%dma_wait3A_48 : memref<40x125xi32, #tpu.memory_space<hbm>>) dst(%arg8 : memref<40x125xi32, #tpu.memory_space<vmem>>)
      tpu.yield
    }) : () -> ()
    %dma_start3A = arith.constant 0 : i32
    %dma_start3A_5 = arith.constant 0 : i32
    %dma_start3A_6 = tpu.memref_slice %arg7[%dma_start3A, %dma_start3A_5] : memref<40x125xi32, #tpu.memory_space<vmem>> -> memref<1x125xi32, #tpu.memory_space<vmem>>
    %dma_start3A_7 = tpu.memref_squeeze %dma_start3A_6 : memref<1x125xi32, #tpu.memory_space<vmem>> -> memref<125xi32, #tpu.memory_space<vmem>>
    %dma_start3A_8 = arith.constant 0 : i32
    %dma_start3A_9 = arith.constant 0 : i32
    %dma_start3A_10 = tpu.memref_slice %arg2[%dma_start3A_8, %dma_start3A_9] : memref<10000x128xf32, #tpu.memory_space<hbm>> -> memref<10000x128xf32, #tpu.memory_space<hbm>>
    tpu.enqueue_indirect_dma source(%dma_start3A_10 : memref<10000x128xf32, #tpu.memory_space<hbm>>) target(%arg9 : memref<125x128xf32, #tpu.memory_space<vmem>>) offsets(%dma_start3A_7 : memref<125xi32, #tpu.memory_space<vmem>>) semaphore(%arg12 : memref<!tpu.dma_semaphore, #tpu.memory_space<semaphore_mem>>)
    %scan3A = arith.constant 0 : i32
    %scan3A_11 = arith.constant 0 : i32
    %scan3A_12 = arith.constant 20 : i32
    %scan3A_13 = arith.addi %scan3A_11, %scan3A_12 : i32
    %scan3A_14 = arith.constant 1 : i32
    scf.for %scan3A_34 = %scan3A_11 to %scan3A_13 step %scan3A_14  : i32 {
      %mul3A_35 = arith.constant 2 : i32
      %mul3A_36 = arith.muli %mul3A_35, %scan3A_34 : i32
      %add3A_37 = arith.constant 1 : i32
      %add3A_38 = arith.addi %mul3A_36, %add3A_37 : i32
      %dma_start3A_39 = arith.constant 0 : i32
      %dma_start3A_40 = tpu.memref_slice %arg7[%add3A_38, %dma_start3A_39] : memref<40x125xi32, #tpu.memory_space<vmem>> -> memref<1x125xi32, #tpu.memory_space<vmem>>
      %dma_start3A_41 = tpu.memref_squeeze %dma_start3A_40 : memref<1x125xi32, #tpu.memory_space<vmem>> -> memref<125xi32, #tpu.memory_space<vmem>>
      %dma_start3A_42 = arith.constant 0 : i32
      %dma_start3A_43 = arith.constant 0 : i32
      %dma_start3A_44 = tpu.memref_slice %arg2[%dma_start3A_42, %dma_start3A_43] : memref<10000x128xf32, #tpu.memory_space<hbm>> -> memref<10000x128xf32, #tpu.memory_space<hbm>>
      tpu.enqueue_indirect_dma source(%dma_start3A_44 : memref<10000x128xf32, #tpu.memory_space<hbm>>) target(%arg10 : memref<125x128xf32, #tpu.memory_space<vmem>>) offsets(%dma_start3A_41 : memref<125xi32, #tpu.memory_space<vmem>>) semaphore(%arg13 : memref<!tpu.dma_semaphore, #tpu.memory_space<semaphore_mem>>)
      %dma_wait3A = arith.constant 0 : i32
      %dma_wait3A_45 = tpu.memref_slice %arg7[%mul3A_36, %dma_wait3A] : memref<40x125xi32, #tpu.memory_space<vmem>> -> memref<1x125xi32, #tpu.memory_space<vmem>>
      %dma_wait3A_46 = tpu.memref_squeeze %dma_wait3A_45 : memref<1x125xi32, #tpu.memory_space<vmem>> -> memref<125xi32, #tpu.memory_space<vmem>>
      %dma_wait3A_47 = arith.constant 0 : i32
      %dma_wait3A_48 = arith.constant 0 : i32
      %dma_wait3A_49 = tpu.memref_slice %arg2[%dma_wait3A_47, %dma_wait3A_48] : memref<10000x128xf32, #tpu.memory_space<hbm>> -> memref<10000x128xf32, #tpu.memory_space<hbm>>
      tpu.wait_indirect_dma semaphore(%arg12 : memref<!tpu.dma_semaphore, #tpu.memory_space<semaphore_mem>>) src(%dma_wait3A_49 : memref<10000x128xf32, #tpu.memory_space<hbm>>) dst(%arg9 : memref<125x128xf32, #tpu.memory_space<vmem>>)
      "tpu.region"() ({
        %run_scoped3A = tpu.sem_alloc : memref<!tpu.dma_semaphore, #tpu.memory_space<semaphore_mem>>
        %dma_start3A_62 = arith.constant 0 : i32
        %dma_start3A_63 = tpu.memref_slice %arg8[%mul3A_36, %dma_start3A_62] : memref<40x125xi32, #tpu.memory_space<vmem>> -> memref<1x125xi32, #tpu.memory_space<vmem>>
        %dma_start3A_64 = tpu.memref_squeeze %dma_start3A_63 : memref<1x125xi32, #tpu.memory_space<vmem>> -> memref<125xi32, #tpu.memory_space<vmem>>
        %dma_start3A_65 = arith.constant 0 : i32
        %dma_start3A_66 = arith.constant 0 : i32
        %dma_start3A_67 = tpu.memref_slice %arg11[%dma_start3A_65, %dma_start3A_66] : memref<10112x128xf32, #tpu.memory_space<vmem_shared>> -> memref<10112x128xf32, #tpu.memory_space<vmem_shared>>
        tpu.enqueue_indirect_dma source(%arg9 : memref<125x128xf32, #tpu.memory_space<vmem>>) target(%dma_start3A_67 : memref<10112x128xf32, #tpu.memory_space<vmem_shared>>) offsets(%dma_start3A_64 : memref<125xi32, #tpu.memory_space<vmem>>) semaphore(%run_scoped3A : memref<!tpu.dma_semaphore, #tpu.memory_space<semaphore_mem>>) {add = true}
        %dma_wait3A_68 = arith.constant 0 : i32
        %dma_wait3A_69 = tpu.memref_slice %arg8[%mul3A_36, %dma_wait3A_68] : memref<40x125xi32, #tpu.memory_space<vmem>> -> memref<1x125xi32, #tpu.memory_space<vmem>>
        %dma_wait3A_70 = tpu.memref_squeeze %dma_wait3A_69 : memref<1x125xi32, #tpu.memory_space<vmem>> -> memref<125xi32, #tpu.memory_space<vmem>>
        %dma_wait3A_71 = arith.constant 0 : i32
        %dma_wait3A_72 = arith.constant 0 : i32
        %dma_wait3A_73 = tpu.memref_slice %arg11[%dma_wait3A_71, %dma_wait3A_72] : memref<10112x128xf32, #tpu.memory_space<vmem_shared>> -> memref<10112x128xf32, #tpu.memory_space<vmem_shared>>
        tpu.wait_indirect_dma semaphore(%run_scoped3A : memref<!tpu.dma_semaphore, #tpu.memory_space<semaphore_mem>>) src(%arg9 : memref<125x128xf32, #tpu.memory_space<vmem>>) dst(%dma_wait3A_73 : memref<10112x128xf32, #tpu.memory_space<vmem_shared>>)
        tpu.yield
      }) : () -> ()
      %lt3A = arith.constant 19 : i32
      %lt3A_50 = arith.cmpi slt, %scan3A_34, %lt3A : i32
      %convert_element_type3A = arith.extui %lt3A_50 : i1 to i32
      %cond3A = arith.constant 0 : i32
      %cond3A_51 = arith.cmpi ne, %convert_element_type3A, %cond3A : i32
      scf.if %cond3A_51 {
        %add3A_62 = arith.constant 2 : i32
        %add3A_63 = arith.addi %mul3A_36, %add3A_62 : i32
        %dma_start3A_64 = arith.constant 0 : i32
        %dma_start3A_65 = tpu.memref_slice %arg7[%add3A_63, %dma_start3A_64] : memref<40x125xi32, #tpu.memory_space<vmem>> -> memref<1x125xi32, #tpu.memory_space<vmem>>
        %dma_start3A_66 = tpu.memref_squeeze %dma_start3A_65 : memref<1x125xi32, #tpu.memory_space<vmem>> -> memref<125xi32, #tpu.memory_space<vmem>>
        %dma_start3A_67 = arith.constant 0 : i32
        %dma_start3A_68 = arith.constant 0 : i32
        %dma_start3A_69 = tpu.memref_slice %arg2[%dma_start3A_67, %dma_start3A_68] : memref<10000x128xf32, #tpu.memory_space<hbm>> -> memref<10000x128xf32, #tpu.memory_space<hbm>>
        tpu.enqueue_indirect_dma source(%dma_start3A_69 : memref<10000x128xf32, #tpu.memory_space<hbm>>) target(%arg9 : memref<125x128xf32, #tpu.memory_space<vmem>>) offsets(%dma_start3A_66 : memref<125xi32, #tpu.memory_space<vmem>>) semaphore(%arg12 : memref<!tpu.dma_semaphore, #tpu.memory_space<semaphore_mem>>)
      } else {
      }
      %add3A_52 = arith.constant 1 : i32
      %add3A_53 = arith.addi %mul3A_36, %add3A_52 : i32
      %dma_wait3A_54 = arith.constant 0 : i32
      %dma_wait3A_55 = tpu.memref_slice %arg7[%add3A_53, %dma_wait3A_54] : memref<40x125xi32, #tpu.memory_space<vmem>> -> memref<1x125xi32, #tpu.memory_space<vmem>>
      %dma_wait3A_56 = tpu.memref_squeeze %dma_wait3A_55 : memref<1x125xi32, #tpu.memory_space<vmem>> -> memref<125xi32, #tpu.memory_space<vmem>>
      %dma_wait3A_57 = arith.constant 0 : i32
      %dma_wait3A_58 = arith.constant 0 : i32
      %dma_wait3A_59 = tpu.memref_slice %arg2[%dma_wait3A_57, %dma_wait3A_58] : memref<10000x128xf32, #tpu.memory_space<hbm>> -> memref<10000x128xf32, #tpu.memory_space<hbm>>
      tpu.wait_indirect_dma semaphore(%arg13 : memref<!tpu.dma_semaphore, #tpu.memory_space<semaphore_mem>>) src(%dma_wait3A_59 : memref<10000x128xf32, #tpu.memory_space<hbm>>) dst(%arg10 : memref<125x128xf32, #tpu.memory_space<vmem>>)
      %add3A_60 = arith.constant 1 : i32
      %add3A_61 = arith.addi %mul3A_36, %add3A_60 : i32
      "tpu.region"() ({
        %run_scoped3A = tpu.sem_alloc : memref<!tpu.dma_semaphore, #tpu.memory_space<semaphore_mem>>
        %dma_start3A_62 = arith.constant 0 : i32
        %dma_start3A_63 = tpu.memref_slice %arg8[%add3A_61, %dma_start3A_62] : memref<40x125xi32, #tpu.memory_space<vmem>> -> memref<1x125xi32, #tpu.memory_space<vmem>>
        %dma_start3A_64 = tpu.memref_squeeze %dma_start3A_63 : memref<1x125xi32, #tpu.memory_space<vmem>> -> memref<125xi32, #tpu.memory_space<vmem>>
        %dma_start3A_65 = arith.constant 0 : i32
        %dma_start3A_66 = arith.constant 0 : i32
        %dma_start3A_67 = tpu.memref_slice %arg11[%dma_start3A_65, %dma_start3A_66] : memref<10112x128xf32, #tpu.memory_space<vmem_shared>> -> memref<10112x128xf32, #tpu.memory_space<vmem_shared>>
        tpu.enqueue_indirect_dma source(%arg10 : memref<125x128xf32, #tpu.memory_space<vmem>>) target(%dma_start3A_67 : memref<10112x128xf32, #tpu.memory_space<vmem_shared>>) offsets(%dma_start3A_64 : memref<125xi32, #tpu.memory_space<vmem>>) semaphore(%run_scoped3A : memref<!tpu.dma_semaphore, #tpu.memory_space<semaphore_mem>>) {add = true}
        %dma_wait3A_68 = arith.constant 0 : i32
        %dma_wait3A_69 = tpu.memref_slice %arg8[%add3A_61, %dma_wait3A_68] : memref<40x125xi32, #tpu.memory_space<vmem>> -> memref<1x125xi32, #tpu.memory_space<vmem>>
        %dma_wait3A_70 = tpu.memref_squeeze %dma_wait3A_69 : memref<1x125xi32, #tpu.memory_space<vmem>> -> memref<125xi32, #tpu.memory_space<vmem>>
        %dma_wait3A_71 = arith.constant 0 : i32
        %dma_wait3A_72 = arith.constant 0 : i32
        %dma_wait3A_73 = tpu.memref_slice %arg11[%dma_wait3A_71, %dma_wait3A_72] : memref<10112x128xf32, #tpu.memory_space<vmem_shared>> -> memref<10112x128xf32, #tpu.memory_space<vmem_shared>>
        tpu.wait_indirect_dma semaphore(%run_scoped3A : memref<!tpu.dma_semaphore, #tpu.memory_space<semaphore_mem>>) src(%arg10 : memref<125x128xf32, #tpu.memory_space<vmem>>) dst(%dma_wait3A_73 : memref<10112x128xf32, #tpu.memory_space<vmem_shared>>)
        tpu.yield
      }) : () -> ()
    }
    %scan3A_15 = arith.constant 20 : i32
    "tpu.region"() ({
      %run_scoped3A = tpu.sem_alloc : memref<!tpu.dma_semaphore, #tpu.memory_space<semaphore_mem>>
      %dma_start3A_34 = arith.constant 40 : i32
      %dma_start3A_35 = arith.constant 0 : i32
      %dma_start3A_36 = tpu.memref_slice %arg3[%add3A, %dma_start3A_34, %dma_start3A_35] : memref<32x80x125xi32, #tpu.memory_space<hbm>> -> memref<1x40x125xi32, #tpu.memory_space<hbm>>
      %dma_start3A_37 = tpu.memref_squeeze %dma_start3A_36 : memref<1x40x125xi32, #tpu.memory_space<hbm>> -> memref<40x125xi32, #tpu.memory_space<hbm>>
      %dma_start3A_38 = arith.constant 40 : i32
      %dma_start3A_39 = arith.constant 0 : i32
      %dma_start3A_40 = tpu.memref_slice %arg3[%add3A, %dma_start3A_38, %dma_start3A_39] : memref<32x80x125xi32, #tpu.memory_space<hbm>> -> memref<1x40x125xi32, #tpu.memory_space<hbm>>
      %dma_start3A_41 = tpu.memref_squeeze %dma_start3A_40 : memref<1x40x125xi32, #tpu.memory_space<hbm>> -> memref<40x125xi32, #tpu.memory_space<hbm>>
      tpu.enqueue_dma source(%dma_start3A_41 : memref<40x125xi32, #tpu.memory_space<hbm>>) target(%arg7 : memref<40x125xi32, #tpu.memory_space<vmem>>) target_semaphore(%run_scoped3A : memref<!tpu.dma_semaphore, #tpu.memory_space<semaphore_mem>>)
      %dma_wait3A = arith.constant 40 : i32
      %dma_wait3A_42 = arith.constant 0 : i32
      %dma_wait3A_43 = tpu.memref_slice %arg3[%add3A, %dma_wait3A, %dma_wait3A_42] : memref<32x80x125xi32, #tpu.memory_space<hbm>> -> memref<1x40x125xi32, #tpu.memory_space<hbm>>
      %dma_wait3A_44 = tpu.memref_squeeze %dma_wait3A_43 : memref<1x40x125xi32, #tpu.memory_space<hbm>> -> memref<40x125xi32, #tpu.memory_space<hbm>>
      %dma_wait3A_45 = arith.constant 40 : i32
      %dma_wait3A_46 = arith.constant 0 : i32
      %dma_wait3A_47 = tpu.memref_slice %arg3[%add3A, %dma_wait3A_45, %dma_wait3A_46] : memref<32x80x125xi32, #tpu.memory_space<hbm>> -> memref<1x40x125xi32, #tpu.memory_space<hbm>>
      %dma_wait3A_48 = tpu.memref_squeeze %dma_wait3A_47 : memref<1x40x125xi32, #tpu.memory_space<hbm>> -> memref<40x125xi32, #tpu.memory_space<hbm>>
      tpu.wait_dma2 semaphore(%run_scoped3A : memref<!tpu.dma_semaphore, #tpu.memory_space<semaphore_mem>>) src(%dma_wait3A_48 : memref<40x125xi32, #tpu.memory_space<hbm>>) dst(%arg7 : memref<40x125xi32, #tpu.memory_space<vmem>>)
      tpu.yield
    }) : () -> ()
    "tpu.region"() ({
      %run_scoped3A = tpu.sem_alloc : memref<!tpu.dma_semaphore, #tpu.memory_space<semaphore_mem>>
      %dma_start3A_34 = arith.constant 40 : i32
      %dma_start3A_35 = arith.constant 0 : i32
      %dma_start3A_36 = tpu.memref_slice %arg4[%add3A, %dma_start3A_34, %dma_start3A_35] : memref<32x80x125xi32, #tpu.memory_space<hbm>> -> memref<1x40x125xi32, #tpu.memory_space<hbm>>
      %dma_start3A_37 = tpu.memref_squeeze %dma_start3A_36 : memref<1x40x125xi32, #tpu.memory_space<hbm>> -> memref<40x125xi32, #tpu.memory_space<hbm>>
      %dma_start3A_38 = arith.constant 40 : i32
      %dma_start3A_39 = arith.constant 0 : i32
      %dma_start3A_40 = tpu.memref_slice %arg4[%add3A, %dma_start3A_38, %dma_start3A_39] : memref<32x80x125xi32, #tpu.memory_space<hbm>> -> memref<1x40x125xi32, #tpu.memory_space<hbm>>
      %dma_start3A_41 = tpu.memref_squeeze %dma_start3A_40 : memref<1x40x125xi32, #tpu.memory_space<hbm>> -> memref<40x125xi32, #tpu.memory_space<hbm>>
      tpu.enqueue_dma source(%dma_start3A_41 : memref<40x125xi32, #tpu.memory_space<hbm>>) target(%arg8 : memref<40x125xi32, #tpu.memory_space<vmem>>) target_semaphore(%run_scoped3A : memref<!tpu.dma_semaphore, #tpu.memory_space<semaphore_mem>>)
      %dma_wait3A = arith.constant 40 : i32
      %dma_wait3A_42 = arith.constant 0 : i32
      %dma_wait3A_43 = tpu.memref_slice %arg4[%add3A, %dma_wait3A, %dma_wait3A_42] : memref<32x80x125xi32, #tpu.memory_space<hbm>> -> memref<1x40x125xi32, #tpu.memory_space<hbm>>
      %dma_wait3A_44 = tpu.memref_squeeze %dma_wait3A_43 : memref<1x40x125xi32, #tpu.memory_space<hbm>> -> memref<40x125xi32, #tpu.memory_space<hbm>>
      %dma_wait3A_45 = arith.constant 40 : i32
      %dma_wait3A_46 = arith.constant 0 : i32
      %dma_wait3A_47 = tpu.memref_slice %arg4[%add3A, %dma_wait3A_45, %dma_wait3A_46] : memref<32x80x125xi32, #tpu.memory_space<hbm>> -> memref<1x40x125xi32, #tpu.memory_space<hbm>>
      %dma_wait3A_48 = tpu.memref_squeeze %dma_wait3A_47 : memref<1x40x125xi32, #tpu.memory_space<hbm>> -> memref<40x125xi32, #tpu.memory_space<hbm>>
      tpu.wait_dma2 semaphore(%run_scoped3A : memref<!tpu.dma_semaphore, #tpu.memory_space<semaphore_mem>>) src(%dma_wait3A_48 : memref<40x125xi32, #tpu.memory_space<hbm>>) dst(%arg8 : memref<40x125xi32, #tpu.memory_space<vmem>>)
      tpu.yield
    }) : () -> ()
    %dma_start3A_16 = arith.constant 0 : i32
    %dma_start3A_17 = arith.constant 0 : i32
    %dma_start3A_18 = tpu.memref_slice %arg7[%dma_start3A_16, %dma_start3A_17] : memref<40x125xi32, #tpu.memory_space<vmem>> -> memref<1x125xi32, #tpu.memory_space<vmem>>
    %dma_start3A_19 = tpu.memref_squeeze %dma_start3A_18 : memref<1x125xi32, #tpu.memory_space<vmem>> -> memref<125xi32, #tpu.memory_space<vmem>>
    %dma_start3A_20 = arith.constant 0 : i32
    %dma_start3A_21 = arith.constant 0 : i32
    %dma_start3A_22 = tpu.memref_slice %arg2[%dma_start3A_20, %dma_start3A_21] : memref<10000x128xf32, #tpu.memory_space<hbm>> -> memref<10000x128xf32, #tpu.memory_space<hbm>>
    tpu.enqueue_indirect_dma source(%dma_start3A_22 : memref<10000x128xf32, #tpu.memory_space<hbm>>) target(%arg9 : memref<125x128xf32, #tpu.memory_space<vmem>>) offsets(%dma_start3A_19 : memref<125xi32, #tpu.memory_space<vmem>>) semaphore(%arg12 : memref<!tpu.dma_semaphore, #tpu.memory_space<semaphore_mem>>)
    %scan3A_23 = arith.constant 0 : i32
    %scan3A_24 = arith.constant 0 : i32
    %scan3A_25 = arith.constant 20 : i32
    %scan3A_26 = arith.addi %scan3A_24, %scan3A_25 : i32
    %scan3A_27 = arith.constant 1 : i32
    scf.for %scan3A_34 = %scan3A_24 to %scan3A_26 step %scan3A_27  : i32 {
      %mul3A_35 = arith.constant 2 : i32
      %mul3A_36 = arith.muli %mul3A_35, %scan3A_34 : i32
      %add3A_37 = arith.constant 1 : i32
      %add3A_38 = arith.addi %mul3A_36, %add3A_37 : i32
      %dma_start3A_39 = arith.constant 0 : i32
      %dma_start3A_40 = tpu.memref_slice %arg7[%add3A_38, %dma_start3A_39] : memref<40x125xi32, #tpu.memory_space<vmem>> -> memref<1x125xi32, #tpu.memory_space<vmem>>
      %dma_start3A_41 = tpu.memref_squeeze %dma_start3A_40 : memref<1x125xi32, #tpu.memory_space<vmem>> -> memref<125xi32, #tpu.memory_space<vmem>>
      %dma_start3A_42 = arith.constant 0 : i32
      %dma_start3A_43 = arith.constant 0 : i32
      %dma_start3A_44 = tpu.memref_slice %arg2[%dma_start3A_42, %dma_start3A_43] : memref<10000x128xf32, #tpu.memory_space<hbm>> -> memref<10000x128xf32, #tpu.memory_space<hbm>>
      tpu.enqueue_indirect_dma source(%dma_start3A_44 : memref<10000x128xf32, #tpu.memory_space<hbm>>) target(%arg10 : memref<125x128xf32, #tpu.memory_space<vmem>>) offsets(%dma_start3A_41 : memref<125xi32, #tpu.memory_space<vmem>>) semaphore(%arg13 : memref<!tpu.dma_semaphore, #tpu.memory_space<semaphore_mem>>)
      %dma_wait3A = arith.constant 0 : i32
      %dma_wait3A_45 = tpu.memref_slice %arg7[%mul3A_36, %dma_wait3A] : memref<40x125xi32, #tpu.memory_space<vmem>> -> memref<1x125xi32, #tpu.memory_space<vmem>>
      %dma_wait3A_46 = tpu.memref_squeeze %dma_wait3A_45 : memref<1x125xi32, #tpu.memory_space<vmem>> -> memref<125xi32, #tpu.memory_space<vmem>>
      %dma_wait3A_47 = arith.constant 0 : i32
      %dma_wait3A_48 = arith.constant 0 : i32
      %dma_wait3A_49 = tpu.memref_slice %arg2[%dma_wait3A_47, %dma_wait3A_48] : memref<10000x128xf32, #tpu.memory_space<hbm>> -> memref<10000x128xf32, #tpu.memory_space<hbm>>
      tpu.wait_indirect_dma semaphore(%arg12 : memref<!tpu.dma_semaphore, #tpu.memory_space<semaphore_mem>>) src(%dma_wait3A_49 : memref<10000x128xf32, #tpu.memory_space<hbm>>) dst(%arg9 : memref<125x128xf32, #tpu.memory_space<vmem>>)
      "tpu.region"() ({
        %run_scoped3A = tpu.sem_alloc : memref<!tpu.dma_semaphore, #tpu.memory_space<semaphore_mem>>
        %dma_start3A_62 = arith.constant 0 : i32
        %dma_start3A_63 = tpu.memref_slice %arg8[%mul3A_36, %dma_start3A_62] : memref<40x125xi32, #tpu.memory_space<vmem>> -> memref<1x125xi32, #tpu.memory_space<vmem>>
        %dma_start3A_64 = tpu.memref_squeeze %dma_start3A_63 : memref<1x125xi32, #tpu.memory_space<vmem>> -> memref<125xi32, #tpu.memory_space<vmem>>
        %dma_start3A_65 = arith.constant 0 : i32
        %dma_start3A_66 = arith.constant 0 : i32
        %dma_start3A_67 = tpu.memref_slice %arg11[%dma_start3A_65, %dma_start3A_66] : memref<10112x128xf32, #tpu.memory_space<vmem_shared>> -> memref<10112x128xf32, #tpu.memory_space<vmem_shared>>
        tpu.enqueue_indirect_dma source(%arg9 : memref<125x128xf32, #tpu.memory_space<vmem>>) target(%dma_start3A_67 : memref<10112x128xf32, #tpu.memory_space<vmem_shared>>) offsets(%dma_start3A_64 : memref<125xi32, #tpu.memory_space<vmem>>) semaphore(%run_scoped3A : memref<!tpu.dma_semaphore, #tpu.memory_space<semaphore_mem>>) {add = true}
        %dma_wait3A_68 = arith.constant 0 : i32
        %dma_wait3A_69 = tpu.memref_slice %arg8[%mul3A_36, %dma_wait3A_68] : memref<40x125xi32, #tpu.memory_space<vmem>> -> memref<1x125xi32, #tpu.memory_space<vmem>>
        %dma_wait3A_70 = tpu.memref_squeeze %dma_wait3A_69 : memref<1x125xi32, #tpu.memory_space<vmem>> -> memref<125xi32, #tpu.memory_space<vmem>>
        %dma_wait3A_71 = arith.constant 0 : i32
        %dma_wait3A_72 = arith.constant 0 : i32
        %dma_wait3A_73 = tpu.memref_slice %arg11[%dma_wait3A_71, %dma_wait3A_72] : memref<10112x128xf32, #tpu.memory_space<vmem_shared>> -> memref<10112x128xf32, #tpu.memory_space<vmem_shared>>
        tpu.wait_indirect_dma semaphore(%run_scoped3A : memref<!tpu.dma_semaphore, #tpu.memory_space<semaphore_mem>>) src(%arg9 : memref<125x128xf32, #tpu.memory_space<vmem>>) dst(%dma_wait3A_73 : memref<10112x128xf32, #tpu.memory_space<vmem_shared>>)
        tpu.yield
      }) : () -> ()
      %lt3A = arith.constant 19 : i32
      %lt3A_50 = arith.cmpi slt, %scan3A_34, %lt3A : i32
      %convert_element_type3A = arith.extui %lt3A_50 : i1 to i32
      %cond3A = arith.constant 0 : i32
      %cond3A_51 = arith.cmpi ne, %convert_element_type3A, %cond3A : i32
      scf.if %cond3A_51 {
        %add3A_62 = arith.constant 2 : i32
        %add3A_63 = arith.addi %mul3A_36, %add3A_62 : i32
        %dma_start3A_64 = arith.constant 0 : i32
        %dma_start3A_65 = tpu.memref_slice %arg7[%add3A_63, %dma_start3A_64] : memref<40x125xi32, #tpu.memory_space<vmem>> -> memref<1x125xi32, #tpu.memory_space<vmem>>
        %dma_start3A_66 = tpu.memref_squeeze %dma_start3A_65 : memref<1x125xi32, #tpu.memory_space<vmem>> -> memref<125xi32, #tpu.memory_space<vmem>>
        %dma_start3A_67 = arith.constant 0 : i32
        %dma_start3A_68 = arith.constant 0 : i32
        %dma_start3A_69 = tpu.memref_slice %arg2[%dma_start3A_67, %dma_start3A_68] : memref<10000x128xf32, #tpu.memory_space<hbm>> -> memref<10000x128xf32, #tpu.memory_space<hbm>>
        tpu.enqueue_indirect_dma source(%dma_start3A_69 : memref<10000x128xf32, #tpu.memory_space<hbm>>) target(%arg9 : memref<125x128xf32, #tpu.memory_space<vmem>>) offsets(%dma_start3A_66 : memref<125xi32, #tpu.memory_space<vmem>>) semaphore(%arg12 : memref<!tpu.dma_semaphore, #tpu.memory_space<semaphore_mem>>)
      } else {
      }
      %add3A_52 = arith.constant 1 : i32
      %add3A_53 = arith.addi %mul3A_36, %add3A_52 : i32
      %dma_wait3A_54 = arith.constant 0 : i32
      %dma_wait3A_55 = tpu.memref_slice %arg7[%add3A_53, %dma_wait3A_54] : memref<40x125xi32, #tpu.memory_space<vmem>> -> memref<1x125xi32, #tpu.memory_space<vmem>>
      %dma_wait3A_56 = tpu.memref_squeeze %dma_wait3A_55 : memref<1x125xi32, #tpu.memory_space<vmem>> -> memref<125xi32, #tpu.memory_space<vmem>>
      %dma_wait3A_57 = arith.constant 0 : i32
      %dma_wait3A_58 = arith.constant 0 : i32
      %dma_wait3A_59 = tpu.memref_slice %arg2[%dma_wait3A_57, %dma_wait3A_58] : memref<10000x128xf32, #tpu.memory_space<hbm>> -> memref<10000x128xf32, #tpu.memory_space<hbm>>
      tpu.wait_indirect_dma semaphore(%arg13 : memref<!tpu.dma_semaphore, #tpu.memory_space<semaphore_mem>>) src(%dma_wait3A_59 : memref<10000x128xf32, #tpu.memory_space<hbm>>) dst(%arg10 : memref<125x128xf32, #tpu.memory_space<vmem>>)
      %add3A_60 = arith.constant 1 : i32
      %add3A_61 = arith.addi %mul3A_36, %add3A_60 : i32
      "tpu.region"() ({
        %run_scoped3A = tpu.sem_alloc : memref<!tpu.dma_semaphore, #tpu.memory_space<semaphore_mem>>
        %dma_start3A_62 = arith.constant 0 : i32
        %dma_start3A_63 = tpu.memref_slice %arg8[%add3A_61, %dma_start3A_62] : memref<40x125xi32, #tpu.memory_space<vmem>> -> memref<1x125xi32, #tpu.memory_space<vmem>>
        %dma_start3A_64 = tpu.memref_squeeze %dma_start3A_63 : memref<1x125xi32, #tpu.memory_space<vmem>> -> memref<125xi32, #tpu.memory_space<vmem>>
        %dma_start3A_65 = arith.constant 0 : i32
        %dma_start3A_66 = arith.constant 0 : i32
        %dma_start3A_67 = tpu.memref_slice %arg11[%dma_start3A_65, %dma_start3A_66] : memref<10112x128xf32, #tpu.memory_space<vmem_shared>> -> memref<10112x128xf32, #tpu.memory_space<vmem_shared>>
        tpu.enqueue_indirect_dma source(%arg10 : memref<125x128xf32, #tpu.memory_space<vmem>>) target(%dma_start3A_67 : memref<10112x128xf32, #tpu.memory_space<vmem_shared>>) offsets(%dma_start3A_64 : memref<125xi32, #tpu.memory_space<vmem>>) semaphore(%run_scoped3A : memref<!tpu.dma_semaphore, #tpu.memory_space<semaphore_mem>>) {add = true}
        %dma_wait3A_68 = arith.constant 0 : i32
        %dma_wait3A_69 = tpu.memref_slice %arg8[%add3A_61, %dma_wait3A_68] : memref<40x125xi32, #tpu.memory_space<vmem>> -> memref<1x125xi32, #tpu.memory_space<vmem>>
        %dma_wait3A_70 = tpu.memref_squeeze %dma_wait3A_69 : memref<1x125xi32, #tpu.memory_space<vmem>> -> memref<125xi32, #tpu.memory_space<vmem>>
        %dma_wait3A_71 = arith.constant 0 : i32
        %dma_wait3A_72 = arith.constant 0 : i32
        %dma_wait3A_73 = tpu.memref_slice %arg11[%dma_wait3A_71, %dma_wait3A_72] : memref<10112x128xf32, #tpu.memory_space<vmem_shared>> -> memref<10112x128xf32, #tpu.memory_space<vmem_shared>>
        tpu.wait_indirect_dma semaphore(%run_scoped3A : memref<!tpu.dma_semaphore, #tpu.memory_space<semaphore_mem>>) src(%arg10 : memref<125x128xf32, #tpu.memory_space<vmem>>) dst(%dma_wait3A_73 : memref<10112x128xf32, #tpu.memory_space<vmem_shared>>)
        tpu.yield
      }) : () -> ()
    }
    %scan3A_28 = arith.constant 20 : i32
    %barrier3A_29 = arith.constant 0 : index
    tpu.barrier barrier_id(%barrier3A_29)
    %mul3A_30 = arith.constant 632 : i32
    %mul3A_31 = arith.muli %arg1, %mul3A_30 : i32
    %mul3A_32 = arith.constant 632 : i32
    %mul3A_33 = arith.muli %arg1, %mul3A_32 : i32
    "tpu.region"() ({
      %run_scoped3A = tpu.sem_alloc : memref<!tpu.dma_semaphore, #tpu.memory_space<semaphore_mem>>
      %dma_start3A_34 = arith.constant 0 : i32
      %dma_start3A_35 = tpu.memref_slice %arg6[%arg0, %mul3A_33, %dma_start3A_34] : memref<2x10112x128xf32, #tpu.memory_space<hbm>> -> memref<1x632x128xf32, #tpu.memory_space<hbm>>
      %dma_start3A_36 = tpu.memref_squeeze %dma_start3A_35 : memref<1x632x128xf32, #tpu.memory_space<hbm>> -> memref<632x128xf32, #tpu.memory_space<hbm>>
      %dma_start3A_37 = arith.constant 0 : i32
      %dma_start3A_38 = tpu.memref_slice %arg11[%mul3A_31, %dma_start3A_37] : memref<10112x128xf32, #tpu.memory_space<vmem_shared>> -> memref<632x128xf32, #tpu.memory_space<vmem_shared>>
      tpu.enqueue_dma source(%dma_start3A_38 : memref<632x128xf32, #tpu.memory_space<vmem_shared>>) target(%dma_start3A_36 : memref<632x128xf32, #tpu.memory_space<hbm>>) target_semaphore(%run_scoped3A : memref<!tpu.dma_semaphore, #tpu.memory_space<semaphore_mem>>)
      %dma_wait3A = arith.constant 0 : i32
      %dma_wait3A_39 = tpu.memref_slice %arg6[%arg0, %mul3A_33, %dma_wait3A] : memref<2x10112x128xf32, #tpu.memory_space<hbm>> -> memref<1x632x128xf32, #tpu.memory_space<hbm>>
      %dma_wait3A_40 = tpu.memref_squeeze %dma_wait3A_39 : memref<1x632x128xf32, #tpu.memory_space<hbm>> -> memref<632x128xf32, #tpu.memory_space<hbm>>
      %dma_wait3A_41 = arith.constant 0 : i32
      %dma_wait3A_42 = tpu.memref_slice %arg11[%mul3A_31, %dma_wait3A_41] : memref<10112x128xf32, #tpu.memory_space<vmem_shared>> -> memref<632x128xf32, #tpu.memory_space<vmem_shared>>
      tpu.wait_dma2 semaphore(%run_scoped3A : memref<!tpu.dma_semaphore, #tpu.memory_space<semaphore_mem>>) src(%dma_wait3A_42 : memref<632x128xf32, #tpu.memory_space<vmem_shared>>) dst(%dma_wait3A_40 : memref<632x128xf32, #tpu.memory_space<hbm>>)
      tpu.yield
    }) : () -> ()
    return
  }
}

#map = affine_map<(d0, d1) -> (0, 0)>
#map1 = affine_map<(d0, d1) -> (0, 0, 0)>
module attributes {stable_mosaic.version = 14 : i64} {
  func.func @agg_kernel(%arg0: i32, %arg1: i32, %arg2: memref<10000x128xf32, #tpu.memory_space<hbm>>, %arg3: memref<32x80x125xi32, #tpu.memory_space<hbm>>, %arg4: memref<32x80x125xi32, #tpu.memory_space<hbm>>, %arg5: memref<10112x128xf32, #tpu.memory_space<hbm>>, %arg6: memref<2x10112x128xf32, #tpu.memory_space<hbm>>, %arg7: memref<40x125xi32, #tpu.memory_space<vmem>>, %arg8: memref<40x125xi32, #tpu.memory_space<vmem>>, %arg9: memref<125x128xf32, #tpu.memory_space<vmem>>, %arg10: memref<125x128xf32, #tpu.memory_space<vmem>>, %arg11: memref<10112x128xf32, #tpu.memory_space<vmem_shared>>, %arg12: memref<!tpu.dma_semaphore, #tpu.memory_space<semaphore_mem>>, %arg13: memref<!tpu.dma_semaphore, #tpu.memory_space<semaphore_mem>>) attributes {dimension_semantics = [#tpu.dimension_semantics<core_parallel>, #tpu.dimension_semantics<subcore_parallel>], iteration_bounds = array<i64: 2, 16>, scalar_prefetch = 0 : i64, scratch_operands = 7 : i64, tpu.core_type = #tpu.core_type<sc_vector_subcore>, window_params = [{transform_indices = #map}, {transform_indices = #map1}, {transform_indices = #map1}, {transform_indices = #map}, {transform_indices = #map1}]} {
    %mul3A = arith.constant 2 : i32
    %mul3A_0 = arith.muli %arg1, %mul3A : i32
    %add3A = arith.addi %mul3A_0, %arg0 : i32
    %mul3A_1 = arith.constant 632 : i32
    %mul3A_2 = arith.muli %arg1, %mul3A_1 : i32
    %mul3A_3 = arith.constant 632 : i32
    %mul3A_4 = arith.muli %arg1, %mul3A_3 : i32
    "tpu.region"() ({
      %run_scoped3A = tpu.sem_alloc : memref<!tpu.dma_semaphore, #tpu.memory_space<semaphore_mem>>
      %dma_start3A_34 = arith.constant 0 : i32
      %dma_start3A_35 = tpu.memref_slice %arg11[%mul3A_4, %dma_start3A_34] : memref<10112x128xf32, #tpu.memory_space<vmem_shared>> -> memref<632x128xf32, #tpu.memory_space<vmem_shared>>
      %dma_start3A_36 = arith.constant 0 : i32
      %dma_start3A_37 = tpu.memref_slice %arg5[%mul3A_2, %dma_start3A_36] : memref<10112x128xf32, #tpu.memory_space<hbm>> -> memref<632x128xf32, #tpu.memory_space<hbm>>
      tpu.enqueue_dma source(%dma_start3A_37 : memref<632x128xf32, #tpu.memory_space<hbm>>) target(%dma_start3A_35 : memref<632x128xf32, #tpu.memory_space<vmem_shared>>) target_semaphore(%run_scoped3A : memref<!tpu.dma_semaphore, #tpu.memory_space<semaphore_mem>>)
      %dma_wait3A = arith.constant 0 : i32
      %dma_wait3A_38 = tpu.memref_slice %arg11[%mul3A_4, %dma_wait3A] : memref<10112x128xf32, #tpu.memory_space<vmem_shared>> -> memref<632x128xf32, #tpu.memory_space<vmem_shared>>
      %dma_wait3A_39 = arith.constant 0 : i32
      %dma_wait3A_40 = tpu.memref_slice %arg5[%mul3A_2, %dma_wait3A_39] : memref<10112x128xf32, #tpu.memory_space<hbm>> -> memref<632x128xf32, #tpu.memory_space<hbm>>
      tpu.wait_dma2 semaphore(%run_scoped3A : memref<!tpu.dma_semaphore, #tpu.memory_space<semaphore_mem>>) src(%dma_wait3A_40 : memref<632x128xf32, #tpu.memory_space<hbm>>) dst(%dma_wait3A_38 : memref<632x128xf32, #tpu.memory_space<vmem_shared>>)
      tpu.yield
    }) : () -> ()
    %barrier3A = arith.constant 0 : index
    tpu.barrier barrier_id(%barrier3A)
    "tpu.region"() ({
      %run_scoped3A = tpu.sem_alloc : memref<!tpu.dma_semaphore, #tpu.memory_space<semaphore_mem>>
      %dma_start3A_34 = arith.constant 0 : i32
      %dma_start3A_35 = arith.constant 0 : i32
      %dma_start3A_36 = tpu.memref_slice %arg3[%add3A, %dma_start3A_34, %dma_start3A_35] : memref<32x80x125xi32, #tpu.memory_space<hbm>> -> memref<1x40x125xi32, #tpu.memory_space<hbm>>
      %dma_start3A_37 = tpu.memref_squeeze %dma_start3A_36 : memref<1x40x125xi32, #tpu.memory_space<hbm>> -> memref<40x125xi32, #tpu.memory_space<hbm>>
      %dma_start3A_38 = arith.constant 0 : i32
      %dma_start3A_39 = arith.constant 0 : i32
      %dma_start3A_40 = tpu.memref_slice %arg3[%add3A, %dma_start3A_38, %dma_start3A_39] : memref<32x80x125xi32, #tpu.memory_space<hbm>> -> memref<1x40x125xi32, #tpu.memory_space<hbm>>
      %dma_start3A_41 = tpu.memref_squeeze %dma_start3A_40 : memref<1x40x125xi32, #tpu.memory_space<hbm>> -> memref<40x125xi32, #tpu.memory_space<hbm>>
      tpu.enqueue_dma source(%dma_start3A_41 : memref<40x125xi32, #tpu.memory_space<hbm>>) target(%arg7 : memref<40x125xi32, #tpu.memory_space<vmem>>) target_semaphore(%run_scoped3A : memref<!tpu.dma_semaphore, #tpu.memory_space<semaphore_mem>>)
      %dma_wait3A = arith.constant 0 : i32
      %dma_wait3A_42 = arith.constant 0 : i32
      %dma_wait3A_43 = tpu.memref_slice %arg3[%add3A, %dma_wait3A, %dma_wait3A_42] : memref<32x80x125xi32, #tpu.memory_space<hbm>> -> memref<1x40x125xi32, #tpu.memory_space<hbm>>
      %dma_wait3A_44 = tpu.memref_squeeze %dma_wait3A_43 : memref<1x40x125xi32, #tpu.memory_space<hbm>> -> memref<40x125xi32, #tpu.memory_space<hbm>>
      %dma_wait3A_45 = arith.constant 0 : i32
      %dma_wait3A_46 = arith.constant 0 : i32
      %dma_wait3A_47 = tpu.memref_slice %arg3[%add3A, %dma_wait3A_45, %dma_wait3A_46] : memref<32x80x125xi32, #tpu.memory_space<hbm>> -> memref<1x40x125xi32, #tpu.memory_space<hbm>>
      %dma_wait3A_48 = tpu.memref_squeeze %dma_wait3A_47 : memref<1x40x125xi32, #tpu.memory_space<hbm>> -> memref<40x125xi32, #tpu.memory_space<hbm>>
      tpu.wait_dma2 semaphore(%run_scoped3A : memref<!tpu.dma_semaphore, #tpu.memory_space<semaphore_mem>>) src(%dma_wait3A_48 : memref<40x125xi32, #tpu.memory_space<hbm>>) dst(%arg7 : memref<40x125xi32, #tpu.memory_space<vmem>>)
      tpu.yield
    }) : () -> ()
    "tpu.region"() ({
      %run_scoped3A = tpu.sem_alloc : memref<!tpu.dma_semaphore, #tpu.memory_space<semaphore_mem>>
      %dma_start3A_34 = arith.constant 0 : i32
      %dma_start3A_35 = arith.constant 0 : i32
      %dma_start3A_36 = tpu.memref_slice %arg4[%add3A, %dma_start3A_34, %dma_start3A_35] : memref<32x80x125xi32, #tpu.memory_space<hbm>> -> memref<1x40x125xi32, #tpu.memory_space<hbm>>
      %dma_start3A_37 = tpu.memref_squeeze %dma_start3A_36 : memref<1x40x125xi32, #tpu.memory_space<hbm>> -> memref<40x125xi32, #tpu.memory_space<hbm>>
      %dma_start3A_38 = arith.constant 0 : i32
      %dma_start3A_39 = arith.constant 0 : i32
      %dma_start3A_40 = tpu.memref_slice %arg4[%add3A, %dma_start3A_38, %dma_start3A_39] : memref<32x80x125xi32, #tpu.memory_space<hbm>> -> memref<1x40x125xi32, #tpu.memory_space<hbm>>
      %dma_start3A_41 = tpu.memref_squeeze %dma_start3A_40 : memref<1x40x125xi32, #tpu.memory_space<hbm>> -> memref<40x125xi32, #tpu.memory_space<hbm>>
      tpu.enqueue_dma source(%dma_start3A_41 : memref<40x125xi32, #tpu.memory_space<hbm>>) target(%arg8 : memref<40x125xi32, #tpu.memory_space<vmem>>) target_semaphore(%run_scoped3A : memref<!tpu.dma_semaphore, #tpu.memory_space<semaphore_mem>>)
      %dma_wait3A = arith.constant 0 : i32
      %dma_wait3A_42 = arith.constant 0 : i32
      %dma_wait3A_43 = tpu.memref_slice %arg4[%add3A, %dma_wait3A, %dma_wait3A_42] : memref<32x80x125xi32, #tpu.memory_space<hbm>> -> memref<1x40x125xi32, #tpu.memory_space<hbm>>
      %dma_wait3A_44 = tpu.memref_squeeze %dma_wait3A_43 : memref<1x40x125xi32, #tpu.memory_space<hbm>> -> memref<40x125xi32, #tpu.memory_space<hbm>>
      %dma_wait3A_45 = arith.constant 0 : i32
      %dma_wait3A_46 = arith.constant 0 : i32
      %dma_wait3A_47 = tpu.memref_slice %arg4[%add3A, %dma_wait3A_45, %dma_wait3A_46] : memref<32x80x125xi32, #tpu.memory_space<hbm>> -> memref<1x40x125xi32, #tpu.memory_space<hbm>>
      %dma_wait3A_48 = tpu.memref_squeeze %dma_wait3A_47 : memref<1x40x125xi32, #tpu.memory_space<hbm>> -> memref<40x125xi32, #tpu.memory_space<hbm>>
      tpu.wait_dma2 semaphore(%run_scoped3A : memref<!tpu.dma_semaphore, #tpu.memory_space<semaphore_mem>>) src(%dma_wait3A_48 : memref<40x125xi32, #tpu.memory_space<hbm>>) dst(%arg8 : memref<40x125xi32, #tpu.memory_space<vmem>>)
      tpu.yield
    }) : () -> ()
    %dma_start3A = arith.constant 0 : i32
    %dma_start3A_5 = arith.constant 0 : i32
    %dma_start3A_6 = tpu.memref_slice %arg7[%dma_start3A, %dma_start3A_5] : memref<40x125xi32, #tpu.memory_space<vmem>> -> memref<1x125xi32, #tpu.memory_space<vmem>>
    %dma_start3A_7 = tpu.memref_squeeze %dma_start3A_6 : memref<1x125xi32, #tpu.memory_space<vmem>> -> memref<125xi32, #tpu.memory_space<vmem>>
    %dma_start3A_8 = arith.constant 0 : i32
    %dma_start3A_9 = arith.constant 0 : i32
    %dma_start3A_10 = tpu.memref_slice %arg2[%dma_start3A_8, %dma_start3A_9] : memref<10000x128xf32, #tpu.memory_space<hbm>> -> memref<10000x128xf32, #tpu.memory_space<hbm>>
    tpu.enqueue_indirect_dma source(%dma_start3A_10 : memref<10000x128xf32, #tpu.memory_space<hbm>>) target(%arg9 : memref<125x128xf32, #tpu.memory_space<vmem>>) offsets(%dma_start3A_7 : memref<125xi32, #tpu.memory_space<vmem>>) semaphore(%arg12 : memref<!tpu.dma_semaphore, #tpu.memory_space<semaphore_mem>>)
    %scan3A = arith.constant 0 : i32
    %scan3A_11 = arith.constant 0 : i32
    %scan3A_12 = arith.constant 20 : i32
    %scan3A_13 = arith.addi %scan3A_11, %scan3A_12 : i32
    %scan3A_14 = arith.constant 1 : i32
    scf.for %scan3A_34 = %scan3A_11 to %scan3A_13 step %scan3A_14  : i32 {
      %mul3A_35 = arith.constant 2 : i32
      %mul3A_36 = arith.muli %mul3A_35, %scan3A_34 : i32
      %add3A_37 = arith.constant 1 : i32
      %add3A_38 = arith.addi %mul3A_36, %add3A_37 : i32
      %dma_start3A_39 = arith.constant 0 : i32
      %dma_start3A_40 = tpu.memref_slice %arg7[%add3A_38, %dma_start3A_39] : memref<40x125xi32, #tpu.memory_space<vmem>> -> memref<1x125xi32, #tpu.memory_space<vmem>>
      %dma_start3A_41 = tpu.memref_squeeze %dma_start3A_40 : memref<1x125xi32, #tpu.memory_space<vmem>> -> memref<125xi32, #tpu.memory_space<vmem>>
      %dma_start3A_42 = arith.constant 0 : i32
      %dma_start3A_43 = arith.constant 0 : i32
      %dma_start3A_44 = tpu.memref_slice %arg2[%dma_start3A_42, %dma_start3A_43] : memref<10000x128xf32, #tpu.memory_space<hbm>> -> memref<10000x128xf32, #tpu.memory_space<hbm>>
      tpu.enqueue_indirect_dma source(%dma_start3A_44 : memref<10000x128xf32, #tpu.memory_space<hbm>>) target(%arg10 : memref<125x128xf32, #tpu.memory_space<vmem>>) offsets(%dma_start3A_41 : memref<125xi32, #tpu.memory_space<vmem>>) semaphore(%arg13 : memref<!tpu.dma_semaphore, #tpu.memory_space<semaphore_mem>>)
      %dma_wait3A = arith.constant 0 : i32
      %dma_wait3A_45 = tpu.memref_slice %arg7[%mul3A_36, %dma_wait3A] : memref<40x125xi32, #tpu.memory_space<vmem>> -> memref<1x125xi32, #tpu.memory_space<vmem>>
      %dma_wait3A_46 = tpu.memref_squeeze %dma_wait3A_45 : memref<1x125xi32, #tpu.memory_space<vmem>> -> memref<125xi32, #tpu.memory_space<vmem>>
      %dma_wait3A_47 = arith.constant 0 : i32
      %dma_wait3A_48 = arith.constant 0 : i32
      %dma_wait3A_49 = tpu.memref_slice %arg2[%dma_wait3A_47, %dma_wait3A_48] : memref<10000x128xf32, #tpu.memory_space<hbm>> -> memref<10000x128xf32, #tpu.memory_space<hbm>>
      tpu.wait_indirect_dma semaphore(%arg12 : memref<!tpu.dma_semaphore, #tpu.memory_space<semaphore_mem>>) src(%dma_wait3A_49 : memref<10000x128xf32, #tpu.memory_space<hbm>>) dst(%arg9 : memref<125x128xf32, #tpu.memory_space<vmem>>)
      "tpu.region"() ({
        %run_scoped3A = tpu.sem_alloc : memref<!tpu.dma_semaphore, #tpu.memory_space<semaphore_mem>>
        %dma_start3A_62 = arith.constant 0 : i32
        %dma_start3A_63 = tpu.memref_slice %arg8[%mul3A_36, %dma_start3A_62] : memref<40x125xi32, #tpu.memory_space<vmem>> -> memref<1x125xi32, #tpu.memory_space<vmem>>
        %dma_start3A_64 = tpu.memref_squeeze %dma_start3A_63 : memref<1x125xi32, #tpu.memory_space<vmem>> -> memref<125xi32, #tpu.memory_space<vmem>>
        %dma_start3A_65 = arith.constant 0 : i32
        %dma_start3A_66 = arith.constant 0 : i32
        %dma_start3A_67 = tpu.memref_slice %arg11[%dma_start3A_65, %dma_start3A_66] : memref<10112x128xf32, #tpu.memory_space<vmem_shared>> -> memref<10112x128xf32, #tpu.memory_space<vmem_shared>>
        tpu.enqueue_indirect_dma source(%arg9 : memref<125x128xf32, #tpu.memory_space<vmem>>) target(%dma_start3A_67 : memref<10112x128xf32, #tpu.memory_space<vmem_shared>>) offsets(%dma_start3A_64 : memref<125xi32, #tpu.memory_space<vmem>>) semaphore(%run_scoped3A : memref<!tpu.dma_semaphore, #tpu.memory_space<semaphore_mem>>) {add = true}
        %dma_wait3A_68 = arith.constant 0 : i32
        %dma_wait3A_69 = tpu.memref_slice %arg8[%mul3A_36, %dma_wait3A_68] : memref<40x125xi32, #tpu.memory_space<vmem>> -> memref<1x125xi32, #tpu.memory_space<vmem>>
        %dma_wait3A_70 = tpu.memref_squeeze %dma_wait3A_69 : memref<1x125xi32, #tpu.memory_space<vmem>> -> memref<125xi32, #tpu.memory_space<vmem>>
        %dma_wait3A_71 = arith.constant 0 : i32
        %dma_wait3A_72 = arith.constant 0 : i32
        %dma_wait3A_73 = tpu.memref_slice %arg11[%dma_wait3A_71, %dma_wait3A_72] : memref<10112x128xf32, #tpu.memory_space<vmem_shared>> -> memref<10112x128xf32, #tpu.memory_space<vmem_shared>>
        tpu.wait_indirect_dma semaphore(%run_scoped3A : memref<!tpu.dma_semaphore, #tpu.memory_space<semaphore_mem>>) src(%arg9 : memref<125x128xf32, #tpu.memory_space<vmem>>) dst(%dma_wait3A_73 : memref<10112x128xf32, #tpu.memory_space<vmem_shared>>)
        tpu.yield
      }) : () -> ()
      %lt3A = arith.constant 19 : i32
      %lt3A_50 = arith.cmpi slt, %scan3A_34, %lt3A : i32
      %convert_element_type3A = arith.extui %lt3A_50 : i1 to i32
      %cond3A = arith.constant 0 : i32
      %cond3A_51 = arith.cmpi ne, %convert_element_type3A, %cond3A : i32
      scf.if %cond3A_51 {
        %add3A_62 = arith.constant 2 : i32
        %add3A_63 = arith.addi %mul3A_36, %add3A_62 : i32
        %dma_start3A_64 = arith.constant 0 : i32
        %dma_start3A_65 = tpu.memref_slice %arg7[%add3A_63, %dma_start3A_64] : memref<40x125xi32, #tpu.memory_space<vmem>> -> memref<1x125xi32, #tpu.memory_space<vmem>>
        %dma_start3A_66 = tpu.memref_squeeze %dma_start3A_65 : memref<1x125xi32, #tpu.memory_space<vmem>> -> memref<125xi32, #tpu.memory_space<vmem>>
        %dma_start3A_67 = arith.constant 0 : i32
        %dma_start3A_68 = arith.constant 0 : i32
        %dma_start3A_69 = tpu.memref_slice %arg2[%dma_start3A_67, %dma_start3A_68] : memref<10000x128xf32, #tpu.memory_space<hbm>> -> memref<10000x128xf32, #tpu.memory_space<hbm>>
        tpu.enqueue_indirect_dma source(%dma_start3A_69 : memref<10000x128xf32, #tpu.memory_space<hbm>>) target(%arg9 : memref<125x128xf32, #tpu.memory_space<vmem>>) offsets(%dma_start3A_66 : memref<125xi32, #tpu.memory_space<vmem>>) semaphore(%arg12 : memref<!tpu.dma_semaphore, #tpu.memory_space<semaphore_mem>>)
      } else {
      }
      %add3A_52 = arith.constant 1 : i32
      %add3A_53 = arith.addi %mul3A_36, %add3A_52 : i32
      %dma_wait3A_54 = arith.constant 0 : i32
      %dma_wait3A_55 = tpu.memref_slice %arg7[%add3A_53, %dma_wait3A_54] : memref<40x125xi32, #tpu.memory_space<vmem>> -> memref<1x125xi32, #tpu.memory_space<vmem>>
      %dma_wait3A_56 = tpu.memref_squeeze %dma_wait3A_55 : memref<1x125xi32, #tpu.memory_space<vmem>> -> memref<125xi32, #tpu.memory_space<vmem>>
      %dma_wait3A_57 = arith.constant 0 : i32
      %dma_wait3A_58 = arith.constant 0 : i32
      %dma_wait3A_59 = tpu.memref_slice %arg2[%dma_wait3A_57, %dma_wait3A_58] : memref<10000x128xf32, #tpu.memory_space<hbm>> -> memref<10000x128xf32, #tpu.memory_space<hbm>>
      tpu.wait_indirect_dma semaphore(%arg13 : memref<!tpu.dma_semaphore, #tpu.memory_space<semaphore_mem>>) src(%dma_wait3A_59 : memref<10000x128xf32, #tpu.memory_space<hbm>>) dst(%arg10 : memref<125x128xf32, #tpu.memory_space<vmem>>)
      %add3A_60 = arith.constant 1 : i32
      %add3A_61 = arith.addi %mul3A_36, %add3A_60 : i32
      "tpu.region"() ({
        %run_scoped3A = tpu.sem_alloc : memref<!tpu.dma_semaphore, #tpu.memory_space<semaphore_mem>>
        %dma_start3A_62 = arith.constant 0 : i32
        %dma_start3A_63 = tpu.memref_slice %arg8[%add3A_61, %dma_start3A_62] : memref<40x125xi32, #tpu.memory_space<vmem>> -> memref<1x125xi32, #tpu.memory_space<vmem>>
        %dma_start3A_64 = tpu.memref_squeeze %dma_start3A_63 : memref<1x125xi32, #tpu.memory_space<vmem>> -> memref<125xi32, #tpu.memory_space<vmem>>
        %dma_start3A_65 = arith.constant 0 : i32
        %dma_start3A_66 = arith.constant 0 : i32
        %dma_start3A_67 = tpu.memref_slice %arg11[%dma_start3A_65, %dma_start3A_66] : memref<10112x128xf32, #tpu.memory_space<vmem_shared>> -> memref<10112x128xf32, #tpu.memory_space<vmem_shared>>
        tpu.enqueue_indirect_dma source(%arg10 : memref<125x128xf32, #tpu.memory_space<vmem>>) target(%dma_start3A_67 : memref<10112x128xf32, #tpu.memory_space<vmem_shared>>) offsets(%dma_start3A_64 : memref<125xi32, #tpu.memory_space<vmem>>) semaphore(%run_scoped3A : memref<!tpu.dma_semaphore, #tpu.memory_space<semaphore_mem>>) {add = true}
        %dma_wait3A_68 = arith.constant 0 : i32
        %dma_wait3A_69 = tpu.memref_slice %arg8[%add3A_61, %dma_wait3A_68] : memref<40x125xi32, #tpu.memory_space<vmem>> -> memref<1x125xi32, #tpu.memory_space<vmem>>
        %dma_wait3A_70 = tpu.memref_squeeze %dma_wait3A_69 : memref<1x125xi32, #tpu.memory_space<vmem>> -> memref<125xi32, #tpu.memory_space<vmem>>
        %dma_wait3A_71 = arith.constant 0 : i32
        %dma_wait3A_72 = arith.constant 0 : i32
        %dma_wait3A_73 = tpu.memref_slice %arg11[%dma_wait3A_71, %dma_wait3A_72] : memref<10112x128xf32, #tpu.memory_space<vmem_shared>> -> memref<10112x128xf32, #tpu.memory_space<vmem_shared>>
        tpu.wait_indirect_dma semaphore(%run_scoped3A : memref<!tpu.dma_semaphore, #tpu.memory_space<semaphore_mem>>) src(%arg10 : memref<125x128xf32, #tpu.memory_space<vmem>>) dst(%dma_wait3A_73 : memref<10112x128xf32, #tpu.memory_space<vmem_shared>>)
        tpu.yield
      }) : () -> ()
    }
    %scan3A_15 = arith.constant 20 : i32
    "tpu.region"() ({
      %run_scoped3A = tpu.sem_alloc : memref<!tpu.dma_semaphore, #tpu.memory_space<semaphore_mem>>
      %dma_start3A_34 = arith.constant 40 : i32
      %dma_start3A_35 = arith.constant 0 : i32
      %dma_start3A_36 = tpu.memref_slice %arg3[%add3A, %dma_start3A_34, %dma_start3A_35] : memref<32x80x125xi32, #tpu.memory_space<hbm>> -> memref<1x40x125xi32, #tpu.memory_space<hbm>>
      %dma_start3A_37 = tpu.memref_squeeze %dma_start3A_36 : memref<1x40x125xi32, #tpu.memory_space<hbm>> -> memref<40x125xi32, #tpu.memory_space<hbm>>
      %dma_start3A_38 = arith.constant 40 : i32
      %dma_start3A_39 = arith.constant 0 : i32
      %dma_start3A_40 = tpu.memref_slice %arg3[%add3A, %dma_start3A_38, %dma_start3A_39] : memref<32x80x125xi32, #tpu.memory_space<hbm>> -> memref<1x40x125xi32, #tpu.memory_space<hbm>>
      %dma_start3A_41 = tpu.memref_squeeze %dma_start3A_40 : memref<1x40x125xi32, #tpu.memory_space<hbm>> -> memref<40x125xi32, #tpu.memory_space<hbm>>
      tpu.enqueue_dma source(%dma_start3A_41 : memref<40x125xi32, #tpu.memory_space<hbm>>) target(%arg7 : memref<40x125xi32, #tpu.memory_space<vmem>>) target_semaphore(%run_scoped3A : memref<!tpu.dma_semaphore, #tpu.memory_space<semaphore_mem>>)
      %dma_wait3A = arith.constant 40 : i32
      %dma_wait3A_42 = arith.constant 0 : i32
      %dma_wait3A_43 = tpu.memref_slice %arg3[%add3A, %dma_wait3A, %dma_wait3A_42] : memref<32x80x125xi32, #tpu.memory_space<hbm>> -> memref<1x40x125xi32, #tpu.memory_space<hbm>>
      %dma_wait3A_44 = tpu.memref_squeeze %dma_wait3A_43 : memref<1x40x125xi32, #tpu.memory_space<hbm>> -> memref<40x125xi32, #tpu.memory_space<hbm>>
      %dma_wait3A_45 = arith.constant 40 : i32
      %dma_wait3A_46 = arith.constant 0 : i32
      %dma_wait3A_47 = tpu.memref_slice %arg3[%add3A, %dma_wait3A_45, %dma_wait3A_46] : memref<32x80x125xi32, #tpu.memory_space<hbm>> -> memref<1x40x125xi32, #tpu.memory_space<hbm>>
      %dma_wait3A_48 = tpu.memref_squeeze %dma_wait3A_47 : memref<1x40x125xi32, #tpu.memory_space<hbm>> -> memref<40x125xi32, #tpu.memory_space<hbm>>
      tpu.wait_dma2 semaphore(%run_scoped3A : memref<!tpu.dma_semaphore, #tpu.memory_space<semaphore_mem>>) src(%dma_wait3A_48 : memref<40x125xi32, #tpu.memory_space<hbm>>) dst(%arg7 : memref<40x125xi32, #tpu.memory_space<vmem>>)
      tpu.yield
    }) : () -> ()
    "tpu.region"() ({
      %run_scoped3A = tpu.sem_alloc : memref<!tpu.dma_semaphore, #tpu.memory_space<semaphore_mem>>
      %dma_start3A_34 = arith.constant 40 : i32
      %dma_start3A_35 = arith.constant 0 : i32
      %dma_start3A_36 = tpu.memref_slice %arg4[%add3A, %dma_start3A_34, %dma_start3A_35] : memref<32x80x125xi32, #tpu.memory_space<hbm>> -> memref<1x40x125xi32, #tpu.memory_space<hbm>>
      %dma_start3A_37 = tpu.memref_squeeze %dma_start3A_36 : memref<1x40x125xi32, #tpu.memory_space<hbm>> -> memref<40x125xi32, #tpu.memory_space<hbm>>
      %dma_start3A_38 = arith.constant 40 : i32
      %dma_start3A_39 = arith.constant 0 : i32
      %dma_start3A_40 = tpu.memref_slice %arg4[%add3A, %dma_start3A_38, %dma_start3A_39] : memref<32x80x125xi32, #tpu.memory_space<hbm>> -> memref<1x40x125xi32, #tpu.memory_space<hbm>>
      %dma_start3A_41 = tpu.memref_squeeze %dma_start3A_40 : memref<1x40x125xi32, #tpu.memory_space<hbm>> -> memref<40x125xi32, #tpu.memory_space<hbm>>
      tpu.enqueue_dma source(%dma_start3A_41 : memref<40x125xi32, #tpu.memory_space<hbm>>) target(%arg8 : memref<40x125xi32, #tpu.memory_space<vmem>>) target_semaphore(%run_scoped3A : memref<!tpu.dma_semaphore, #tpu.memory_space<semaphore_mem>>)
      %dma_wait3A = arith.constant 40 : i32
      %dma_wait3A_42 = arith.constant 0 : i32
      %dma_wait3A_43 = tpu.memref_slice %arg4[%add3A, %dma_wait3A, %dma_wait3A_42] : memref<32x80x125xi32, #tpu.memory_space<hbm>> -> memref<1x40x125xi32, #tpu.memory_space<hbm>>
      %dma_wait3A_44 = tpu.memref_squeeze %dma_wait3A_43 : memref<1x40x125xi32, #tpu.memory_space<hbm>> -> memref<40x125xi32, #tpu.memory_space<hbm>>
      %dma_wait3A_45 = arith.constant 40 : i32
      %dma_wait3A_46 = arith.constant 0 : i32
      %dma_wait3A_47 = tpu.memref_slice %arg4[%add3A, %dma_wait3A_45, %dma_wait3A_46] : memref<32x80x125xi32, #tpu.memory_space<hbm>> -> memref<1x40x125xi32, #tpu.memory_space<hbm>>
      %dma_wait3A_48 = tpu.memref_squeeze %dma_wait3A_47 : memref<1x40x125xi32, #tpu.memory_space<hbm>> -> memref<40x125xi32, #tpu.memory_space<hbm>>
      tpu.wait_dma2 semaphore(%run_scoped3A : memref<!tpu.dma_semaphore, #tpu.memory_space<semaphore_mem>>) src(%dma_wait3A_48 : memref<40x125xi32, #tpu.memory_space<hbm>>) dst(%arg8 : memref<40x125xi32, #tpu.memory_space<vmem>>)
      tpu.yield
    }) : () -> ()
    %dma_start3A_16 = arith.constant 0 : i32
    %dma_start3A_17 = arith.constant 0 : i32
    %dma_start3A_18 = tpu.memref_slice %arg7[%dma_start3A_16, %dma_start3A_17] : memref<40x125xi32, #tpu.memory_space<vmem>> -> memref<1x125xi32, #tpu.memory_space<vmem>>
    %dma_start3A_19 = tpu.memref_squeeze %dma_start3A_18 : memref<1x125xi32, #tpu.memory_space<vmem>> -> memref<125xi32, #tpu.memory_space<vmem>>
    %dma_start3A_20 = arith.constant 0 : i32
    %dma_start3A_21 = arith.constant 0 : i32
    %dma_start3A_22 = tpu.memref_slice %arg2[%dma_start3A_20, %dma_start3A_21] : memref<10000x128xf32, #tpu.memory_space<hbm>> -> memref<10000x128xf32, #tpu.memory_space<hbm>>
    tpu.enqueue_indirect_dma source(%dma_start3A_22 : memref<10000x128xf32, #tpu.memory_space<hbm>>) target(%arg9 : memref<125x128xf32, #tpu.memory_space<vmem>>) offsets(%dma_start3A_19 : memref<125xi32, #tpu.memory_space<vmem>>) semaphore(%arg12 : memref<!tpu.dma_semaphore, #tpu.memory_space<semaphore_mem>>)
    %scan3A_23 = arith.constant 0 : i32
    %scan3A_24 = arith.constant 0 : i32
    %scan3A_25 = arith.constant 20 : i32
    %scan3A_26 = arith.addi %scan3A_24, %scan3A_25 : i32
    %scan3A_27 = arith.constant 1 : i32
    scf.for %scan3A_34 = %scan3A_24 to %scan3A_26 step %scan3A_27  : i32 {
      %mul3A_35 = arith.constant 2 : i32
      %mul3A_36 = arith.muli %mul3A_35, %scan3A_34 : i32
      %add3A_37 = arith.constant 1 : i32
      %add3A_38 = arith.addi %mul3A_36, %add3A_37 : i32
      %dma_start3A_39 = arith.constant 0 : i32
      %dma_start3A_40 = tpu.memref_slice %arg7[%add3A_38, %dma_start3A_39] : memref<40x125xi32, #tpu.memory_space<vmem>> -> memref<1x125xi32, #tpu.memory_space<vmem>>
      %dma_start3A_41 = tpu.memref_squeeze %dma_start3A_40 : memref<1x125xi32, #tpu.memory_space<vmem>> -> memref<125xi32, #tpu.memory_space<vmem>>
      %dma_start3A_42 = arith.constant 0 : i32
      %dma_start3A_43 = arith.constant 0 : i32
      %dma_start3A_44 = tpu.memref_slice %arg2[%dma_start3A_42, %dma_start3A_43] : memref<10000x128xf32, #tpu.memory_space<hbm>> -> memref<10000x128xf32, #tpu.memory_space<hbm>>
      tpu.enqueue_indirect_dma source(%dma_start3A_44 : memref<10000x128xf32, #tpu.memory_space<hbm>>) target(%arg10 : memref<125x128xf32, #tpu.memory_space<vmem>>) offsets(%dma_start3A_41 : memref<125xi32, #tpu.memory_space<vmem>>) semaphore(%arg13 : memref<!tpu.dma_semaphore, #tpu.memory_space<semaphore_mem>>)
      %dma_wait3A = arith.constant 0 : i32
      %dma_wait3A_45 = tpu.memref_slice %arg7[%mul3A_36, %dma_wait3A] : memref<40x125xi32, #tpu.memory_space<vmem>> -> memref<1x125xi32, #tpu.memory_space<vmem>>
      %dma_wait3A_46 = tpu.memref_squeeze %dma_wait3A_45 : memref<1x125xi32, #tpu.memory_space<vmem>> -> memref<125xi32, #tpu.memory_space<vmem>>
      %dma_wait3A_47 = arith.constant 0 : i32
      %dma_wait3A_48 = arith.constant 0 : i32
      %dma_wait3A_49 = tpu.memref_slice %arg2[%dma_wait3A_47, %dma_wait3A_48] : memref<10000x128xf32, #tpu.memory_space<hbm>> -> memref<10000x128xf32, #tpu.memory_space<hbm>>
      tpu.wait_indirect_dma semaphore(%arg12 : memref<!tpu.dma_semaphore, #tpu.memory_space<semaphore_mem>>) src(%dma_wait3A_49 : memref<10000x128xf32, #tpu.memory_space<hbm>>) dst(%arg9 : memref<125x128xf32, #tpu.memory_space<vmem>>)
      "tpu.region"() ({
        %run_scoped3A = tpu.sem_alloc : memref<!tpu.dma_semaphore, #tpu.memory_space<semaphore_mem>>
        %dma_start3A_62 = arith.constant 0 : i32
        %dma_start3A_63 = tpu.memref_slice %arg8[%mul3A_36, %dma_start3A_62] : memref<40x125xi32, #tpu.memory_space<vmem>> -> memref<1x125xi32, #tpu.memory_space<vmem>>
        %dma_start3A_64 = tpu.memref_squeeze %dma_start3A_63 : memref<1x125xi32, #tpu.memory_space<vmem>> -> memref<125xi32, #tpu.memory_space<vmem>>
        %dma_start3A_65 = arith.constant 0 : i32
        %dma_start3A_66 = arith.constant 0 : i32
        %dma_start3A_67 = tpu.memref_slice %arg11[%dma_start3A_65, %dma_start3A_66] : memref<10112x128xf32, #tpu.memory_space<vmem_shared>> -> memref<10112x128xf32, #tpu.memory_space<vmem_shared>>
        tpu.enqueue_indirect_dma source(%arg9 : memref<125x128xf32, #tpu.memory_space<vmem>>) target(%dma_start3A_67 : memref<10112x128xf32, #tpu.memory_space<vmem_shared>>) offsets(%dma_start3A_64 : memref<125xi32, #tpu.memory_space<vmem>>) semaphore(%run_scoped3A : memref<!tpu.dma_semaphore, #tpu.memory_space<semaphore_mem>>) {add = true}
        %dma_wait3A_68 = arith.constant 0 : i32
        %dma_wait3A_69 = tpu.memref_slice %arg8[%mul3A_36, %dma_wait3A_68] : memref<40x125xi32, #tpu.memory_space<vmem>> -> memref<1x125xi32, #tpu.memory_space<vmem>>
        %dma_wait3A_70 = tpu.memref_squeeze %dma_wait3A_69 : memref<1x125xi32, #tpu.memory_space<vmem>> -> memref<125xi32, #tpu.memory_space<vmem>>
        %dma_wait3A_71 = arith.constant 0 : i32
        %dma_wait3A_72 = arith.constant 0 : i32
        %dma_wait3A_73 = tpu.memref_slice %arg11[%dma_wait3A_71, %dma_wait3A_72] : memref<10112x128xf32, #tpu.memory_space<vmem_shared>> -> memref<10112x128xf32, #tpu.memory_space<vmem_shared>>
        tpu.wait_indirect_dma semaphore(%run_scoped3A : memref<!tpu.dma_semaphore, #tpu.memory_space<semaphore_mem>>) src(%arg9 : memref<125x128xf32, #tpu.memory_space<vmem>>) dst(%dma_wait3A_73 : memref<10112x128xf32, #tpu.memory_space<vmem_shared>>)
        tpu.yield
      }) : () -> ()
      %lt3A = arith.constant 19 : i32
      %lt3A_50 = arith.cmpi slt, %scan3A_34, %lt3A : i32
      %convert_element_type3A = arith.extui %lt3A_50 : i1 to i32
      %cond3A = arith.constant 0 : i32
      %cond3A_51 = arith.cmpi ne, %convert_element_type3A, %cond3A : i32
      scf.if %cond3A_51 {
        %add3A_62 = arith.constant 2 : i32
        %add3A_63 = arith.addi %mul3A_36, %add3A_62 : i32
        %dma_start3A_64 = arith.constant 0 : i32
        %dma_start3A_65 = tpu.memref_slice %arg7[%add3A_63, %dma_start3A_64] : memref<40x125xi32, #tpu.memory_space<vmem>> -> memref<1x125xi32, #tpu.memory_space<vmem>>
        %dma_start3A_66 = tpu.memref_squeeze %dma_start3A_65 : memref<1x125xi32, #tpu.memory_space<vmem>> -> memref<125xi32, #tpu.memory_space<vmem>>
        %dma_start3A_67 = arith.constant 0 : i32
        %dma_start3A_68 = arith.constant 0 : i32
        %dma_start3A_69 = tpu.memref_slice %arg2[%dma_start3A_67, %dma_start3A_68] : memref<10000x128xf32, #tpu.memory_space<hbm>> -> memref<10000x128xf32, #tpu.memory_space<hbm>>
        tpu.enqueue_indirect_dma source(%dma_start3A_69 : memref<10000x128xf32, #tpu.memory_space<hbm>>) target(%arg9 : memref<125x128xf32, #tpu.memory_space<vmem>>) offsets(%dma_start3A_66 : memref<125xi32, #tpu.memory_space<vmem>>) semaphore(%arg12 : memref<!tpu.dma_semaphore, #tpu.memory_space<semaphore_mem>>)
      } else {
      }
      %add3A_52 = arith.constant 1 : i32
      %add3A_53 = arith.addi %mul3A_36, %add3A_52 : i32
      %dma_wait3A_54 = arith.constant 0 : i32
      %dma_wait3A_55 = tpu.memref_slice %arg7[%add3A_53, %dma_wait3A_54] : memref<40x125xi32, #tpu.memory_space<vmem>> -> memref<1x125xi32, #tpu.memory_space<vmem>>
      %dma_wait3A_56 = tpu.memref_squeeze %dma_wait3A_55 : memref<1x125xi32, #tpu.memory_space<vmem>> -> memref<125xi32, #tpu.memory_space<vmem>>
      %dma_wait3A_57 = arith.constant 0 : i32
      %dma_wait3A_58 = arith.constant 0 : i32
      %dma_wait3A_59 = tpu.memref_slice %arg2[%dma_wait3A_57, %dma_wait3A_58] : memref<10000x128xf32, #tpu.memory_space<hbm>> -> memref<10000x128xf32, #tpu.memory_space<hbm>>
      tpu.wait_indirect_dma semaphore(%arg13 : memref<!tpu.dma_semaphore, #tpu.memory_space<semaphore_mem>>) src(%dma_wait3A_59 : memref<10000x128xf32, #tpu.memory_space<hbm>>) dst(%arg10 : memref<125x128xf32, #tpu.memory_space<vmem>>)
      %add3A_60 = arith.constant 1 : i32
      %add3A_61 = arith.addi %mul3A_36, %add3A_60 : i32
      "tpu.region"() ({
        %run_scoped3A = tpu.sem_alloc : memref<!tpu.dma_semaphore, #tpu.memory_space<semaphore_mem>>
        %dma_start3A_62 = arith.constant 0 : i32
        %dma_start3A_63 = tpu.memref_slice %arg8[%add3A_61, %dma_start3A_62] : memref<40x125xi32, #tpu.memory_space<vmem>> -> memref<1x125xi32, #tpu.memory_space<vmem>>
        %dma_start3A_64 = tpu.memref_squeeze %dma_start3A_63 : memref<1x125xi32, #tpu.memory_space<vmem>> -> memref<125xi32, #tpu.memory_space<vmem>>
        %dma_start3A_65 = arith.constant 0 : i32
        %dma_start3A_66 = arith.constant 0 : i32
        %dma_start3A_67 = tpu.memref_slice %arg11[%dma_start3A_65, %dma_start3A_66] : memref<10112x128xf32, #tpu.memory_space<vmem_shared>> -> memref<10112x128xf32, #tpu.memory_space<vmem_shared>>
        tpu.enqueue_indirect_dma source(%arg10 : memref<125x128xf32, #tpu.memory_space<vmem>>) target(%dma_start3A_67 : memref<10112x128xf32, #tpu.memory_space<vmem_shared>>) offsets(%dma_start3A_64 : memref<125xi32, #tpu.memory_space<vmem>>) semaphore(%run_scoped3A : memref<!tpu.dma_semaphore, #tpu.memory_space<semaphore_mem>>) {add = true}
        %dma_wait3A_68 = arith.constant 0 : i32
        %dma_wait3A_69 = tpu.memref_slice %arg8[%add3A_61, %dma_wait3A_68] : memref<40x125xi32, #tpu.memory_space<vmem>> -> memref<1x125xi32, #tpu.memory_space<vmem>>
        %dma_wait3A_70 = tpu.memref_squeeze %dma_wait3A_69 : memref<1x125xi32, #tpu.memory_space<vmem>> -> memref<125xi32, #tpu.memory_space<vmem>>
        %dma_wait3A_71 = arith.constant 0 : i32
        %dma_wait3A_72 = arith.constant 0 : i32
        %dma_wait3A_73 = tpu.memref_slice %arg11[%dma_wait3A_71, %dma_wait3A_72] : memref<10112x128xf32, #tpu.memory_space<vmem_shared>> -> memref<10112x128xf32, #tpu.memory_space<vmem_shared>>
        tpu.wait_indirect_dma semaphore(%run_scoped3A : memref<!tpu.dma_semaphore, #tpu.memory_space<semaphore_mem>>) src(%arg10 : memref<125x128xf32, #tpu.memory_space<vmem>>) dst(%dma_wait3A_73 : memref<10112x128xf32, #tpu.memory_space<vmem_shared>>)
        tpu.yield
      }) : () -> ()
    }
    %scan3A_28 = arith.constant 20 : i32
    %barrier3A_29 = arith.constant 0 : index
    tpu.barrier barrier_id(%barrier3A_29)
    %mul3A_30 = arith.constant 632 : i32
    %mul3A_31 = arith.muli %arg1, %mul3A_30 : i32
    %mul3A_32 = arith.constant 632 : i32
    %mul3A_33 = arith.muli %arg1, %mul3A_32 : i32
    "tpu.region"() ({
      %run_scoped3A = tpu.sem_alloc : memref<!tpu.dma_semaphore, #tpu.memory_space<semaphore_mem>>
      %dma_start3A_34 = arith.constant 0 : i32
      %dma_start3A_35 = tpu.memref_slice %arg6[%arg0, %mul3A_33, %dma_start3A_34] : memref<2x10112x128xf32, #tpu.memory_space<hbm>> -> memref<1x632x128xf32, #tpu.memory_space<hbm>>
      %dma_start3A_36 = tpu.memref_squeeze %dma_start3A_35 : memref<1x632x128xf32, #tpu.memory_space<hbm>> -> memref<632x128xf32, #tpu.memory_space<hbm>>
      %dma_start3A_37 = arith.constant 0 : i32
      %dma_start3A_38 = tpu.memref_slice %arg11[%mul3A_31, %dma_start3A_37] : memref<10112x128xf32, #tpu.memory_space<vmem_shared>> -> memref<632x128xf32, #tpu.memory_space<vmem_shared>>
      tpu.enqueue_dma source(%dma_start3A_38 : memref<632x128xf32, #tpu.memory_space<vmem_shared>>) target(%dma_start3A_36 : memref<632x128xf32, #tpu.memory_space<hbm>>) target_semaphore(%run_scoped3A : memref<!tpu.dma_semaphore, #tpu.memory_space<semaphore_mem>>)
      %dma_wait3A = arith.constant 0 : i32
      %dma_wait3A_39 = tpu.memref_slice %arg6[%arg0, %mul3A_33, %dma_wait3A] : memref<2x10112x128xf32, #tpu.memory_space<hbm>> -> memref<1x632x128xf32, #tpu.memory_space<hbm>>
      %dma_wait3A_40 = tpu.memref_squeeze %dma_wait3A_39 : memref<1x632x128xf32, #tpu.memory_space<hbm>> -> memref<632x128xf32, #tpu.memory_space<hbm>>
      %dma_wait3A_41 = arith.constant 0 : i32
      %dma_wait3A_42 = tpu.memref_slice %arg11[%mul3A_31, %dma_wait3A_41] : memref<10112x128xf32, #tpu.memory_space<vmem_shared>> -> memref<632x128xf32, #tpu.memory_space<vmem_shared>>
      tpu.wait_dma2 semaphore(%run_scoped3A : memref<!tpu.dma_semaphore, #tpu.memory_space<semaphore_mem>>) src(%dma_wait3A_42 : memref<632x128xf32, #tpu.memory_space<vmem_shared>>) dst(%dma_wait3A_40 : memref<632x128xf32, #tpu.memory_space<hbm>>)
      tpu.yield
    }) : () -> ()
    return
  }
}

module attributes {stable_mosaic.version = 14 : i64} {
  func.func @_first_tc(%arg0: i32, %arg1: memref<2x1000x16xf32, #tpu.memory_space<vmem>>, %arg2: memref<1000x128xf32, #tpu.memory_space<vmem>>, %arg3: memref<128x128xf32, #tpu.memory_space<vmem>>, %arg4: memref<1000x1xf32, #tpu.memory_space<vmem>>, %arg5: memref<1000x128xf32, #tpu.memory_space<vmem>>) attributes {dimension_semantics = [#tpu.dimension_semantics<arbitrary>], iteration_bounds = array<i64: 10>, scalar_prefetch = 0 : i64, scratch_operands = 0 : i64, tpu.core_type = #tpu.core_type<tc>, window_params = [{transform_indices = @transform_0, window_bounds = array<i64: 2, 1000, 16>}, {transform_indices = @transform_1, window_bounds = array<i64: 1000, 128>}, {pipeline_mode = #tpu.pipeline_mode<synchronous>, transform_indices = @transform_2, window_bounds = array<i64: 128, 128>}, {transform_indices = @transform_3, window_bounds = array<i64: 1000, 1>}, {transform_indices = @transform_4, window_bounds = array<i64: 1000, 128>}]} {
    %get3A = arith.constant 0 : index
    %get3A_0 = arith.constant 0 : index
    %get3A_1 = arith.constant 0 : index
    %get3A_2 = vector.load %arg1[%get3A, %get3A_0, %get3A_1] : memref<2x1000x16xf32, #tpu.memory_space<vmem>>, vector<1x1000x1xf32>
    %get3A_3 = vector.shape_cast %get3A_2 : vector<1x1000x1xf32> to vector<1000x1xf32>
    %get3A_4 = arith.constant 1 : index
    %get3A_5 = arith.constant 0 : index
    %get3A_6 = arith.constant 0 : index
    %get3A_7 = vector.load %arg1[%get3A_4, %get3A_5, %get3A_6] : memref<2x1000x16xf32, #tpu.memory_space<vmem>>, vector<1x1000x1xf32>
    %get3A_8 = vector.shape_cast %get3A_7 : vector<1x1000x1xf32> to vector<1000x1xf32>
    %add3A = arith.addf %get3A_3, %get3A_8 : vector<1000x1xf32>
    %rsqrt3A = math.rsqrt %add3A : vector<1000x1xf32>
    %swap3A = arith.constant 0 : index
    %swap3A_9 = arith.constant 0 : index
    %swap3A_10 = vector.load %arg4[%swap3A, %swap3A_9] : memref<1000x1xf32, #tpu.memory_space<vmem>>, vector<1000x1xf32>
    tpu.vector_store %arg4[%swap3A, %swap3A_9], %rsqrt3A {strides = array<i32>} : memref<1000x1xf32, #tpu.memory_space<vmem>>, vector<1000x1xf32>,
    %get3A_11 = arith.constant 0 : index
    %get3A_12 = arith.constant 0 : index
    %get3A_13 = vector.load %arg2[%get3A_11, %get3A_12] : memref<1000x128xf32, #tpu.memory_space<vmem>>, vector<1000x128xf32>
    %get3A_14 = arith.constant 0 : index
    %get3A_15 = arith.constant 0 : index
    %get3A_16 = vector.load %arg3[%get3A_14, %get3A_15] : memref<128x128xf32, #tpu.memory_space<vmem>>, vector<128x128xf32>
    %dot_general3A = arith.constant dense<0.000000e+00> : vector<1000x128xf32>
    %dot_general3A_17 = tpu.matmul %get3A_13, %get3A_16, %dot_general3A {dimension_numbers = #tpu.dot_dimension_numbers<[1], [0], [0], [1], [0, 0, 1, 1], [], []>, transpose_lhs_hint = false} : vector<1000x128xf32>, vector<128x128xf32>, vector<1000x128xf32> -> vector<1000x128xf32>
    %mul3A = vector.broadcast %rsqrt3A : vector<1000x1xf32> to vector<1000x128xf32>
    %mul3A_18 = arith.mulf %mul3A, %dot_general3A_17 : vector<1000x128xf32>
    %swap3A_19 = arith.constant 0 : index
    %swap3A_20 = arith.constant 0 : index
    %swap3A_21 = vector.load %arg5[%swap3A_19, %swap3A_20] : memref<1000x128xf32, #tpu.memory_space<vmem>>, vector<1000x128xf32>
    tpu.vector_store %arg5[%swap3A_19, %swap3A_20], %mul3A_18 {strides = array<i32>} : memref<1000x128xf32, #tpu.memory_space<vmem>>, vector<1000x128xf32>,
    return
  }
  func.func @transform_0(%arg0: i32) -> (i32, i32, i32) {
    %c0_i32 = arith.constant 0 : i32
    %c0_i32_0 = arith.constant 0 : i32
    %c0_i32_1 = arith.constant 0 : i32
    return %c0_i32, %arg0, %c0_i32_0 : i32, i32, i32
  }
  func.func @transform_1(%arg0: i32) -> (i32, i32) {
    %c0_i32 = arith.constant 0 : i32
    %c0_i32_0 = arith.constant 0 : i32
    return %arg0, %c0_i32 : i32, i32
  }
  func.func @transform_2(%arg0: i32) -> (i32, i32) {
    %c0_i32 = arith.constant 0 : i32
    %c0_i32_0 = arith.constant 0 : i32
    %c0_i32_1 = arith.constant 0 : i32
    return %c0_i32, %c0_i32_0 : i32, i32
  }
  func.func @transform_3(%arg0: i32) -> (i32, i32) {
    %c0_i32 = arith.constant 0 : i32
    %c0_i32_0 = arith.constant 0 : i32
    return %arg0, %c0_i32 : i32, i32
  }
  func.func @transform_4(%arg0: i32) -> (i32, i32) {
    %c0_i32 = arith.constant 0 : i32
    %c0_i32_0 = arith.constant 0 : i32
    return %arg0, %c0_i32 : i32, i32
  }
}

module attributes {stable_mosaic.version = 14 : i64} {
  func.func @_mid_tc(%arg0: i32, %arg1: memref<2x1000x128xf32, #tpu.memory_space<vmem>>, %arg2: memref<1000x128xf32, #tpu.memory_space<vmem>>, %arg3: memref<1000x1xf32, #tpu.memory_space<vmem>>, %arg4: memref<1x128xf32, #tpu.memory_space<vmem>>, %arg5: memref<1x128xf32, #tpu.memory_space<vmem>>, %arg6: memref<1x128xf32, #tpu.memory_space<vmem>>, %arg7: memref<128x128xf32, #tpu.memory_space<vmem>>, %arg8: memref<1000x128xf32, #tpu.memory_space<vmem>>) attributes {dimension_semantics = [#tpu.dimension_semantics<arbitrary>], iteration_bounds = array<i64: 10>, scalar_prefetch = 0 : i64, scratch_operands = 0 : i64, tpu.core_type = #tpu.core_type<tc>, window_params = [{transform_indices = @transform_0, window_bounds = array<i64: 2, 1000, 128>}, {transform_indices = @transform_1, window_bounds = array<i64: 1000, 128>}, {transform_indices = @transform_2, window_bounds = array<i64: 1000, 1>}, {pipeline_mode = #tpu.pipeline_mode<synchronous>, transform_indices = @transform_3, window_bounds = array<i64: 1, 128>}, {pipeline_mode = #tpu.pipeline_mode<synchronous>, transform_indices = @transform_4, window_bounds = array<i64: 1, 128>}, {pipeline_mode = #tpu.pipeline_mode<synchronous>, transform_indices = @transform_5, window_bounds = array<i64: 1, 128>}, {pipeline_mode = #tpu.pipeline_mode<synchronous>, transform_indices = @transform_6, window_bounds = array<i64: 128, 128>}, {transform_indices = @transform_7, window_bounds = array<i64: 1000, 128>}]} {
    %get3A = arith.constant 0 : index
    %get3A_0 = arith.constant 0 : index
    %get3A_1 = vector.load %arg3[%get3A, %get3A_0] : memref<1000x1xf32, #tpu.memory_space<vmem>>, vector<1000x1xf32>
    %get3A_2 = arith.constant 0 : index
    %get3A_3 = arith.constant 0 : index
    %get3A_4 = arith.constant 0 : index
    %get3A_5 = vector.load %arg1[%get3A_2, %get3A_3, %get3A_4] : memref<2x1000x128xf32, #tpu.memory_space<vmem>>, vector<1x1000x128xf32>
    %get3A_6 = vector.shape_cast %get3A_5 : vector<1x1000x128xf32> to vector<1000x128xf32>
    %get3A_7 = arith.constant 1 : index
    %get3A_8 = arith.constant 0 : index
    %get3A_9 = arith.constant 0 : index
    %get3A_10 = vector.load %arg1[%get3A_7, %get3A_8, %get3A_9] : memref<2x1000x128xf32, #tpu.memory_space<vmem>>, vector<1x1000x128xf32>
    %get3A_11 = vector.shape_cast %get3A_10 : vector<1x1000x128xf32> to vector<1000x128xf32>
    %add3A = arith.addf %get3A_6, %get3A_11 : vector<1000x128xf32>
    %get3A_12 = arith.constant 0 : index
    %get3A_13 = arith.constant 0 : index
    %get3A_14 = vector.load %arg2[%get3A_12, %get3A_13] : memref<1000x128xf32, #tpu.memory_space<vmem>>, vector<1000x128xf32>
    %add3A_15 = arith.addf %add3A, %get3A_14 : vector<1000x128xf32>
    %mul3A = vector.broadcast %get3A_1 : vector<1000x1xf32> to vector<1000x128xf32>
    %mul3A_16 = arith.mulf %mul3A, %add3A_15 : vector<1000x128xf32>
    %get3A_17 = arith.constant 0 : index
    %get3A_18 = arith.constant 0 : index
    %get3A_19 = vector.load %arg4[%get3A_17, %get3A_18] : memref<1x128xf32, #tpu.memory_space<vmem>>, vector<1x128xf32>
    %add3A_20 = vector.broadcast %get3A_19 : vector<1x128xf32> to vector<1000x128xf32>
    %add3A_21 = arith.addf %mul3A_16, %add3A_20 : vector<1000x128xf32>
    %get3A_22 = arith.constant 0 : index
    %get3A_23 = arith.constant 0 : index
    %get3A_24 = vector.load %arg5[%get3A_22, %get3A_23] : memref<1x128xf32, #tpu.memory_space<vmem>>, vector<1x128xf32>
    %mul3A_25 = arith.constant 0.999994993 : f32
    %mul3A_26 = vector.broadcast %mul3A_25 : f32 to vector<1x128xf32>
    %mul3A_27 = arith.mulf %get3A_24, %mul3A_26 : vector<1x128xf32>
    %mul3A_28 = vector.broadcast %mul3A_27 : vector<1x128xf32> to vector<1000x128xf32>
    %mul3A_29 = arith.mulf %add3A_21, %mul3A_28 : vector<1000x128xf32>
    %get3A_30 = arith.constant 0 : index
    %get3A_31 = arith.constant 0 : index
    %get3A_32 = vector.load %arg6[%get3A_30, %get3A_31] : memref<1x128xf32, #tpu.memory_space<vmem>>, vector<1x128xf32>
    %add3A_33 = vector.broadcast %get3A_32 : vector<1x128xf32> to vector<1000x128xf32>
    %add3A_34 = arith.addf %mul3A_29, %add3A_33 : vector<1000x128xf32>
    %max3A = arith.constant 0.000000e+00 : f32
    %max3A_35 = vector.broadcast %max3A : f32 to vector<1000x128xf32>
    %max3A_36 = arith.maximumf %add3A_34, %max3A_35 : vector<1000x128xf32>
    %get3A_37 = arith.constant 0 : index
    %get3A_38 = arith.constant 0 : index
    %get3A_39 = vector.load %arg7[%get3A_37, %get3A_38] : memref<128x128xf32, #tpu.memory_space<vmem>>, vector<128x128xf32>
    %dot_general3A = arith.constant dense<0.000000e+00> : vector<1000x128xf32>
    %dot_general3A_40 = tpu.matmul %max3A_36, %get3A_39, %dot_general3A {dimension_numbers = #tpu.dot_dimension_numbers<[1], [0], [0], [1], [0, 0, 1, 1], [], []>, transpose_lhs_hint = false} : vector<1000x128xf32>, vector<128x128xf32>, vector<1000x128xf32> -> vector<1000x128xf32>
    %mul3A_41 = vector.broadcast %get3A_1 : vector<1000x1xf32> to vector<1000x128xf32>
    %mul3A_42 = arith.mulf %mul3A_41, %dot_general3A_40 : vector<1000x128xf32>
    %swap3A = arith.constant 0 : index
    %swap3A_43 = arith.constant 0 : index
    %swap3A_44 = vector.load %arg8[%swap3A, %swap3A_43] : memref<1000x128xf32, #tpu.memory_space<vmem>>, vector<1000x128xf32>
    tpu.vector_store %arg8[%swap3A, %swap3A_43], %mul3A_42 {strides = array<i32>} : memref<1000x128xf32, #tpu.memory_space<vmem>>, vector<1000x128xf32>,
    return
  }
  func.func @transform_0(%arg0: i32) -> (i32, i32, i32) {
    %c0_i32 = arith.constant 0 : i32
    %c0_i32_0 = arith.constant 0 : i32
    %c0_i32_1 = arith.constant 0 : i32
    return %c0_i32, %arg0, %c0_i32_0 : i32, i32, i32
  }
  func.func @transform_1(%arg0: i32) -> (i32, i32) {
    %c0_i32 = arith.constant 0 : i32
    %c0_i32_0 = arith.constant 0 : i32
    return %arg0, %c0_i32 : i32, i32
  }
  func.func @transform_2(%arg0: i32) -> (i32, i32) {
    %c0_i32 = arith.constant 0 : i32
    %c0_i32_0 = arith.constant 0 : i32
    return %arg0, %c0_i32 : i32, i32
  }
  func.func @transform_3(%arg0: i32) -> (i32, i32) {
    %c0_i32 = arith.constant 0 : i32
    %c0_i32_0 = arith.constant 0 : i32
    %c0_i32_1 = arith.constant 0 : i32
    return %c0_i32, %c0_i32_0 : i32, i32
  }
  func.func @transform_4(%arg0: i32) -> (i32, i32) {
    %c0_i32 = arith.constant 0 : i32
    %c0_i32_0 = arith.constant 0 : i32
    %c0_i32_1 = arith.constant 0 : i32
    return %c0_i32, %c0_i32_0 : i32, i32
  }
  func.func @transform_5(%arg0: i32) -> (i32, i32) {
    %c0_i32 = arith.constant 0 : i32
    %c0_i32_0 = arith.constant 0 : i32
    %c0_i32_1 = arith.constant 0 : i32
    return %c0_i32, %c0_i32_0 : i32, i32
  }
  func.func @transform_6(%arg0: i32) -> (i32, i32) {
    %c0_i32 = arith.constant 0 : i32
    %c0_i32_0 = arith.constant 0 : i32
    %c0_i32_1 = arith.constant 0 : i32
    return %c0_i32, %c0_i32_0 : i32, i32
  }
  func.func @transform_7(%arg0: i32) -> (i32, i32) {
    %c0_i32 = arith.constant 0 : i32
    %c0_i32_0 = arith.constant 0 : i32
    return %arg0, %c0_i32 : i32, i32
  }
}

module attributes {stable_mosaic.version = 14 : i64} {
  func.func @_last_tc(%arg0: i32, %arg1: memref<2x1000x128xf32, #tpu.memory_space<vmem>>, %arg2: memref<1000x128xf32, #tpu.memory_space<vmem>>, %arg3: memref<1000x1xf32, #tpu.memory_space<vmem>>, %arg4: memref<1x40xf32, #tpu.memory_space<vmem>>, %arg5: memref<1000x40xf32, #tpu.memory_space<vmem>>) attributes {dimension_semantics = [#tpu.dimension_semantics<arbitrary>], iteration_bounds = array<i64: 10>, scalar_prefetch = 0 : i64, scratch_operands = 0 : i64, tpu.core_type = #tpu.core_type<tc>, window_params = [{transform_indices = @transform_0, window_bounds = array<i64: 2, 1000, 128>}, {transform_indices = @transform_1, window_bounds = array<i64: 1000, 128>}, {transform_indices = @transform_2, window_bounds = array<i64: 1000, 1>}, {pipeline_mode = #tpu.pipeline_mode<synchronous>, transform_indices = @transform_3, window_bounds = array<i64: 1, 40>}, {transform_indices = @transform_4, window_bounds = array<i64: 1000, 40>}]} {
    %get3A = arith.constant 0 : index
    %get3A_0 = arith.constant 0 : index
    %get3A_1 = vector.load %arg3[%get3A, %get3A_0] : memref<1000x1xf32, #tpu.memory_space<vmem>>, vector<1000x1xf32>
    %get3A_2 = arith.constant 0 : index
    %get3A_3 = arith.constant 0 : index
    %get3A_4 = arith.constant 0 : index
    %get3A_5 = vector.load %arg1[%get3A_2, %get3A_3, %get3A_4] : memref<2x1000x128xf32, #tpu.memory_space<vmem>>, vector<1x1000x40xf32>
    %get3A_6 = vector.shape_cast %get3A_5 : vector<1x1000x40xf32> to vector<1000x40xf32>
    %get3A_7 = arith.constant 1 : index
    %get3A_8 = arith.constant 0 : index
    %get3A_9 = arith.constant 0 : index
    %get3A_10 = vector.load %arg1[%get3A_7, %get3A_8, %get3A_9] : memref<2x1000x128xf32, #tpu.memory_space<vmem>>, vector<1x1000x40xf32>
    %get3A_11 = vector.shape_cast %get3A_10 : vector<1x1000x40xf32> to vector<1000x40xf32>
    %add3A = arith.addf %get3A_6, %get3A_11 : vector<1000x40xf32>
    %get3A_12 = arith.constant 0 : index
    %get3A_13 = arith.constant 0 : index
    %get3A_14 = vector.load %arg2[%get3A_12, %get3A_13] : memref<1000x128xf32, #tpu.memory_space<vmem>>, vector<1000x40xf32>
    %add3A_15 = arith.addf %add3A, %get3A_14 : vector<1000x40xf32>
    %mul3A = vector.broadcast %get3A_1 : vector<1000x1xf32> to vector<1000x40xf32>
    %mul3A_16 = arith.mulf %mul3A, %add3A_15 : vector<1000x40xf32>
    %get3A_17 = arith.constant 0 : index
    %get3A_18 = arith.constant 0 : index
    %get3A_19 = vector.load %arg4[%get3A_17, %get3A_18] : memref<1x40xf32, #tpu.memory_space<vmem>>, vector<1x40xf32>
    %add3A_20 = vector.broadcast %get3A_19 : vector<1x40xf32> to vector<1000x40xf32>
    %add3A_21 = arith.addf %mul3A_16, %add3A_20 : vector<1000x40xf32>
    %reduce_max3A = arith.constant dense<0xFF800000> : vector<1000xf32>
    %reduce_max3A_22 = vector.multi_reduction <maximumf>, %add3A_21, %reduce_max3A [1] : vector<1000x40xf32> to vector<1000xf32>
    %broadcast_in_dim3A = vector.shape_cast %reduce_max3A_22 : vector<1000xf32> to vector<1000x1xf32>
    %sub3A = vector.broadcast %broadcast_in_dim3A : vector<1000x1xf32> to vector<1000x40xf32>
    %sub3A_23 = arith.subf %add3A_21, %sub3A : vector<1000x40xf32>
    %exp3A = math.exp %sub3A_23 : vector<1000x40xf32>
    %reduce_sum3A = arith.constant dense<0.000000e+00> : vector<1000xf32>
    %reduce_sum3A_24 = vector.multi_reduction <add>, %exp3A, %reduce_sum3A [1] : vector<1000x40xf32> to vector<1000xf32>
    %broadcast_in_dim3A_25 = vector.shape_cast %reduce_sum3A_24 : vector<1000xf32> to vector<1000x1xf32>
    %log3A = math.log %broadcast_in_dim3A_25 : vector<1000x1xf32>
    %sub3A_26 = vector.broadcast %log3A : vector<1000x1xf32> to vector<1000x40xf32>
    %sub3A_27 = arith.subf %sub3A_23, %sub3A_26 : vector<1000x40xf32>
    %swap3A = arith.constant 0 : index
    %swap3A_28 = arith.constant 0 : index
    %swap3A_29 = vector.load %arg5[%swap3A, %swap3A_28] : memref<1000x40xf32, #tpu.memory_space<vmem>>, vector<1000x40xf32>
    tpu.vector_store %arg5[%swap3A, %swap3A_28], %sub3A_27 {strides = array<i32>} : memref<1000x40xf32, #tpu.memory_space<vmem>>, vector<1000x40xf32>,
    return
  }
  func.func @transform_0(%arg0: i32) -> (i32, i32, i32) {
    %c0_i32 = arith.constant 0 : i32
    %c0_i32_0 = arith.constant 0 : i32
    %c0_i32_1 = arith.constant 0 : i32
    return %c0_i32, %arg0, %c0_i32_0 : i32, i32, i32
  }
  func.func @transform_1(%arg0: i32) -> (i32, i32) {
    %c0_i32 = arith.constant 0 : i32
    %c0_i32_0 = arith.constant 0 : i32
    return %arg0, %c0_i32 : i32, i32
  }
  func.func @transform_2(%arg0: i32) -> (i32, i32) {
    %c0_i32 = arith.constant 0 : i32
    %c0_i32_0 = arith.constant 0 : i32
    return %arg0, %c0_i32 : i32, i32
  }
  func.func @transform_3(%arg0: i32) -> (i32, i32) {
    %c0_i32 = arith.constant 0 : i32
    %c0_i32_0 = arith.constant 0 : i32
    %c0_i32_1 = arith.constant 0 : i32
    return %c0_i32, %c0_i32_0 : i32, i32
  }
  func.func @transform_4(%arg0: i32) -> (i32, i32) {
    %c0_i32 = arith.constant 0 : i32
    %c0_i32_0 = arith.constant 0 : i32
    return %arg0, %c0_i32 : i32, i32
  }
}

</mosaic_0001>

<sc_bundles>
// kernel: kernel.10.cloned.1.call-start
scs
__scs_entry_jumppad:
0x0: {  	(pc) =	sbr.rel $0x88, $3  }
0x1: {  	(tag) =	ssettag $0x0;
	lr =	simm.s32 $0x1  }
0x2: {  	[smem:$0x3F95] =	sst lr;
	_ =	strace $0xD0000000  }
0x3: {  	_ = 	snop  }
0x4: {  	_ = 	snop  }
0x5: {  	_ = 	snop  }
0x6: {  	_ = 	snop  }
0x7: {  	_ = 	snop  }
__scs_overlays_trampoline_lowered:
0x8: {  	[smem:$0x3FA4] =	sst s0  }
0x9: {  	[smem:$0x3FA5] =	sst s1  }
0xa: {  	[smem:$0x3FA6] =	sst s2  }
0xb: {  	[smem:$0x3FA7] =	sst s3  }
0xc: {  	[smem:$0x3FA8] =	sst s4  }
0xd: {  	[smem:$0x3FA9] =	sst s5  }
0xe: {  	[smem:$0x3FAA] =	sst s6  }
0xf: {  	[smem:$0x3FAB] =	sst s7  }
0x10: {  	[smem:$0x3FAC] =	sst s8  }
0x11: {  	[smem:$0x3FAD] =	sst s9;
	s0 =	simm.s32 @!p0 $0x0  }
0x12: {  	s1 =	sld [smem:$0x3F93];
	s0 =	simm.s32 @p0 $0x1  }
0x13: {  	[smem:$0x3FAE] =	sst s0;
	s0 =	simm.s32 @!p1 $0x0  }
0x14: {  	s2 =	sld [smem:$0x3F92];
	s0 =	simm.s32 @p1 $0x1  }
0x15: {  	[smem:$0x3FAF] =	sst s0;
	s0 =	simm.s32 @!p2 $0x0  }
0x16: {  	s3 =	sld [smem:$0x3FDB];
	s0 =	simm.s32 @p2 $0x1  }
0x17: {  	s4 =	simm.s32 $0x1BF5;
	[smem:$0x3FB1] =	sst s0  }
0x18: {  	s0 =	sld [smem:$0x3F94];
	_ =	swait.ge [sflag:s4], $0x0  }
0x19: {  	s7 =	sld [smem:$0x3F95]  }
0x1a: {  	s8 =	sadd.s32 $0xFFFFE003, lr  }
0x1b: {  	s9 =	sadd.s32 $0xFFFFFEF7, lr;
	s5 =	simm.s32 $0xFFFFFFFF;
	p2 =	slt.u32 s8, $0xFFFFF086  }
0x1c: {  	p1 =	slt.u32 s9, $0xF7A;
	s5 =	simm.s32 @!p2 $0x0  }
0x1d: {  	s5 =	simm.s32 @p1 $0x1;
	p0 =	seq.s32 s7, s2  }
0x1e: {  	s7 =	smul.u32 @!p0 $0xF7A, s2;
	p2 =	seq.s32 @!p0 s5, $0x0  }
0x1f: {  	s9 =	smul.u32 $0xF7A, s1;
	s8 =	simm.s32 @!p0 $0x1BF5;
	p2 =	por !p2, p0  }
0x20: {  	[sflag:s8] =	ssyncset.s32 @!p0 $0xFFFFF086;
	s6 =	sadd.s32 @!p0 s3, s7;
	s7 =	simm.s32 @!p0 $0x108  }
0x21: {  	s3 =	sadd.s32 s3, s9;
	s6 =	sadd.s32 @!p0 $0x88, s6;
	s7 =	simm.s32 @p2 $0x1082  }
0x22: {  	[simem:s7], [sflag:s8] =	dma.local @!p0 [hbm:s6], $0xF7A  }
0x23: {  	s9 =	sor.u32 $0xD0000000, s2;
	s6 =	simm.s32 $0x108;
	_ =	swait.ge @!p0 [sflag:s8], $0x0  }
0x24: {  	s3 =	sadd.s32 $0x88, s3;
	s6 =	simm.s32 @!p1 $0x1082;
	[sflag:s4] =	ssyncset.s32 $0xFFFFF086  }
0x25: {  	[simem:s6], [sflag:s4] =	dma.local [hbm:s3], $0xF7A  }
0x26: {  	[smem:$0x3F95] =	sst s1;
	(tag) =	ssettag s2;
	_ =	strace s9  }
0x27: {  	s1 =	sld [smem:$0x3FA5]  }
0x28: {  	s2 =	sld [smem:$0x3FA6]  }
0x29: {  	s4 =	sld [smem:$0x3FA8]  }
0x2a: {  	p0 =	seq.s32 s5, $0x0;
	s5 =	sld [smem:$0x3FA9]  }
0x2b: {  	s6 =	sld [smem:$0x3FAA]  }
0x2c: {  	s7 =	sld [smem:$0x3FAB]  }
0x2d: {  	s3 =	simm.s32 $0x108;
	s8 =	sld [smem:$0x3FAC]  }
0x2e: {  	s3 =	simm.s32 @!p0 $0x1082;
	s9 =	sld [smem:$0x3FAD]  }
0x2f: {  	lr =	sadd.s32 s0, s3;
	s0 =	sld [smem:$0x3FA4]  }
0x30: {  	s3 =	sld [smem:$0x3FA7]  }
0x31: {  	[smem:$0x3FB0] =	sst s10  }
0x32: {  	s10 =	sld [smem:$0x3FAE];
	_ =	sdelay $0x3  }
0x33: {  	p0 =	seq.s32 s10, $0x1;
	s10 =	sld [smem:$0x3FB0];
	_ =	sdelay $0x3  }
0x34: {  	[smem:$0x3FB0] =	sst s10  }
0x35: {  	s10 =	sld [smem:$0x3FAF];
	_ =	sdelay $0x3  }
0x36: {  	p1 =	seq.s32 s10, $0x1;
	s10 =	sld [smem:$0x3FB0];
	_ =	sdelay $0x3  }
0x37: {  	[smem:$0x3FB0] =	sst s10  }
0x38: {  	s10 =	sld [smem:$0x3FB1]  }
0x39: {  	_ = 	snop;
	(pc) =	sbr.ind lr, $3  }
0x3a: {  	_ = 	snop  }
0x3b: {  	_ = 	snop  }
0x3c: {  	p2 =	seq.s32 s10, $0x1;
	s10 =	sld [smem:$0x3FB0]  }
0x3d: {  	_ =	shalt  }
0x3e: {  	_ =	shalt  }
0x3f: {  	_ =	shalt  }
0x40: {  	_ =	shalt  }
0x41: {  	_ =	shalt  }
0x42: {  	_ =	shalt  }
0x43: {  	_ =	shalt  }
0x44: {  	_ =	shalt  }
0x45: {  	_ =	shalt  }
0x46: {  	_ =	shalt  }
0x47: {  	_ =	shalt  }
0x48: {  	_ =	shalt  }
0x49: {  	_ =	shalt  }
0x4a: {  	_ =	shalt  }
0x4b: {  	_ =	shalt  }
0x4c: {  	_ =	shalt  }
0x4d: {  	_ =	shalt  }
0x4e: {  	_ =	shalt  }
0x4f: {  	_ =	shalt  }
0x50: {  	_ =	shalt  }
0x51: {  	_ =	shalt  }
0x52: {  	_ =	shalt  }
0x53: {  	_ =	shalt  }
0x54: {  	_ =	shalt  }
0x55: {  	_ =	shalt  }
0x56: {  	_ =	shalt  }
0x57: {  	_ =	shalt  }
0x58: {  	_ =	shalt  }
0x59: {  	_ =	shalt  }
0x5a: {  	_ =	shalt  }
0x5b: {  	_ =	shalt  }
0x5c: {  	_ =	shalt  }
0x5d: {  	_ =	shalt  }
0x5e: {  	_ =	shalt  }
0x5f: {  	_ =	shalt  }
0x60: {  	_ =	shalt  }
0x61: {  	_ =	shalt  }
0x62: {  	_ =	shalt  }
0x63: {  	_ =	shalt  }
0x64: {  	_ =	shalt  }
0x65: {  	_ =	shalt  }
0x66: {  	_ =	shalt  }
0x67: {  	_ =	shalt  }
0x68: {  	_ =	shalt  }
0x69: {  	_ =	shalt  }
0x6a: {  	_ =	shalt  }
0x6b: {  	_ =	shalt  }
0x6c: {  	_ =	shalt  }
0x6d: {  	_ =	shalt  }
0x6e: {  	_ =	shalt  }
0x6f: {  	_ =	shalt  }
0x70: {  	_ =	shalt  }
0x71: {  	_ =	shalt  }
0x72: {  	_ =	shalt  }
0x73: {  	_ =	shalt  }
0x74: {  	_ =	shalt  }
0x75: {  	_ =	shalt  }
0x76: {  	_ =	shalt  }
0x77: {  	_ =	shalt  }
0x78: {  	_ =	shalt  }
0x79: {  	_ =	shalt  }
0x7a: {  	_ =	shalt  }
0x7b: {  	_ =	shalt  }
0x7c: {  	_ =	shalt  }
0x7d: {  	_ =	shalt  }
0x7e: {  	_ =	shalt  }
0x7f: {  	_ =	shalt  }
0x80: {  	_ =	shalt  }
0x81: {  	_ =	shalt  }
0x82: {  	_ =	shalt  }
0x83: {  	_ =	shalt  }
0x84: {  	_ =	shalt  }
0x85: {  	_ =	shalt  }
0x86: {  	_ =	shalt  }
0x87: {  	_ =	shalt  }
.Lfunc_end0:
.L_simem_size_0:
called_computation_lowered:
.L_overlay_start_0:
0x88: {  	s2 =	sld [smem:$0x3FD9]  }
0x89: {  	s3 =	sld [smem:$0x3FFE];
	_ =	sdelay $0x1  }
0x8a: {  	s1 =	srdreg.scid  }
0x8b: {  	s0 =	sand.u32 $0x1, s1  }
0x8c: {  	s17 =	sshll.u32 s0, $0xA;
	s2 =	sadd.s32 s3, s2  }
0x8d: {  	s2 =	sadd.s32 s2, s17  }
0x8e: {  	[smem:$0x3FBC] =	sst s2  }
0x8f: {  	_ = 	snop  }
0x90: {  	s2 =	sld [smem:$0x3FD0];
	(tm) =	ssettm $0x1  }
0x91: {  	s18 =	sld [smem:$0x3FFB];
	_ =	sdelay $0x3  }
0x92: {  	_ =	strace s18  }
0x93: {  	s3 =	sld [smem:$0x3FFC];
	_ =	sdelay $0x3  }
0x94: {  	_ =	strace s3  }
0x95: {  	s3 =	sld [smem:$0x3FFD];
	_ =	sdelay $0x3  }
0x96: {  	_ =	strace s3  }
0x97: {  	_ =	strace $0x8FFFFFFF  }
0x98: {  	s19 =	sld [smem:$0x3FDB];
	_ =	sdelay $0x1  }
0x99: {  	s4 =	simm.s32 $_scs_section_size  }
0x9a: {  	s5 =	simm.s32 $_size__tile_overlayer_lowered;
	s6 =	simm.s32 $_tile_overlayer_lowered  }
0x9b: {  	s22 =	simm.s32 $0x1BFF;
	s21 =	sshll.u32 s6, $0x1;
	s3 =	sadd.s32 s4, s19  }
0x9c: {  	s7 =	simm.s32 $0x0;
	s20 =	sshll.u32 s5, $0x1;
	s5 =	sadd.s32 s21, s3  }
0x9d: {  	[timem:s7], [sflag:s22] =	dma.local [hbm:s5], s20  }
0x9e: {  	_ =	swait.ge [sflag:s22], s20  }
0x9f: {  	s4 =	ssub.s32 $0x0, s20;
	[sflag:s22] =	ssyncset.done $0x0  }
0xa0: {  	[sflag:s22] =	ssyncadd.s32 s4;
	_ =	sdelay $0x1  }
0xa1: {  	s23 =	simm.s32 $0x1B8B  }
0xa2: {  	_ =	swait.ge [sflag:s23], $0x1  }
0xa3: {  	[sflag:s23] =	ssyncset.done $0x0  }
0xa4: {  	s25 =	simm.s32 $0x1B8E;
	s24 =	sld [smem:$0x3FFE];
	[sflag:s23] =	ssyncadd.s32 $0xFFFFFFFF  }
0xa5: {  	s26 =	simm.s32 $execute0_lowered;
	[smem:$0x3FD2] =	sst s25  }
0xa6: {  	s5 =	sshll.u32 s26, $0x1;
	_ =	strace $0x80000046;
	[dreg:$0x1] =	wrdreg $0xFFFFFFFF  }
0xa7: {  	s28 =	simm.s32 $_size_execute0_lowered;
	s3 =	sadd.s32 s3, s5;
	[dreg:$0x0] =	wrdreg $0x0  }
0xa8: {  	s5 =	sshll.u32 s28, $0x1;
	[dreg:$0x2] =	wrdreg s3  }
0xa9: {  	[dreg:$0x3] =	wrdreg s5  }
0xaa: {  	[dreg:$0x4] =	wrdreg $0xC0  }
0xab: {  	_ =	task [dreg:s7], $0x5FFFF  }
0xac: {  	[dreg:$0x1] =	wrdreg $0xFFFFFFFF  }
0xad: {  	[dreg:$0x0] =	wrdreg $0x60  }
0xae: {  	[dreg:$0x2] =	wrdreg s2  }
0xaf: {  	[dreg:$0x3] =	wrdreg s24  }
0xb0: {  	[dreg:$0x4] =	wrdreg $0x68000  }
0xb1: {  	[dreg:$0x5] =	wrdreg $0x9  }
0xb2: {  	_ =	task.clear_ibuf [dreg:s7], $0x6FFFF;
	_ =	strace $0x90000046  }
0xb3: {  	s29 =	simm.s32 $0x9;
	_ =	strace $0x80000048  }
0xb4: {  	_ =	swait.ge [sflag:s29], $0x1  }
0xb5: {  	[sflag:s29] =	ssyncadd.s32 $0xFFFFFFFF  }
0xb6: {  	_ =	strace $0x90000048  }
0xb7: {  	_ =	sfence  }
0xb8: {  	s30 =	sld [smem:$0x0];
	_ =	sdelay $0x2  }
0xb9: {  	s31 =	sshll.u32 s1, $0xD;
	s1 =	sshrl.u32 s1, $0x2  }
0xba: {  	s3 =	sand.u32 $0x4000, s31;
	s1 =	sadd.s32 s1, s30  }
0xbb: {  	s0 =	sor.u32 s3, s0;
	s1 =	sshll.u32 s1, $0x11  }
0xbc: {  	s0 =	sor.u32 s1, s0  }
0xbd: {  	s0 =	sadd.s32 $0x8F2B, s0  }
0xbe: {  	[sflag:s0] =	ssyncadd.remote.s32 $0x1  }
0xbf: {  	_ =	sfence.sel $0xFFFF  }
0xc0: {  	[dreg:$0x0] =	wrdreg $0xFFFFFFFF;
	(pc) =	sbr.abs _section_cstart, $3  }
0xc1: {  	[dreg:$0x1] =	wrdreg $0xFFFFFFFF  }
0xc2: {  	_ =	task.clear_ibuf [dreg:s7], $0x2FFFF;
	_ =	strace $0x9FFFFFFF  }
0xc3: {  	(tm) =	ssettm $0x7FFFFFFF  }
tec
execute0_lowered:
.L_overlay_start_1:
0x0: {  	(tag) =	ssettag $0x1  }
0x1: {  	s7 =	rddreg [dreg:$0x0]  }
0x2: {  	s5 =	rddreg [dreg:$0x1];
	s0 =	stileid.u32  }
0x3: {  	s1 =	srdreg.scid;
	s2 =	rddreg [dreg:$0x2]  }
0x4: {  	s3 =	simm.s32 $0x0;
	s13 =	simm.s32 $0x7D;
	s14 =	simm.s32 $0x0  }
0x5: {  	s4 =	smul.u32 $0x13C00, s0;
	s6 =	sand.u32 $0x1, s1;
	s1 =	rddreg [dreg:$0x3]  }
0x6: {  	[smem:$0x7FF] =	sst s3;
	s11 =	smul.u32 $0x4F000, s0;
	s12 =	sshll.u32 s0, $0x1  }
0x7: {  	s31 =	sshll.u32 s0, $0x6;
	s8 =	smul.u32 $0x13C000, s6;
	_ =	strace $0x80000047  }
0x8: {  	s10 =	ssub.s32 $0x2, s6;
	s6 =	sor.u32 s6, s12;
	s12 =	simm.s32 $0x2800  }
0x9: {  	s9 =	sshrl.u32 s4, $0x3;
	s26 =	sshrl.u32 s10, $0x1;
	s28 =	sshrl.u32 s11, $0x2  }
0xa: {  	s29 =	smul.u32 $0x500, s6;
	s6 =	sor.u32 $0x1C01, s31;
	s11 =	simm.s32 $0x1  }
0xb: {  	s8 =	sadd.s32 s4, s8;
	s4 =	sadd.s32 $0x3200, s5;
	s9 =	sadd.s32 s9, s5  }
0xc: {  	s10 =	ssub.s32 s10, s26;
	s30 =	sadd.s32 s28, s2;
	s8 =	sshrl.u32 s8, $0x3  }
0xd: {  	s7 =	sadd.s32 s7, s29;
	s8 =	sadd.s32 s8, s5;
	s5 =	sadd.s32 $0x3A00, s9  }
0xe: {  	s9 =	smax.u32 s10, $0x1;
	s10 =	sshrl.u32 s30, $0x3;
	s8 =	sadd.s32 $0x2B200, s8  }
.LBB2_1:
0xf: {  	[spmem:s10], [sflag:s6] =	dma.local [hbm:s5], $0x2780  }
0x10: {  	_ =	swait.ge [sflag:s11], $0x2780  }
0x11: {  	[sflag:s11] =	ssyncset.done $0x0  }
0x12: {  	[sflag:s11] =	ssyncadd.s32 $0xFFFFD880  }
0x13: {  	[tilespmem:s3], [sflag:$0x1] =	stream.linear.gather [hbm4b:s7+s3], $0x2800, $0x38;
	[tilespmem:$0x8F80] =	vst v63  }
0x14: {  	_ =	swait.ge [sflag:s11], $0x2800  }
0x15: {  	[sflag:s11] =	ssyncset.done $0x0  }
0x16: {  	[sflag:s11] =	ssyncadd.s32 $0xFFFFD800  }
0x17: {  	[tilespmem:s12], [sflag:$0x1] =	stream.linear.gather [hbm4b:s4+s3], $0x3E80, $0x38;
	[tilespmem:$0x8F80] =	vst v63  }
0x18: {  	_ =	swait.ge [sflag:s11], $0x3E80  }
0x19: {  	[sflag:s11] =	ssyncset.done $0x0  }
0x1a: {  	[sflag:s11] =	ssyncadd.s32 $0xFFFFC180  }
0x1b: {  	s15 =	simm.s32 $0x0;
	[bflag:$0x0] =	sbarrier.arrive $0xFFFF  }
0x1c: {  	[spmem:s2] =	stream.indirect.scatter.add.f32 [tilespmem:s12], [sflag:$0x1], $0x10, s15, s13, $0xb8;
	[tilespmem:$0x8F80] =	vst v63  }
0x1d: {  	_ =	swait.ge [sflag:s11], $0x7D0  }
0x1e: {  	s15 =	simm.s32 $0x200;
	[sflag:s11] =	ssyncset.done $0x0  }
.LBB2_2:
0x1f: {  	s16 =	sshra.s32 s15, $0x2;
	[sflag:s11] =	ssyncadd.s32 $0xFFFFF830;
	p0 =	sne.s32 s15, $0x9E00  }
0x20: {  	[spmem:s2] =	stream.indirect.scatter.add.f32 [tilespmem:s12], [sflag:$0x1], $0x10, s16, s13, $0xb8;
	[tilespmem:$0x8F80] =	vst v63  }
.Ltmp0:
0x21: {  	_ = 	snop;
	(pc) =	sbr.rel @p0 .LBB2_2-.Ltmp0, $4  }
0x22: {  	_ = 	snop  }
0x23: {  	s15 =	sadd.s32 $0x200, s15  }
0x24: {  	_ =	swait.ge [sflag:s11], $0x7D0  }
0x25: {  	[sflag:s11] =	ssyncset.done $0x0  }
0x26: {  	s14 =	sadd.s32 $0x1, s14  }
0x27: {  	[sflag:s11] =	ssyncadd.s32 $0xFFFFF830;
	p0 =	sne.s32 s14, s9  }
.Ltmp1:
0x28: {  	[bflag:$0x0] =	sbarrier.arrive $0xFFFF;
	(pc) =	sbr.rel @p0 .LBB2_1-.Ltmp1, $4  }
0x29: {  	[hbm:s8], [sflag:s6] =	dma.local [spmem:s10], $0x2780  }
0x2a: {  	_ =	swait.ge [sflag:s11], $0x2780  }
0x2b: {  	[sflag:s11] =	ssyncset.done $0x0  }
0x2c: {  	[sflag:s11] =	ssyncadd.s32 $0xFFFFD880  }
0x2d: {  	_ =	sfence.sel $0x180000  }
0x2e: {  	[bflag:$0x0] =	sbarrier.arrive $0xFFFF  }
0x2f: {  	p0 =	sne.s32 s0, $0x0;
	_ =	strace $0x90000047  }
0x30: {  	s0 =	sadd.s32 @!p0 $0x100000, s1;
	[bflag:$0x2] =	sbarrier.arrive $0xFFFF  }
0x31: {  	[sflag:s0] =	ssyncadd.tile.s32 @!p0 $0x1;
	_ =	shalt  }
.Lfunc_end2:
_tile_overlayer_lowered:
.L_overlay_start_2:
0x32: {  	(tag) =	ssettag $0x2  }
0x33: {  	s0 =	rddreg [dreg:$0x0];
	s2 =	stileid.u32  }
0x34: {  	s1 =	rddreg [dreg:$0x1];
	p0 =	sne.s32 s2, $0x0  }
0x35: {  	s3 =	rddreg [dreg:$0x2];
	[bflag:$0x3] =	sbarrier.arrive $0xFFFF;
	s2 =	simm.s32 @!p0 $0x1C01  }
0x36: {  	[timem:s3], [sflag:s2] =	dma.local @!p0 [hbm:s0], s1  }
0x37: {  	s0 =	simm.s32 @!p0 $0x1  }
0x38: {  	_ =	swait.ge @!p0 [sflag:s0], s1  }
0x39: {  	s1 =	ssub.s32 @!p0 $0x0, s1;
	[sflag:s0] =	ssyncset.done @!p0 $0x0  }
0x3a: {  	[sflag:s0] =	ssyncadd.s32 @!p0 s1  }
0x3b: {  	[bflag:$0x3] =	sbarrier.arrive $0xFFFF  }
0x3c: {  	_ =	shalt  }

// kernel: kernel.13.cloned.1.call-start
scs
__scs_entry_jumppad:
0x0: {  	(pc) =	sbr.rel $0x88, $3  }
0x1: {  	(tag) =	ssettag $0x0;
	lr =	simm.s32 $0x1  }
0x2: {  	[smem:$0x3F95] =	sst lr;
	_ =	strace $0xD0000000  }
0x3: {  	_ = 	snop  }
0x4: {  	_ = 	snop  }
0x5: {  	_ = 	snop  }
0x6: {  	_ = 	snop  }
0x7: {  	_ = 	snop  }
__scs_overlays_trampoline_lowered:
0x8: {  	[smem:$0x3FA4] =	sst s0  }
0x9: {  	[smem:$0x3FA5] =	sst s1  }
0xa: {  	[smem:$0x3FA6] =	sst s2  }
0xb: {  	[smem:$0x3FA7] =	sst s3  }
0xc: {  	[smem:$0x3FA8] =	sst s4  }
0xd: {  	[smem:$0x3FA9] =	sst s5  }
0xe: {  	[smem:$0x3FAA] =	sst s6  }
0xf: {  	[smem:$0x3FAB] =	sst s7  }
0x10: {  	[smem:$0x3FAC] =	sst s8  }
0x11: {  	[smem:$0x3FAD] =	sst s9;
	s0 =	simm.s32 @!p0 $0x0  }
0x12: {  	s1 =	sld [smem:$0x3F93];
	s0 =	simm.s32 @p0 $0x1  }
0x13: {  	[smem:$0x3FAE] =	sst s0;
	s0 =	simm.s32 @!p1 $0x0  }
0x14: {  	s2 =	sld [smem:$0x3F92];
	s0 =	simm.s32 @p1 $0x1  }
0x15: {  	[smem:$0x3FAF] =	sst s0;
	s0 =	simm.s32 @!p2 $0x0  }
0x16: {  	s3 =	sld [smem:$0x3FDB];
	s0 =	simm.s32 @p2 $0x1  }
0x17: {  	s4 =	simm.s32 $0x1BF5;
	[smem:$0x3FB1] =	sst s0  }
0x18: {  	s0 =	sld [smem:$0x3F94];
	_ =	swait.ge [sflag:s4], $0x0  }
0x19: {  	s7 =	sld [smem:$0x3F95]  }
0x1a: {  	s8 =	sadd.s32 $0xFFFFE003, lr  }
0x1b: {  	s9 =	sadd.s32 $0xFFFFFEF7, lr;
	s5 =	simm.s32 $0xFFFFFFFF;
	p2 =	slt.u32 s8, $0xFFFFF086  }
0x1c: {  	p1 =	slt.u32 s9, $0xF7A;
	s5 =	simm.s32 @!p2 $0x0  }
0x1d: {  	s5 =	simm.s32 @p1 $0x1;
	p0 =	seq.s32 s7, s2  }
0x1e: {  	s7 =	smul.u32 @!p0 $0xF7A, s2;
	p2 =	seq.s32 @!p0 s5, $0x0  }
0x1f: {  	s9 =	smul.u32 $0xF7A, s1;
	s8 =	simm.s32 @!p0 $0x1BF5;
	p2 =	por !p2, p0  }
0x20: {  	[sflag:s8] =	ssyncset.s32 @!p0 $0xFFFFF086;
	s6 =	sadd.s32 @!p0 s3, s7;
	s7 =	simm.s32 @!p0 $0x108  }
0x21: {  	s3 =	sadd.s32 s3, s9;
	s6 =	sadd.s32 @!p0 $0x88, s6;
	s7 =	simm.s32 @p2 $0x1082  }
0x22: {  	[simem:s7], [sflag:s8] =	dma.local @!p0 [hbm:s6], $0xF7A  }
0x23: {  	s9 =	sor.u32 $0xD0000000, s2;
	s6 =	simm.s32 $0x108;
	_ =	swait.ge @!p0 [sflag:s8], $0x0  }
0x24: {  	s3 =	sadd.s32 $0x88, s3;
	s6 =	simm.s32 @!p1 $0x1082;
	[sflag:s4] =	ssyncset.s32 $0xFFFFF086  }
0x25: {  	[simem:s6], [sflag:s4] =	dma.local [hbm:s3], $0xF7A  }
0x26: {  	[smem:$0x3F95] =	sst s1;
	(tag) =	ssettag s2;
	_ =	strace s9  }
0x27: {  	s1 =	sld [smem:$0x3FA5]  }
0x28: {  	s2 =	sld [smem:$0x3FA6]  }
0x29: {  	s4 =	sld [smem:$0x3FA8]  }
0x2a: {  	p0 =	seq.s32 s5, $0x0;
	s5 =	sld [smem:$0x3FA9]  }
0x2b: {  	s6 =	sld [smem:$0x3FAA]  }
0x2c: {  	s7 =	sld [smem:$0x3FAB]  }
0x2d: {  	s3 =	simm.s32 $0x108;
	s8 =	sld [smem:$0x3FAC]  }
0x2e: {  	s3 =	simm.s32 @!p0 $0x1082;
	s9 =	sld [smem:$0x3FAD]  }
0x2f: {  	lr =	sadd.s32 s0, s3;
	s0 =	sld [smem:$0x3FA4]  }
0x30: {  	s3 =	sld [smem:$0x3FA7]  }
0x31: {  	[smem:$0x3FB0] =	sst s10  }
0x32: {  	s10 =	sld [smem:$0x3FAE];
	_ =	sdelay $0x3  }
0x33: {  	p0 =	seq.s32 s10, $0x1;
	s10 =	sld [smem:$0x3FB0];
	_ =	sdelay $0x3  }
0x34: {  	[smem:$0x3FB0] =	sst s10  }
0x35: {  	s10 =	sld [smem:$0x3FAF];
	_ =	sdelay $0x3  }
0x36: {  	p1 =	seq.s32 s10, $0x1;
	s10 =	sld [smem:$0x3FB0];
	_ =	sdelay $0x3  }
0x37: {  	[smem:$0x3FB0] =	sst s10  }
0x38: {  	s10 =	sld [smem:$0x3FB1]  }
0x39: {  	_ = 	snop;
	(pc) =	sbr.ind lr, $3  }
0x3a: {  	_ = 	snop  }
0x3b: {  	_ = 	snop  }
0x3c: {  	p2 =	seq.s32 s10, $0x1;
	s10 =	sld [smem:$0x3FB0]  }
0x3d: {  	_ =	shalt  }
0x3e: {  	_ =	shalt  }
0x3f: {  	_ =	shalt  }
0x40: {  	_ =	shalt  }
0x41: {  	_ =	shalt  }
0x42: {  	_ =	shalt  }
0x43: {  	_ =	shalt  }
0x44: {  	_ =	shalt  }
0x45: {  	_ =	shalt  }
0x46: {  	_ =	shalt  }
0x47: {  	_ =	shalt  }
0x48: {  	_ =	shalt  }
0x49: {  	_ =	shalt  }
0x4a: {  	_ =	shalt  }
0x4b: {  	_ =	shalt  }
0x4c: {  	_ =	shalt  }
0x4d: {  	_ =	shalt  }
0x4e: {  	_ =	shalt  }
0x4f: {  	_ =	shalt  }
0x50: {  	_ =	shalt  }
0x51: {  	_ =	shalt  }
0x52: {  	_ =	shalt  }
0x53: {  	_ =	shalt  }
0x54: {  	_ =	shalt  }
0x55: {  	_ =	shalt  }
0x56: {  	_ =	shalt  }
0x57: {  	_ =	shalt  }
0x58: {  	_ =	shalt  }
0x59: {  	_ =	shalt  }
0x5a: {  	_ =	shalt  }
0x5b: {  	_ =	shalt  }
0x5c: {  	_ =	shalt  }
0x5d: {  	_ =	shalt  }
0x5e: {  	_ =	shalt  }
0x5f: {  	_ =	shalt  }
0x60: {  	_ =	shalt  }
0x61: {  	_ =	shalt  }
0x62: {  	_ =	shalt  }
0x63: {  	_ =	shalt  }
0x64: {  	_ =	shalt  }
0x65: {  	_ =	shalt  }
0x66: {  	_ =	shalt  }
0x67: {  	_ =	shalt  }
0x68: {  	_ =	shalt  }
0x69: {  	_ =	shalt  }
0x6a: {  	_ =	shalt  }
0x6b: {  	_ =	shalt  }
0x6c: {  	_ =	shalt  }
0x6d: {  	_ =	shalt  }
0x6e: {  	_ =	shalt  }
0x6f: {  	_ =	shalt  }
0x70: {  	_ =	shalt  }
0x71: {  	_ =	shalt  }
0x72: {  	_ =	shalt  }
0x73: {  	_ =	shalt  }
0x74: {  	_ =	shalt  }
0x75: {  	_ =	shalt  }
0x76: {  	_ =	shalt  }
0x77: {  	_ =	shalt  }
0x78: {  	_ =	shalt  }
0x79: {  	_ =	shalt  }
0x7a: {  	_ =	shalt  }
0x7b: {  	_ =	shalt  }
0x7c: {  	_ =	shalt  }
0x7d: {  	_ =	shalt  }
0x7e: {  	_ =	shalt  }
0x7f: {  	_ =	shalt  }
0x80: {  	_ =	shalt  }
0x81: {  	_ =	shalt  }
0x82: {  	_ =	shalt  }
0x83: {  	_ =	shalt  }
0x84: {  	_ =	shalt  }
0x85: {  	_ =	shalt  }
0x86: {  	_ =	shalt  }
0x87: {  	_ =	shalt  }
.Lfunc_end0:
.L_simem_size_0:
called_computation.1_lowered:
.L_overlay_start_0:
0x88: {  	s2 =	sld [smem:$0x3FD9]  }
0x89: {  	s3 =	sld [smem:$0x3FFE];
	_ =	sdelay $0x1  }
0x8a: {  	s1 =	srdreg.scid  }
0x8b: {  	s0 =	sand.u32 $0x1, s1  }
0x8c: {  	s17 =	sshll.u32 s0, $0xA;
	s2 =	sadd.s32 s3, s2  }
0x8d: {  	s2 =	sadd.s32 s2, s17  }
0x8e: {  	[smem:$0x3FBC] =	sst s2  }
0x8f: {  	_ = 	snop  }
0x90: {  	s2 =	sld [smem:$0x3FD0];
	(tm) =	ssettm $0x1  }
0x91: {  	s18 =	sld [smem:$0x3FFB];
	_ =	sdelay $0x3  }
0x92: {  	_ =	strace s18  }
0x93: {  	s3 =	sld [smem:$0x3FFC];
	_ =	sdelay $0x3  }
0x94: {  	_ =	strace s3  }
0x95: {  	s3 =	sld [smem:$0x3FFD];
	_ =	sdelay $0x3  }
0x96: {  	_ =	strace s3  }
0x97: {  	_ =	strace $0x8FFFFFFF  }
0x98: {  	s19 =	sld [smem:$0x3FDB];
	_ =	sdelay $0x1  }
0x99: {  	s4 =	simm.s32 $_scs_section_size  }
0x9a: {  	s5 =	simm.s32 $_size__tile_overlayer_lowered;
	s6 =	simm.s32 $_tile_overlayer_lowered  }
0x9b: {  	s22 =	simm.s32 $0x1BFF;
	s21 =	sshll.u32 s6, $0x1;
	s3 =	sadd.s32 s4, s19  }
0x9c: {  	s7 =	simm.s32 $0x0;
	s20 =	sshll.u32 s5, $0x1;
	s5 =	sadd.s32 s21, s3  }
0x9d: {  	[timem:s7], [sflag:s22] =	dma.local [hbm:s5], s20  }
0x9e: {  	_ =	swait.ge [sflag:s22], s20  }
0x9f: {  	s4 =	ssub.s32 $0x0, s20;
	[sflag:s22] =	ssyncset.done $0x0  }
0xa0: {  	[sflag:s22] =	ssyncadd.s32 s4;
	_ =	sdelay $0x1  }
0xa1: {  	s23 =	simm.s32 $0x1B8B  }
0xa2: {  	_ =	swait.ge [sflag:s23], $0x1  }
0xa3: {  	[sflag:s23] =	ssyncset.done $0x0  }
0xa4: {  	s25 =	simm.s32 $0x1B8E;
	s24 =	sld [smem:$0x3FFE];
	[sflag:s23] =	ssyncadd.s32 $0xFFFFFFFF  }
0xa5: {  	s26 =	simm.s32 $execute0_lowered;
	[smem:$0x3FD2] =	sst s25  }
0xa6: {  	s5 =	sshll.u32 s26, $0x1;
	_ =	strace $0x80000049;
	[dreg:$0x1] =	wrdreg $0xFFFFFFFF  }
0xa7: {  	s28 =	simm.s32 $_size_execute0_lowered;
	s3 =	sadd.s32 s3, s5;
	[dreg:$0x0] =	wrdreg $0x0  }
0xa8: {  	s5 =	sshll.u32 s28, $0x1;
	[dreg:$0x2] =	wrdreg s3  }
0xa9: {  	[dreg:$0x3] =	wrdreg s5  }
0xaa: {  	[dreg:$0x4] =	wrdreg $0xC0  }
0xab: {  	_ =	task [dreg:s7], $0x5FFFF  }
0xac: {  	[dreg:$0x1] =	wrdreg $0xFFFFFFFF  }
0xad: {  	[dreg:$0x0] =	wrdreg $0x60  }
0xae: {  	[dreg:$0x2] =	wrdreg s24  }
0xaf: {  	[dreg:$0x3] =	wrdreg s2  }
0xb0: {  	[dreg:$0x4] =	wrdreg $0xA8000  }
0xb1: {  	[dreg:$0x5] =	wrdreg $0x9  }
0xb2: {  	_ =	task.clear_ibuf [dreg:s7], $0x6FFFF;
	_ =	strace $0x90000049  }
0xb3: {  	s29 =	simm.s32 $0x9;
	_ =	strace $0x8000004B  }
0xb4: {  	_ =	swait.ge [sflag:s29], $0x1  }
0xb5: {  	[sflag:s29] =	ssyncadd.s32 $0xFFFFFFFF  }
0xb6: {  	_ =	strace $0x9000004B  }
0xb7: {  	_ =	sfence  }
0xb8: {  	s30 =	sld [smem:$0x0];
	_ =	sdelay $0x2  }
0xb9: {  	s31 =	sshll.u32 s1, $0xD;
	s1 =	sshrl.u32 s1, $0x2  }
0xba: {  	s3 =	sand.u32 $0x4000, s31;
	s1 =	sadd.s32 s1, s30  }
0xbb: {  	s0 =	sor.u32 s3, s0;
	s1 =	sshll.u32 s1, $0x11  }
0xbc: {  	s0 =	sor.u32 s1, s0  }
0xbd: {  	s0 =	sadd.s32 $0x8F2B, s0  }
0xbe: {  	[sflag:s0] =	ssyncadd.remote.s32 $0x1  }
0xbf: {  	_ =	sfence.sel $0xFFFF  }
0xc0: {  	[dreg:$0x0] =	wrdreg $0xFFFFFFFF;
	(pc) =	sbr.abs _section_cstart, $3  }
0xc1: {  	[dreg:$0x1] =	wrdreg $0xFFFFFFFF  }
0xc2: {  	_ =	task.clear_ibuf [dreg:s7], $0x2FFFF;
	_ =	strace $0x9FFFFFFF  }
0xc3: {  	(tm) =	ssettm $0x7FFFFFFF  }
tec
execute0_lowered:
.L_overlay_start_1:
0x0: {  	(tag) =	ssettag $0x1  }
0x1: {  	s5 =	rddreg [dreg:$0x0]  }
0x2: {  	s10 =	rddreg [dreg:$0x1]  }
0x3: {  	s2 =	rddreg [dreg:$0x2]  }
0x4: {  	s0 =	rddreg [dreg:$0x3];
	s3 =	simm.s32 $0x0;
	s1 =	stileid.u32  }
0x5: {  	s4 =	srdreg.scid;
	s15 =	simm.s32 $0x1400;
	s16 =	simm.s32 $0x7D  }
0x6: {  	s17 =	simm.s32 $0x2800;
	s18 =	simm.s32 $0x6800;
	s19 =	simm.s32 $0x1  }
0x7: {  	s20 =	simm.s32 $0x2;
	s21 =	simm.s32 $0x1380;
	s22 =	simm.s32 $0x2700  }
0x8: {  	s23 =	simm.s32 $0x2780;
	s24 =	simm.s32 $0x0;
	[smem:$0x7FF] =	sst s3  }
0x9: {  	s6 =	smul.u32 $0x13C00, s1;
	s7 =	sand.u32 $0x1, s4;
	s4 =	sadd.s32 $0x3200, s5  }
0xa: {  	s9 =	sadd.s32 $0x7A200, s5;
	s25 =	sshll.u32 s1, $0x1;
	s13 =	smul.u32 $0x4F000, s1  }
0xb: {  	s29 =	sshll.u32 s1, $0x6;
	_ =	strace $0x8000004A;
	s8 =	smul.u32 $0x13C000, s7  }
0xc: {  	s12 =	ssub.s32 $0x2, s7;
	s7 =	sor.u32 s7, s25;
	s11 =	sshrl.u32 s6, $0x3  }
0xd: {  	s26 =	sshrl.u32 s12, $0x1;
	s7 =	smul.u32 $0x2800, s7;
	s28 =	sshrl.u32 s13, $0x2  }
0xe: {  	s11 =	sadd.s32 s11, s5;
	s6 =	sadd.s32 s6, s8;
	s12 =	ssub.s32 s12, s26  }
0xf: {  	s13 =	sadd.s32 s28, s2;
	s6 =	sshrl.u32 s6, $0x3;
	s30 =	sshrl.u32 s7, $0x3  }
0x10: {  	s12 =	smax.u32 s12, $0x1;
	s13 =	sshrl.u32 s13, $0x3;
	s14 =	sadd.s32 s6, s5  }
0x11: {  	s5 =	sadd.s32 $0x2A400, s11;
	s6 =	sor.u32 $0x1C03, s29;
	s31 =	sadd.s32 $0x280, s30  }
0x12: {  	s7 =	sadd.s32 s9, s30;
	s8 =	sadd.s32 s10, s30;
	s9 =	sadd.s32 s9, s31  }
0x13: {  	s10 =	sadd.s32 s10, s31;
	s11 =	sadd.s32 $0x84200, s14;
	s14 =	simm.s32 $0x3  }
.LBB2_1:
0x14: {  	[spmem:s13], [sflag:s6] =	dma.local [hbm:s5], $0x2780  }
0x15: {  	_ =	swait.ge [sflag:s14], $0x2780  }
0x16: {  	[sflag:s14] =	ssyncset.done $0x0  }
0x17: {  	[sflag:s14] =	ssyncadd.s32 $0xFFFFD880  }
0x18: {  	[bflag:$0x0] =	sbarrier.arrive $0xFFFF  }
0x19: {  	[tilespmem:s3], [sflag:$0x3] =	stream.linear.gather [hbm4b:s7+s3], $0x1400, $0x38;
	[tilespmem:$0x1E400] =	vst v63  }
0x1a: {  	_ =	swait.ge [sflag:s14], $0x1400  }
0x1b: {  	[sflag:s14] =	ssyncset.done $0x0  }
0x1c: {  	[sflag:s14] =	ssyncadd.s32 $0xFFFFEC00  }
0x1d: {  	[tilespmem:s15], [sflag:$0x3] =	stream.linear.gather [hbm4b:s8+s3], $0x1400, $0x38;
	[tilespmem:$0x1E400] =	vst v63  }
0x1e: {  	_ =	swait.ge [sflag:s14], $0x1400  }
0x1f: {  	[sflag:s14] =	ssyncset.done $0x0  }
0x20: {  	[sflag:s14] =	ssyncadd.s32 $0xFFFFEC00  }
0x21: {  	[tilespmem:s17], [sflag:$0x1] =	stream.indirect.gather [hbm4b:s4+s16], $0x80, s3, s16, $0xb8;
	[tilespmem:$0x1E400] =	vst v63  }
0x22: {  	s25 =	simm.s32 $0x80  }
0x23: {  	[tilespmem:s18], [sflag:$0x2] =	stream.indirect.gather [hbm4b:s4+s16], $0x80, s25, s16, $0xb8;
	[tilespmem:$0x1E400] =	vst v63  }
0x24: {  	_ =	swait.ge [sflag:s19], $0x3E80  }
0x25: {  	[sflag:s19] =	ssyncset.done $0x0  }
0x26: {  	s29 =	simm.s32 $0x1400;
	[sflag:s19] =	ssyncadd.s32 $0xFFFFC180  }
0x27: {  	[spmem:s2] =	stream.indirect.scatter.add.f32 [tilespmem:s17], [sflag:$0x3], $0x80, s29, s16, $0xb8;
	[tilespmem:$0x1E400] =	vst v63  }
0x28: {  	_ =	swait.ge [sflag:s14], $0x3E80  }
0x29: {  	[sflag:s14] =	ssyncset.done $0x0  }
0x2a: {  	s30 =	simm.s32 $0x100;
	[sflag:s14] =	ssyncadd.s32 $0xFFFFC180  }
0x2b: {  	[tilespmem:s17], [sflag:$0x1] =	stream.indirect.gather [hbm4b:s4+s16], $0x80, s30, s16, $0xb8;
	[tilespmem:$0x1E400] =	vst v63  }
0x2c: {  	_ =	swait.ge [sflag:s20], $0x3E80  }
0x2d: {  	[sflag:s20] =	ssyncset.done $0x0  }
0x2e: {  	s31 =	simm.s32 $0x1480;
	[sflag:s20] =	ssyncadd.s32 $0xFFFFC180  }
0x2f: {  	[spmem:s2] =	stream.indirect.scatter.add.f32 [tilespmem:s18], [sflag:$0x3], $0x80, s31, s16, $0xb8;
	[tilespmem:$0x1E400] =	vst v63  }
0x30: {  	_ =	swait.ge [sflag:s14], $0x3E80  }
0x31: {  	s26 =	simm.s32 $0x800;
	s25 =	simm.s32 $0x100;
	[sflag:s14] =	ssyncset.done $0x0  }
.LBB2_2:
0x32: {  	s28 =	sadd.s32 $0x80, s25  }
0x33: {  	[sflag:s14] =	ssyncadd.s32 $0xFFFFC180;
	s29 =	smov.u32 s26;
	s30 =	sadd.s32 $0x400, s26  }
0x34: {  	[tilespmem:s18], [sflag:$0x2] =	stream.indirect.gather [hbm4b:s4+s16], $0x80, s28, s16, $0xb8;
	[tilespmem:$0x1E400] =	vst v63  }
0x35: {  	p0 =	sne.s32 s26, $0x4800;
	_ =	swait.ge [sflag:s19], $0x3E80  }
0x36: {  	[sflag:s19] =	ssyncset.done $0x0  }
0x37: {  	s26 =	sadd.s32 $0x1400, s25;
	[sflag:s19] =	ssyncadd.s32 $0xFFFFC180  }
0x38: {  	[spmem:s2] =	stream.indirect.scatter.add.f32 [tilespmem:s17], [sflag:$0x3], $0x80, s26, s16, $0xb8;
	[tilespmem:$0x1E400] =	vst v63  }
0x39: {  	_ =	swait.ge [sflag:s14], $0x3E80  }
0x3a: {  	[sflag:s14] =	ssyncset.done $0x0  }
0x3b: {  	s26 =	sadd.s32 $0x100, s25;
	[sflag:s14] =	ssyncadd.s32 $0xFFFFC180  }
0x3c: {  	[tilespmem:s17], [sflag:$0x1] =	stream.indirect.gather [hbm4b:s4+s16], $0x80, s26, s16, $0xb8;
	[tilespmem:$0x1E400] =	vst v63  }
0x3d: {  	_ =	swait.ge [sflag:s20], $0x3E80  }
.Ltmp0:
0x3e: {  	[sflag:s20] =	ssyncset.done $0x0;
	(pc) =	sbr.rel @p0 .LBB2_2-.Ltmp0, $4  }
0x3f: {  	s25 =	sadd.s32 $0x1480, s25;
	[sflag:s20] =	ssyncadd.s32 $0xFFFFC180  }
0x40: {  	[spmem:s2] =	stream.indirect.scatter.add.f32 [tilespmem:s18], [sflag:$0x3], $0x80, s25, s16, $0xb8;
	[tilespmem:$0x1E400] =	vst v63  }
0x41: {  	_ =	swait.ge [sflag:s14], $0x3E80  }
0x42: {  	s26 =	smov.u32 s30;
	s25 =	sshra.s32 s29, $0x2;
	[sflag:s14] =	ssyncset.done $0x0  }
0x43: {  	s26 =	sadd.s32 $0x80, s25;
	[sflag:s14] =	ssyncadd.s32 $0xFFFFC180  }
0x44: {  	[tilespmem:s18], [sflag:$0x2] =	stream.indirect.gather [hbm4b:s4+s16], $0x80, s26, s16, $0xb8;
	[tilespmem:$0x1E400] =	vst v63  }
0x45: {  	_ =	swait.ge [sflag:s19], $0x3E80  }
0x46: {  	[sflag:s19] =	ssyncset.done $0x0  }
0x47: {  	s29 =	sadd.s32 $0x1400, s25;
	[sflag:s19] =	ssyncadd.s32 $0xFFFFC180  }
0x48: {  	[spmem:s2] =	stream.indirect.scatter.add.f32 [tilespmem:s17], [sflag:$0x3], $0x80, s29, s16, $0xb8;
	[tilespmem:$0x1E400] =	vst v63  }
0x49: {  	_ =	swait.ge [sflag:s14], $0x3E80  }
0x4a: {  	[sflag:s14] =	ssyncset.done $0x0  }
0x4b: {  	s30 =	sadd.s32 $0x100, s25;
	[sflag:s14] =	ssyncadd.s32 $0xFFFFC180  }
0x4c: {  	[tilespmem:s17], [sflag:$0x1] =	stream.indirect.gather [hbm4b:s4+s16], $0x80, s30, s16, $0xb8;
	[tilespmem:$0x1E400] =	vst v63  }
0x4d: {  	_ =	swait.ge [sflag:s20], $0x3E80  }
0x4e: {  	[sflag:s20] =	ssyncset.done $0x0  }
0x4f: {  	s31 =	sadd.s32 $0x1480, s25;
	[sflag:s20] =	ssyncadd.s32 $0xFFFFC180  }
0x50: {  	[spmem:s2] =	stream.indirect.scatter.add.f32 [tilespmem:s18], [sflag:$0x3], $0x80, s31, s16, $0xb8;
	[tilespmem:$0x1E400] =	vst v63  }
0x51: {  	_ =	swait.ge [sflag:s14], $0x3E80  }
0x52: {  	[sflag:s14] =	ssyncset.done $0x0  }
0x53: {  	[sflag:s14] =	ssyncadd.s32 $0xFFFFC180  }
0x54: {  	[tilespmem:s18], [sflag:$0x2] =	stream.indirect.gather [hbm4b:s4+s16], $0x80, s21, s16, $0xb8;
	[tilespmem:$0x1E400] =	vst v63  }
0x55: {  	_ =	swait.ge [sflag:s19], $0x3E80  }
0x56: {  	[sflag:s19] =	ssyncset.done $0x0  }
0x57: {  	[sflag:s19] =	ssyncadd.s32 $0xFFFFC180  }
0x58: {  	[spmem:s2] =	stream.indirect.scatter.add.f32 [tilespmem:s17], [sflag:$0x3], $0x80, s22, s16, $0xb8;
	[tilespmem:$0x1E400] =	vst v63  }
0x59: {  	_ =	swait.ge [sflag:s14], $0x3E80  }
0x5a: {  	[sflag:s14] =	ssyncset.done $0x0  }
0x5b: {  	[sflag:s14] =	ssyncadd.s32 $0xFFFFC180  }
0x5c: {  	_ =	swait.ge [sflag:s20], $0x3E80  }
0x5d: {  	[sflag:s20] =	ssyncset.done $0x0  }
0x5e: {  	[sflag:s20] =	ssyncadd.s32 $0xFFFFC180  }
0x5f: {  	[spmem:s2] =	stream.indirect.scatter.add.f32 [tilespmem:s18], [sflag:$0x3], $0x80, s23, s16, $0xb8;
	[tilespmem:$0x1E400] =	vst v63  }
0x60: {  	_ =	swait.ge [sflag:s14], $0x3E80  }
0x61: {  	[sflag:s14] =	ssyncset.done $0x0  }
0x62: {  	s26 =	simm.s32 $0x0;
	[sflag:s14] =	ssyncadd.s32 $0xFFFFC180  }
0x63: {  	[tilespmem:s26], [sflag:$0x3] =	stream.linear.gather [hbm4b:s9+s26], $0x1400, $0x38;
	[tilespmem:$0x1E400] =	vst v63  }
0x64: {  	_ =	swait.ge [sflag:s14], $0x1400  }
0x65: {  	[sflag:s14] =	ssyncset.done $0x0  }
0x66: {  	[sflag:s14] =	ssyncadd.s32 $0xFFFFEC00  }
0x67: {  	[tilespmem:s15], [sflag:$0x3] =	stream.linear.gather [hbm4b:s10+s26], $0x1400, $0x38;
	[tilespmem:$0x1E400] =	vst v63  }
0x68: {  	_ =	swait.ge [sflag:s14], $0x1400  }
0x69: {  	[sflag:s14] =	ssyncset.done $0x0  }
0x6a: {  	[sflag:s14] =	ssyncadd.s32 $0xFFFFEC00  }
0x6b: {  	[tilespmem:s17], [sflag:$0x1] =	stream.indirect.gather [hbm4b:s4+s16], $0x80, s26, s16, $0xb8;
	[tilespmem:$0x1E400] =	vst v63  }
0x6c: {  	s28 =	simm.s32 $0x80  }
0x6d: {  	[tilespmem:s18], [sflag:$0x2] =	stream.indirect.gather [hbm4b:s4+s16], $0x80, s28, s16, $0xb8;
	[tilespmem:$0x1E400] =	vst v63  }
0x6e: {  	_ =	swait.ge [sflag:s19], $0x3E80  }
0x6f: {  	[sflag:s19] =	ssyncset.done $0x0  }
0x70: {  	s29 =	simm.s32 $0x1400;
	[sflag:s19] =	ssyncadd.s32 $0xFFFFC180  }
0x71: {  	[spmem:s2] =	stream.indirect.scatter.add.f32 [tilespmem:s17], [sflag:$0x3], $0x80, s29, s16, $0xb8;
	[tilespmem:$0x1E400] =	vst v63  }
0x72: {  	_ =	swait.ge [sflag:s14], $0x3E80  }
0x73: {  	[sflag:s14] =	ssyncset.done $0x0  }
0x74: {  	s30 =	simm.s32 $0x100;
	[sflag:s14] =	ssyncadd.s32 $0xFFFFC180  }
0x75: {  	[tilespmem:s17], [sflag:$0x1] =	stream.indirect.gather [hbm4b:s4+s16], $0x80, s30, s16, $0xb8;
	[tilespmem:$0x1E400] =	vst v63  }
0x76: {  	_ =	swait.ge [sflag:s20], $0x3E80  }
0x77: {  	[sflag:s20] =	ssyncset.done $0x0  }
0x78: {  	s31 =	simm.s32 $0x1480;
	[sflag:s20] =	ssyncadd.s32 $0xFFFFC180  }
0x79: {  	[spmem:s2] =	stream.indirect.scatter.add.f32 [tilespmem:s18], [sflag:$0x3], $0x80, s31, s16, $0xb8;
	[tilespmem:$0x1E400] =	vst v63  }
0x7a: {  	_ =	swait.ge [sflag:s14], $0x3E80  }
0x7b: {  	s25 =	simm.s32 $0x100;
	s26 =	simm.s32 $0x800;
	[sflag:s14] =	ssyncset.done $0x0  }
.LBB2_4:
0x7c: {  	s28 =	sadd.s32 $0x80, s25  }
0x7d: {  	[sflag:s14] =	ssyncadd.s32 $0xFFFFC180;
	s29 =	smov.u32 s26;
	s30 =	sadd.s32 $0x400, s26  }
0x7e: {  	[tilespmem:s18], [sflag:$0x2] =	stream.indirect.gather [hbm4b:s4+s16], $0x80, s28, s16, $0xb8;
	[tilespmem:$0x1E400] =	vst v63  }
0x7f: {  	p0 =	sne.s32 s26, $0x4800;
	_ =	swait.ge [sflag:s19], $0x3E80  }
0x80: {  	[sflag:s19] =	ssyncset.done $0x0  }
0x81: {  	s26 =	sadd.s32 $0x1400, s25;
	[sflag:s19] =	ssyncadd.s32 $0xFFFFC180  }
0x82: {  	[spmem:s2] =	stream.indirect.scatter.add.f32 [tilespmem:s17], [sflag:$0x3], $0x80, s26, s16, $0xb8;
	[tilespmem:$0x1E400] =	vst v63  }
0x83: {  	_ =	swait.ge [sflag:s14], $0x3E80  }
0x84: {  	[sflag:s14] =	ssyncset.done $0x0  }
0x85: {  	s26 =	sadd.s32 $0x100, s25;
	[sflag:s14] =	ssyncadd.s32 $0xFFFFC180  }
0x86: {  	[tilespmem:s17], [sflag:$0x1] =	stream.indirect.gather [hbm4b:s4+s16], $0x80, s26, s16, $0xb8;
	[tilespmem:$0x1E400] =	vst v63  }
0x87: {  	_ =	swait.ge [sflag:s20], $0x3E80  }
.Ltmp1:
0x88: {  	[sflag:s20] =	ssyncset.done $0x0;
	(pc) =	sbr.rel @p0 .LBB2_4-.Ltmp1, $4  }
0x89: {  	s25 =	sadd.s32 $0x1480, s25;
	[sflag:s20] =	ssyncadd.s32 $0xFFFFC180  }
0x8a: {  	[spmem:s2] =	stream.indirect.scatter.add.f32 [tilespmem:s18], [sflag:$0x3], $0x80, s25, s16, $0xb8;
	[tilespmem:$0x1E400] =	vst v63  }
0x8b: {  	_ =	swait.ge [sflag:s14], $0x3E80  }
0x8c: {  	s26 =	smov.u32 s30;
	s25 =	sshra.s32 s29, $0x2;
	[sflag:s14] =	ssyncset.done $0x0  }
0x8d: {  	s26 =	sadd.s32 $0x80, s25;
	[sflag:s14] =	ssyncadd.s32 $0xFFFFC180  }
0x8e: {  	[tilespmem:s18], [sflag:$0x2] =	stream.indirect.gather [hbm4b:s4+s16], $0x80, s26, s16, $0xb8;
	[tilespmem:$0x1E400] =	vst v63  }
0x8f: {  	_ =	swait.ge [sflag:s19], $0x3E80  }
0x90: {  	[sflag:s19] =	ssyncset.done $0x0  }
0x91: {  	s29 =	sadd.s32 $0x1400, s25;
	[sflag:s19] =	ssyncadd.s32 $0xFFFFC180  }
0x92: {  	[spmem:s2] =	stream.indirect.scatter.add.f32 [tilespmem:s17], [sflag:$0x3], $0x80, s29, s16, $0xb8;
	[tilespmem:$0x1E400] =	vst v63  }
0x93: {  	_ =	swait.ge [sflag:s14], $0x3E80  }
0x94: {  	[sflag:s14] =	ssyncset.done $0x0  }
0x95: {  	s30 =	sadd.s32 $0x100, s25;
	[sflag:s14] =	ssyncadd.s32 $0xFFFFC180  }
0x96: {  	[tilespmem:s17], [sflag:$0x1] =	stream.indirect.gather [hbm4b:s4+s16], $0x80, s30, s16, $0xb8;
	[tilespmem:$0x1E400] =	vst v63  }
0x97: {  	_ =	swait.ge [sflag:s20], $0x3E80  }
0x98: {  	[sflag:s20] =	ssyncset.done $0x0  }
0x99: {  	s31 =	sadd.s32 $0x1480, s25;
	[sflag:s20] =	ssyncadd.s32 $0xFFFFC180  }
0x9a: {  	[spmem:s2] =	stream.indirect.scatter.add.f32 [tilespmem:s18], [sflag:$0x3], $0x80, s31, s16, $0xb8;
	[tilespmem:$0x1E400] =	vst v63  }
0x9b: {  	_ =	swait.ge [sflag:s14], $0x3E80  }
0x9c: {  	[sflag:s14] =	ssyncset.done $0x0  }
0x9d: {  	[sflag:s14] =	ssyncadd.s32 $0xFFFFC180  }
0x9e: {  	[tilespmem:s18], [sflag:$0x2] =	stream.indirect.gather [hbm4b:s4+s16], $0x80, s21, s16, $0xb8;
	[tilespmem:$0x1E400] =	vst v63  }
0x9f: {  	_ =	swait.ge [sflag:s19], $0x3E80  }
0xa0: {  	[sflag:s19] =	ssyncset.done $0x0  }
0xa1: {  	[sflag:s19] =	ssyncadd.s32 $0xFFFFC180  }
0xa2: {  	[spmem:s2] =	stream.indirect.scatter.add.f32 [tilespmem:s17], [sflag:$0x3], $0x80, s22, s16, $0xb8;
	[tilespmem:$0x1E400] =	vst v63  }
0xa3: {  	_ =	swait.ge [sflag:s14], $0x3E80  }
0xa4: {  	[sflag:s14] =	ssyncset.done $0x0  }
0xa5: {  	[sflag:s14] =	ssyncadd.s32 $0xFFFFC180  }
0xa6: {  	_ =	swait.ge [sflag:s20], $0x3E80  }
0xa7: {  	[sflag:s20] =	ssyncset.done $0x0  }
0xa8: {  	[sflag:s20] =	ssyncadd.s32 $0xFFFFC180  }
0xa9: {  	[spmem:s2] =	stream.indirect.scatter.add.f32 [tilespmem:s18], [sflag:$0x3], $0x80, s23, s16, $0xb8;
	[tilespmem:$0x1E400] =	vst v63  }
0xaa: {  	_ =	swait.ge [sflag:s14], $0x3E80  }
0xab: {  	s24 =	sadd.s32 $0x1, s24;
	[sflag:s14] =	ssyncset.done $0x0  }
0xac: {  	p0 =	sne.s32 s24, s12;
	[sflag:s14] =	ssyncadd.s32 $0xFFFFC180  }
.Ltmp2:
0xad: {  	[bflag:$0x0] =	sbarrier.arrive $0xFFFF;
	(pc) =	sbr.rel @p0 .LBB2_1-.Ltmp2, $4  }
0xae: {  	[hbm:s11], [sflag:s6] =	dma.local [spmem:s13], $0x2780  }
0xaf: {  	_ =	swait.ge [sflag:s14], $0x2780  }
0xb0: {  	[sflag:s14] =	ssyncset.done $0x0  }
0xb1: {  	[sflag:s14] =	ssyncadd.s32 $0xFFFFD880  }
0xb2: {  	_ =	sfence.sel $0x180000  }
0xb3: {  	[bflag:$0x0] =	sbarrier.arrive $0xFFFF  }
0xb4: {  	p0 =	sne.s32 s1, $0x0;
	_ =	strace $0x9000004A  }
0xb5: {  	s0 =	sadd.s32 @!p0 $0x100000, s0;
	[bflag:$0x2] =	sbarrier.arrive $0xFFFF  }
0xb6: {  	[sflag:s0] =	ssyncadd.tile.s32 @!p0 $0x1;
	_ =	shalt  }
.Lfunc_end2:
_tile_overlayer_lowered:
.L_overlay_start_2:
0xb7: {  	(tag) =	ssettag $0x2  }
0xb8: {  	s0 =	rddreg [dreg:$0x0];
	s2 =	stileid.u32  }
0xb9: {  	s1 =	rddreg [dreg:$0x1];
	p0 =	sne.s32 s2, $0x0  }
0xba: {  	s3 =	rddreg [dreg:$0x2];
	[bflag:$0x3] =	sbarrier.arrive $0xFFFF;
	s2 =	simm.s32 @!p0 $0x1C03  }
0xbb: {  	[timem:s3], [sflag:s2] =	dma.local @!p0 [hbm:s0], s1  }
0xbc: {  	s0 =	simm.s32 @!p0 $0x3  }
0xbd: {  	_ =	swait.ge @!p0 [sflag:s0], s1  }
0xbe: {  	s1 =	ssub.s32 @!p0 $0x0, s1;
	[sflag:s0] =	ssyncset.done @!p0 $0x0  }
0xbf: {  	[sflag:s0] =	ssyncadd.s32 @!p0 s1  }
0xc0: {  	[bflag:$0x3] =	sbarrier.arrive $0xFFFF  }
0xc1: {  	_ =	shalt  }

// kernel: kernel.16.cloned.1.call-start
scs
__scs_entry_jumppad:
0x0: {  	(pc) =	sbr.rel $0x88, $3  }
0x1: {  	(tag) =	ssettag $0x0;
	lr =	simm.s32 $0x1  }
0x2: {  	[smem:$0x3F95] =	sst lr;
	_ =	strace $0xD0000000  }
0x3: {  	_ = 	snop  }
0x4: {  	_ = 	snop  }
0x5: {  	_ = 	snop  }
0x6: {  	_ = 	snop  }
0x7: {  	_ = 	snop  }
__scs_overlays_trampoline_lowered:
0x8: {  	[smem:$0x3FA4] =	sst s0  }
0x9: {  	[smem:$0x3FA5] =	sst s1  }
0xa: {  	[smem:$0x3FA6] =	sst s2  }
0xb: {  	[smem:$0x3FA7] =	sst s3  }
0xc: {  	[smem:$0x3FA8] =	sst s4  }
0xd: {  	[smem:$0x3FA9] =	sst s5  }
0xe: {  	[smem:$0x3FAA] =	sst s6  }
0xf: {  	[smem:$0x3FAB] =	sst s7  }
0x10: {  	[smem:$0x3FAC] =	sst s8  }
0x11: {  	[smem:$0x3FAD] =	sst s9;
	s0 =	simm.s32 @!p0 $0x0  }
0x12: {  	s1 =	sld [smem:$0x3F93];
	s0 =	simm.s32 @p0 $0x1  }
0x13: {  	[smem:$0x3FAE] =	sst s0;
	s0 =	simm.s32 @!p1 $0x0  }
0x14: {  	s2 =	sld [smem:$0x3F92];
	s0 =	simm.s32 @p1 $0x1  }
0x15: {  	[smem:$0x3FAF] =	sst s0;
	s0 =	simm.s32 @!p2 $0x0  }
0x16: {  	s3 =	sld [smem:$0x3FDB];
	s0 =	simm.s32 @p2 $0x1  }
0x17: {  	s4 =	simm.s32 $0x1BF5;
	[smem:$0x3FB1] =	sst s0  }
0x18: {  	s0 =	sld [smem:$0x3F94];
	_ =	swait.ge [sflag:s4], $0x0  }
0x19: {  	s7 =	sld [smem:$0x3F95]  }
0x1a: {  	s8 =	sadd.s32 $0xFFFFE003, lr  }
0x1b: {  	s9 =	sadd.s32 $0xFFFFFEF7, lr;
	s5 =	simm.s32 $0xFFFFFFFF;
	p2 =	slt.u32 s8, $0xFFFFF086  }
0x1c: {  	p1 =	slt.u32 s9, $0xF7A;
	s5 =	simm.s32 @!p2 $0x0  }
0x1d: {  	s5 =	simm.s32 @p1 $0x1;
	p0 =	seq.s32 s7, s2  }
0x1e: {  	s7 =	smul.u32 @!p0 $0xF7A, s2;
	p2 =	seq.s32 @!p0 s5, $0x0  }
0x1f: {  	s9 =	smul.u32 $0xF7A, s1;
	s8 =	simm.s32 @!p0 $0x1BF5;
	p2 =	por !p2, p0  }
0x20: {  	[sflag:s8] =	ssyncset.s32 @!p0 $0xFFFFF086;
	s6 =	sadd.s32 @!p0 s3, s7;
	s7 =	simm.s32 @!p0 $0x108  }
0x21: {  	s3 =	sadd.s32 s3, s9;
	s6 =	sadd.s32 @!p0 $0x88, s6;
	s7 =	simm.s32 @p2 $0x1082  }
0x22: {  	[simem:s7], [sflag:s8] =	dma.local @!p0 [hbm:s6], $0xF7A  }
0x23: {  	s9 =	sor.u32 $0xD0000000, s2;
	s6 =	simm.s32 $0x108;
	_ =	swait.ge @!p0 [sflag:s8], $0x0  }
0x24: {  	s3 =	sadd.s32 $0x88, s3;
	s6 =	simm.s32 @!p1 $0x1082;
	[sflag:s4] =	ssyncset.s32 $0xFFFFF086  }
0x25: {  	[simem:s6], [sflag:s4] =	dma.local [hbm:s3], $0xF7A  }
0x26: {  	[smem:$0x3F95] =	sst s1;
	(tag) =	ssettag s2;
	_ =	strace s9  }
0x27: {  	s1 =	sld [smem:$0x3FA5]  }
0x28: {  	s2 =	sld [smem:$0x3FA6]  }
0x29: {  	s4 =	sld [smem:$0x3FA8]  }
0x2a: {  	p0 =	seq.s32 s5, $0x0;
	s5 =	sld [smem:$0x3FA9]  }
0x2b: {  	s6 =	sld [smem:$0x3FAA]  }
0x2c: {  	s7 =	sld [smem:$0x3FAB]  }
0x2d: {  	s3 =	simm.s32 $0x108;
	s8 =	sld [smem:$0x3FAC]  }
0x2e: {  	s3 =	simm.s32 @!p0 $0x1082;
	s9 =	sld [smem:$0x3FAD]  }
0x2f: {  	lr =	sadd.s32 s0, s3;
	s0 =	sld [smem:$0x3FA4]  }
0x30: {  	s3 =	sld [smem:$0x3FA7]  }
0x31: {  	[smem:$0x3FB0] =	sst s10  }
0x32: {  	s10 =	sld [smem:$0x3FAE];
	_ =	sdelay $0x3  }
0x33: {  	p0 =	seq.s32 s10, $0x1;
	s10 =	sld [smem:$0x3FB0];
	_ =	sdelay $0x3  }
0x34: {  	[smem:$0x3FB0] =	sst s10  }
0x35: {  	s10 =	sld [smem:$0x3FAF];
	_ =	sdelay $0x3  }
0x36: {  	p1 =	seq.s32 s10, $0x1;
	s10 =	sld [smem:$0x3FB0];
	_ =	sdelay $0x3  }
0x37: {  	[smem:$0x3FB0] =	sst s10  }
0x38: {  	s10 =	sld [smem:$0x3FB1]  }
0x39: {  	_ = 	snop;
	(pc) =	sbr.ind lr, $3  }
0x3a: {  	_ = 	snop  }
0x3b: {  	_ = 	snop  }
0x3c: {  	p2 =	seq.s32 s10, $0x1;
	s10 =	sld [smem:$0x3FB0]  }
0x3d: {  	_ =	shalt  }
0x3e: {  	_ =	shalt  }
0x3f: {  	_ =	shalt  }
0x40: {  	_ =	shalt  }
0x41: {  	_ =	shalt  }
0x42: {  	_ =	shalt  }
0x43: {  	_ =	shalt  }
0x44: {  	_ =	shalt  }
0x45: {  	_ =	shalt  }
0x46: {  	_ =	shalt  }
0x47: {  	_ =	shalt  }
0x48: {  	_ =	shalt  }
0x49: {  	_ =	shalt  }
0x4a: {  	_ =	shalt  }
0x4b: {  	_ =	shalt  }
0x4c: {  	_ =	shalt  }
0x4d: {  	_ =	shalt  }
0x4e: {  	_ =	shalt  }
0x4f: {  	_ =	shalt  }
0x50: {  	_ =	shalt  }
0x51: {  	_ =	shalt  }
0x52: {  	_ =	shalt  }
0x53: {  	_ =	shalt  }
0x54: {  	_ =	shalt  }
0x55: {  	_ =	shalt  }
0x56: {  	_ =	shalt  }
0x57: {  	_ =	shalt  }
0x58: {  	_ =	shalt  }
0x59: {  	_ =	shalt  }
0x5a: {  	_ =	shalt  }
0x5b: {  	_ =	shalt  }
0x5c: {  	_ =	shalt  }
0x5d: {  	_ =	shalt  }
0x5e: {  	_ =	shalt  }
0x5f: {  	_ =	shalt  }
0x60: {  	_ =	shalt  }
0x61: {  	_ =	shalt  }
0x62: {  	_ =	shalt  }
0x63: {  	_ =	shalt  }
0x64: {  	_ =	shalt  }
0x65: {  	_ =	shalt  }
0x66: {  	_ =	shalt  }
0x67: {  	_ =	shalt  }
0x68: {  	_ =	shalt  }
0x69: {  	_ =	shalt  }
0x6a: {  	_ =	shalt  }
0x6b: {  	_ =	shalt  }
0x6c: {  	_ =	shalt  }
0x6d: {  	_ =	shalt  }
0x6e: {  	_ =	shalt  }
0x6f: {  	_ =	shalt  }
0x70: {  	_ =	shalt  }
0x71: {  	_ =	shalt  }
0x72: {  	_ =	shalt  }
0x73: {  	_ =	shalt  }
0x74: {  	_ =	shalt  }
0x75: {  	_ =	shalt  }
0x76: {  	_ =	shalt  }
0x77: {  	_ =	shalt  }
0x78: {  	_ =	shalt  }
0x79: {  	_ =	shalt  }
0x7a: {  	_ =	shalt  }
0x7b: {  	_ =	shalt  }
0x7c: {  	_ =	shalt  }
0x7d: {  	_ =	shalt  }
0x7e: {  	_ =	shalt  }
0x7f: {  	_ =	shalt  }
0x80: {  	_ =	shalt  }
0x81: {  	_ =	shalt  }
0x82: {  	_ =	shalt  }
0x83: {  	_ =	shalt  }
0x84: {  	_ =	shalt  }
0x85: {  	_ =	shalt  }
0x86: {  	_ =	shalt  }
0x87: {  	_ =	shalt  }
.Lfunc_end0:
.L_simem_size_0:
called_computation.2_lowered:
.L_overlay_start_0:
0x88: {  	s2 =	sld [smem:$0x3FD9]  }
0x89: {  	s3 =	sld [smem:$0x3FFE];
	_ =	sdelay $0x1  }
0x8a: {  	s1 =	srdreg.scid  }
0x8b: {  	s0 =	sand.u32 $0x1, s1  }
0x8c: {  	s17 =	sshll.u32 s0, $0xA;
	s2 =	sadd.s32 s3, s2  }
0x8d: {  	s2 =	sadd.s32 s2, s17  }
0x8e: {  	[smem:$0x3FBC] =	sst s2  }
0x8f: {  	_ = 	snop  }
0x90: {  	s2 =	sld [smem:$0x3FD0];
	(tm) =	ssettm $0x1  }
0x91: {  	s18 =	sld [smem:$0x3FFB];
	_ =	sdelay $0x3  }
0x92: {  	_ =	strace s18  }
0x93: {  	s3 =	sld [smem:$0x3FFC];
	_ =	sdelay $0x3  }
0x94: {  	_ =	strace s3  }
0x95: {  	s3 =	sld [smem:$0x3FFD];
	_ =	sdelay $0x3  }
0x96: {  	_ =	strace s3  }
0x97: {  	_ =	strace $0x8FFFFFFF  }
0x98: {  	s19 =	sld [smem:$0x3FDB];
	_ =	sdelay $0x1  }
0x99: {  	s4 =	simm.s32 $_scs_section_size  }
0x9a: {  	s5 =	simm.s32 $_size__tile_overlayer_lowered;
	s6 =	simm.s32 $_tile_overlayer_lowered  }
0x9b: {  	s22 =	simm.s32 $0x1BFF;
	s21 =	sshll.u32 s6, $0x1;
	s3 =	sadd.s32 s4, s19  }
0x9c: {  	s7 =	simm.s32 $0x0;
	s20 =	sshll.u32 s5, $0x1;
	s5 =	sadd.s32 s21, s3  }
0x9d: {  	[timem:s7], [sflag:s22] =	dma.local [hbm:s5], s20  }
0x9e: {  	_ =	swait.ge [sflag:s22], s20  }
0x9f: {  	s4 =	ssub.s32 $0x0, s20;
	[sflag:s22] =	ssyncset.done $0x0  }
0xa0: {  	[sflag:s22] =	ssyncadd.s32 s4;
	_ =	sdelay $0x1  }
0xa1: {  	s23 =	simm.s32 $0x1B8B  }
0xa2: {  	_ =	swait.ge [sflag:s23], $0x1  }
0xa3: {  	[sflag:s23] =	ssyncset.done $0x0  }
0xa4: {  	s25 =	simm.s32 $0x1B8E;
	s24 =	sld [smem:$0x3FFE];
	[sflag:s23] =	ssyncadd.s32 $0xFFFFFFFF  }
0xa5: {  	s26 =	simm.s32 $execute0_lowered;
	[smem:$0x3FD2] =	sst s25  }
0xa6: {  	s5 =	sshll.u32 s26, $0x1;
	_ =	strace $0x8000004C;
	[dreg:$0x1] =	wrdreg $0xFFFFFFFF  }
0xa7: {  	s28 =	simm.s32 $_size_execute0_lowered;
	s3 =	sadd.s32 s3, s5;
	[dreg:$0x0] =	wrdreg $0x0  }
0xa8: {  	s5 =	sshll.u32 s28, $0x1;
	[dreg:$0x2] =	wrdreg s3  }
0xa9: {  	[dreg:$0x3] =	wrdreg s5  }
0xaa: {  	[dreg:$0x4] =	wrdreg $0xC0  }
0xab: {  	_ =	task [dreg:s7], $0x5FFFF  }
0xac: {  	[dreg:$0x1] =	wrdreg $0xFFFFFFFF  }
0xad: {  	[dreg:$0x0] =	wrdreg $0x60  }
0xae: {  	[dreg:$0x2] =	wrdreg s24  }
0xaf: {  	[dreg:$0x3] =	wrdreg s2  }
0xb0: {  	[dreg:$0x4] =	wrdreg $0xA8000  }
0xb1: {  	[dreg:$0x5] =	wrdreg $0x9  }
0xb2: {  	_ =	task.clear_ibuf [dreg:s7], $0x6FFFF;
	_ =	strace $0x9000004C  }
0xb3: {  	s29 =	simm.s32 $0x9;
	_ =	strace $0x8000004E  }
0xb4: {  	_ =	swait.ge [sflag:s29], $0x1  }
0xb5: {  	[sflag:s29] =	ssyncadd.s32 $0xFFFFFFFF  }
0xb6: {  	_ =	strace $0x9000004E  }
0xb7: {  	_ =	sfence  }
0xb8: {  	s30 =	sld [smem:$0x0];
	_ =	sdelay $0x2  }
0xb9: {  	s31 =	sshll.u32 s1, $0xD;
	s1 =	sshrl.u32 s1, $0x2  }
0xba: {  	s3 =	sand.u32 $0x4000, s31;
	s1 =	sadd.s32 s1, s30  }
0xbb: {  	s0 =	sor.u32 s3, s0;
	s1 =	sshll.u32 s1, $0x11  }
0xbc: {  	s0 =	sor.u32 s1, s0  }
0xbd: {  	s0 =	sadd.s32 $0x8F2B, s0  }
0xbe: {  	[sflag:s0] =	ssyncadd.remote.s32 $0x1  }
0xbf: {  	_ =	sfence.sel $0xFFFF  }
0xc0: {  	[dreg:$0x0] =	wrdreg $0xFFFFFFFF;
	(pc) =	sbr.abs _section_cstart, $3  }
0xc1: {  	[dreg:$0x1] =	wrdreg $0xFFFFFFFF  }
0xc2: {  	_ =	task.clear_ibuf [dreg:s7], $0x2FFFF;
	_ =	strace $0x9FFFFFFF  }
0xc3: {  	(tm) =	ssettm $0x7FFFFFFF  }
tec
execute0_lowered:
.L_overlay_start_1:
0x0: {  	(tag) =	ssettag $0x1  }
0x1: {  	s5 =	rddreg [dreg:$0x0]  }
0x2: {  	s10 =	rddreg [dreg:$0x1]  }
0x3: {  	s2 =	rddreg [dreg:$0x2]  }
0x4: {  	s0 =	rddreg [dreg:$0x3];
	s3 =	simm.s32 $0x0;
	s1 =	stileid.u32  }
0x5: {  	s4 =	srdreg.scid;
	s15 =	simm.s32 $0x1400;
	s16 =	simm.s32 $0x7D  }
0x6: {  	s17 =	simm.s32 $0x2800;
	s18 =	simm.s32 $0x6800;
	s19 =	simm.s32 $0x1  }
0x7: {  	s20 =	simm.s32 $0x2;
	s21 =	simm.s32 $0x1380;
	s22 =	simm.s32 $0x2700  }
0x8: {  	s23 =	simm.s32 $0x2780;
	s24 =	simm.s32 $0x0;
	[smem:$0x7FF] =	sst s3  }
0x9: {  	s6 =	smul.u32 $0x13C00, s1;
	s7 =	sand.u32 $0x1, s4;
	s4 =	sadd.s32 $0x3200, s5  }
0xa: {  	s9 =	sadd.s32 $0x7A200, s5;
	s25 =	sshll.u32 s1, $0x1;
	s13 =	smul.u32 $0x4F000, s1  }
0xb: {  	s29 =	sshll.u32 s1, $0x6;
	_ =	strace $0x8000004D;
	s8 =	smul.u32 $0x13C000, s7  }
0xc: {  	s12 =	ssub.s32 $0x2, s7;
	s7 =	sor.u32 s7, s25;
	s11 =	sshrl.u32 s6, $0x3  }
0xd: {  	s26 =	sshrl.u32 s12, $0x1;
	s7 =	smul.u32 $0x2800, s7;
	s28 =	sshrl.u32 s13, $0x2  }
0xe: {  	s11 =	sadd.s32 s11, s5;
	s6 =	sadd.s32 s6, s8;
	s12 =	ssub.s32 s12, s26  }
0xf: {  	s13 =	sadd.s32 s28, s2;
	s6 =	sshrl.u32 s6, $0x3;
	s30 =	sshrl.u32 s7, $0x3  }
0x10: {  	s12 =	smax.u32 s12, $0x1;
	s13 =	sshrl.u32 s13, $0x3;
	s14 =	sadd.s32 s6, s5  }
0x11: {  	s5 =	sadd.s32 $0x2A400, s11;
	s6 =	sor.u32 $0x1C03, s29;
	s31 =	sadd.s32 $0x280, s30  }
0x12: {  	s7 =	sadd.s32 s9, s30;
	s8 =	sadd.s32 s10, s30;
	s9 =	sadd.s32 s9, s31  }
0x13: {  	s10 =	sadd.s32 s10, s31;
	s11 =	sadd.s32 $0x84200, s14;
	s14 =	simm.s32 $0x3  }
.LBB2_1:
0x14: {  	[spmem:s13], [sflag:s6] =	dma.local [hbm:s5], $0x2780  }
0x15: {  	_ =	swait.ge [sflag:s14], $0x2780  }
0x16: {  	[sflag:s14] =	ssyncset.done $0x0  }
0x17: {  	[sflag:s14] =	ssyncadd.s32 $0xFFFFD880  }
0x18: {  	[bflag:$0x0] =	sbarrier.arrive $0xFFFF  }
0x19: {  	[tilespmem:s3], [sflag:$0x3] =	stream.linear.gather [hbm4b:s7+s3], $0x1400, $0x38;
	[tilespmem:$0x1E400] =	vst v63  }
0x1a: {  	_ =	swait.ge [sflag:s14], $0x1400  }
0x1b: {  	[sflag:s14] =	ssyncset.done $0x0  }
0x1c: {  	[sflag:s14] =	ssyncadd.s32 $0xFFFFEC00  }
0x1d: {  	[tilespmem:s15], [sflag:$0x3] =	stream.linear.gather [hbm4b:s8+s3], $0x1400, $0x38;
	[tilespmem:$0x1E400] =	vst v63  }
0x1e: {  	_ =	swait.ge [sflag:s14], $0x1400  }
0x1f: {  	[sflag:s14] =	ssyncset.done $0x0  }
0x20: {  	[sflag:s14] =	ssyncadd.s32 $0xFFFFEC00  }
0x21: {  	[tilespmem:s17], [sflag:$0x1] =	stream.indirect.gather [hbm4b:s4+s16], $0x80, s3, s16, $0xb8;
	[tilespmem:$0x1E400] =	vst v63  }
0x22: {  	s25 =	simm.s32 $0x80  }
0x23: {  	[tilespmem:s18], [sflag:$0x2] =	stream.indirect.gather [hbm4b:s4+s16], $0x80, s25, s16, $0xb8;
	[tilespmem:$0x1E400] =	vst v63  }
0x24: {  	_ =	swait.ge [sflag:s19], $0x3E80  }
0x25: {  	[sflag:s19] =	ssyncset.done $0x0  }
0x26: {  	s29 =	simm.s32 $0x1400;
	[sflag:s19] =	ssyncadd.s32 $0xFFFFC180  }
0x27: {  	[spmem:s2] =	stream.indirect.scatter.add.f32 [tilespmem:s17], [sflag:$0x3], $0x80, s29, s16, $0xb8;
	[tilespmem:$0x1E400] =	vst v63  }
0x28: {  	_ =	swait.ge [sflag:s14], $0x3E80  }
0x29: {  	[sflag:s14] =	ssyncset.done $0x0  }
0x2a: {  	s30 =	simm.s32 $0x100;
	[sflag:s14] =	ssyncadd.s32 $0xFFFFC180  }
0x2b: {  	[tilespmem:s17], [sflag:$0x1] =	stream.indirect.gather [hbm4b:s4+s16], $0x80, s30, s16, $0xb8;
	[tilespmem:$0x1E400] =	vst v63  }
0x2c: {  	_ =	swait.ge [sflag:s20], $0x3E80  }
0x2d: {  	[sflag:s20] =	ssyncset.done $0x0  }
0x2e: {  	s31 =	simm.s32 $0x1480;
	[sflag:s20] =	ssyncadd.s32 $0xFFFFC180  }
0x2f: {  	[spmem:s2] =	stream.indirect.scatter.add.f32 [tilespmem:s18], [sflag:$0x3], $0x80, s31, s16, $0xb8;
	[tilespmem:$0x1E400] =	vst v63  }
0x30: {  	_ =	swait.ge [sflag:s14], $0x3E80  }
0x31: {  	s26 =	simm.s32 $0x800;
	s25 =	simm.s32 $0x100;
	[sflag:s14] =	ssyncset.done $0x0  }
.LBB2_2:
0x32: {  	s28 =	sadd.s32 $0x80, s25  }
0x33: {  	[sflag:s14] =	ssyncadd.s32 $0xFFFFC180;
	s29 =	smov.u32 s26;
	s30 =	sadd.s32 $0x400, s26  }
0x34: {  	[tilespmem:s18], [sflag:$0x2] =	stream.indirect.gather [hbm4b:s4+s16], $0x80, s28, s16, $0xb8;
	[tilespmem:$0x1E400] =	vst v63  }
0x35: {  	p0 =	sne.s32 s26, $0x4800;
	_ =	swait.ge [sflag:s19], $0x3E80  }
0x36: {  	[sflag:s19] =	ssyncset.done $0x0  }
0x37: {  	s26 =	sadd.s32 $0x1400, s25;
	[sflag:s19] =	ssyncadd.s32 $0xFFFFC180  }
0x38: {  	[spmem:s2] =	stream.indirect.scatter.add.f32 [tilespmem:s17], [sflag:$0x3], $0x80, s26, s16, $0xb8;
	[tilespmem:$0x1E400] =	vst v63  }
0x39: {  	_ =	swait.ge [sflag:s14], $0x3E80  }
0x3a: {  	[sflag:s14] =	ssyncset.done $0x0  }
0x3b: {  	s26 =	sadd.s32 $0x100, s25;
	[sflag:s14] =	ssyncadd.s32 $0xFFFFC180  }
0x3c: {  	[tilespmem:s17], [sflag:$0x1] =	stream.indirect.gather [hbm4b:s4+s16], $0x80, s26, s16, $0xb8;
	[tilespmem:$0x1E400] =	vst v63  }
0x3d: {  	_ =	swait.ge [sflag:s20], $0x3E80  }
.Ltmp0:
0x3e: {  	[sflag:s20] =	ssyncset.done $0x0;
	(pc) =	sbr.rel @p0 .LBB2_2-.Ltmp0, $4  }
0x3f: {  	s25 =	sadd.s32 $0x1480, s25;
	[sflag:s20] =	ssyncadd.s32 $0xFFFFC180  }
0x40: {  	[spmem:s2] =	stream.indirect.scatter.add.f32 [tilespmem:s18], [sflag:$0x3], $0x80, s25, s16, $0xb8;
	[tilespmem:$0x1E400] =	vst v63  }
0x41: {  	_ =	swait.ge [sflag:s14], $0x3E80  }
0x42: {  	s26 =	smov.u32 s30;
	s25 =	sshra.s32 s29, $0x2;
	[sflag:s14] =	ssyncset.done $0x0  }
0x43: {  	s26 =	sadd.s32 $0x80, s25;
	[sflag:s14] =	ssyncadd.s32 $0xFFFFC180  }
0x44: {  	[tilespmem:s18], [sflag:$0x2] =	stream.indirect.gather [hbm4b:s4+s16], $0x80, s26, s16, $0xb8;
	[tilespmem:$0x1E400] =	vst v63  }
0x45: {  	_ =	swait.ge [sflag:s19], $0x3E80  }
0x46: {  	[sflag:s19] =	ssyncset.done $0x0  }
0x47: {  	s29 =	sadd.s32 $0x1400, s25;
	[sflag:s19] =	ssyncadd.s32 $0xFFFFC180  }
0x48: {  	[spmem:s2] =	stream.indirect.scatter.add.f32 [tilespmem:s17], [sflag:$0x3], $0x80, s29, s16, $0xb8;
	[tilespmem:$0x1E400] =	vst v63  }
0x49: {  	_ =	swait.ge [sflag:s14], $0x3E80  }
0x4a: {  	[sflag:s14] =	ssyncset.done $0x0  }
0x4b: {  	s30 =	sadd.s32 $0x100, s25;
	[sflag:s14] =	ssyncadd.s32 $0xFFFFC180  }
0x4c: {  	[tilespmem:s17], [sflag:$0x1] =	stream.indirect.gather [hbm4b:s4+s16], $0x80, s30, s16, $0xb8;
	[tilespmem:$0x1E400] =	vst v63  }
0x4d: {  	_ =	swait.ge [sflag:s20], $0x3E80  }
0x4e: {  	[sflag:s20] =	ssyncset.done $0x0  }
0x4f: {  	s31 =	sadd.s32 $0x1480, s25;
	[sflag:s20] =	ssyncadd.s32 $0xFFFFC180  }
0x50: {  	[spmem:s2] =	stream.indirect.scatter.add.f32 [tilespmem:s18], [sflag:$0x3], $0x80, s31, s16, $0xb8;
	[tilespmem:$0x1E400] =	vst v63  }
0x51: {  	_ =	swait.ge [sflag:s14], $0x3E80  }
0x52: {  	[sflag:s14] =	ssyncset.done $0x0  }
0x53: {  	[sflag:s14] =	ssyncadd.s32 $0xFFFFC180  }
0x54: {  	[tilespmem:s18], [sflag:$0x2] =	stream.indirect.gather [hbm4b:s4+s16], $0x80, s21, s16, $0xb8;
	[tilespmem:$0x1E400] =	vst v63  }
0x55: {  	_ =	swait.ge [sflag:s19], $0x3E80  }
0x56: {  	[sflag:s19] =	ssyncset.done $0x0  }
0x57: {  	[sflag:s19] =	ssyncadd.s32 $0xFFFFC180  }
0x58: {  	[spmem:s2] =	stream.indirect.scatter.add.f32 [tilespmem:s17], [sflag:$0x3], $0x80, s22, s16, $0xb8;
	[tilespmem:$0x1E400] =	vst v63  }
0x59: {  	_ =	swait.ge [sflag:s14], $0x3E80  }
0x5a: {  	[sflag:s14] =	ssyncset.done $0x0  }
0x5b: {  	[sflag:s14] =	ssyncadd.s32 $0xFFFFC180  }
0x5c: {  	_ =	swait.ge [sflag:s20], $0x3E80  }
0x5d: {  	[sflag:s20] =	ssyncset.done $0x0  }
0x5e: {  	[sflag:s20] =	ssyncadd.s32 $0xFFFFC180  }
0x5f: {  	[spmem:s2] =	stream.indirect.scatter.add.f32 [tilespmem:s18], [sflag:$0x3], $0x80, s23, s16, $0xb8;
	[tilespmem:$0x1E400] =	vst v63  }
0x60: {  	_ =	swait.ge [sflag:s14], $0x3E80  }
0x61: {  	[sflag:s14] =	ssyncset.done $0x0  }
0x62: {  	s26 =	simm.s32 $0x0;
	[sflag:s14] =	ssyncadd.s32 $0xFFFFC180  }
0x63: {  	[tilespmem:s26], [sflag:$0x3] =	stream.linear.gather [hbm4b:s9+s26], $0x1400, $0x38;
	[tilespmem:$0x1E400] =	vst v63  }
0x64: {  	_ =	swait.ge [sflag:s14], $0x1400  }
0x65: {  	[sflag:s14] =	ssyncset.done $0x0  }
0x66: {  	[sflag:s14] =	ssyncadd.s32 $0xFFFFEC00  }
0x67: {  	[tilespmem:s15], [sflag:$0x3] =	stream.linear.gather [hbm4b:s10+s26], $0x1400, $0x38;
	[tilespmem:$0x1E400] =	vst v63  }
0x68: {  	_ =	swait.ge [sflag:s14], $0x1400  }
0x69: {  	[sflag:s14] =	ssyncset.done $0x0  }
0x6a: {  	[sflag:s14] =	ssyncadd.s32 $0xFFFFEC00  }
0x6b: {  	[tilespmem:s17], [sflag:$0x1] =	stream.indirect.gather [hbm4b:s4+s16], $0x80, s26, s16, $0xb8;
	[tilespmem:$0x1E400] =	vst v63  }
0x6c: {  	s28 =	simm.s32 $0x80  }
0x6d: {  	[tilespmem:s18], [sflag:$0x2] =	stream.indirect.gather [hbm4b:s4+s16], $0x80, s28, s16, $0xb8;
	[tilespmem:$0x1E400] =	vst v63  }
0x6e: {  	_ =	swait.ge [sflag:s19], $0x3E80  }
0x6f: {  	[sflag:s19] =	ssyncset.done $0x0  }
0x70: {  	s29 =	simm.s32 $0x1400;
	[sflag:s19] =	ssyncadd.s32 $0xFFFFC180  }
0x71: {  	[spmem:s2] =	stream.indirect.scatter.add.f32 [tilespmem:s17], [sflag:$0x3], $0x80, s29, s16, $0xb8;
	[tilespmem:$0x1E400] =	vst v63  }
0x72: {  	_ =	swait.ge [sflag:s14], $0x3E80  }
0x73: {  	[sflag:s14] =	ssyncset.done $0x0  }
0x74: {  	s30 =	simm.s32 $0x100;
	[sflag:s14] =	ssyncadd.s32 $0xFFFFC180  }
0x75: {  	[tilespmem:s17], [sflag:$0x1] =	stream.indirect.gather [hbm4b:s4+s16], $0x80, s30, s16, $0xb8;
	[tilespmem:$0x1E400] =	vst v63  }
0x76: {  	_ =	swait.ge [sflag:s20], $0x3E80  }
0x77: {  	[sflag:s20] =	ssyncset.done $0x0  }
0x78: {  	s31 =	simm.s32 $0x1480;
	[sflag:s20] =	ssyncadd.s32 $0xFFFFC180  }
0x79: {  	[spmem:s2] =	stream.indirect.scatter.add.f32 [tilespmem:s18], [sflag:$0x3], $0x80, s31, s16, $0xb8;
	[tilespmem:$0x1E400] =	vst v63  }
0x7a: {  	_ =	swait.ge [sflag:s14], $0x3E80  }
0x7b: {  	s25 =	simm.s32 $0x100;
	s26 =	simm.s32 $0x800;
	[sflag:s14] =	ssyncset.done $0x0  }
.LBB2_4:
0x7c: {  	s28 =	sadd.s32 $0x80, s25  }
0x7d: {  	[sflag:s14] =	ssyncadd.s32 $0xFFFFC180;
	s29 =	smov.u32 s26;
	s30 =	sadd.s32 $0x400, s26  }
0x7e: {  	[tilespmem:s18], [sflag:$0x2] =	stream.indirect.gather [hbm4b:s4+s16], $0x80, s28, s16, $0xb8;
	[tilespmem:$0x1E400] =	vst v63  }
0x7f: {  	p0 =	sne.s32 s26, $0x4800;
	_ =	swait.ge [sflag:s19], $0x3E80  }
0x80: {  	[sflag:s19] =	ssyncset.done $0x0  }
0x81: {  	s26 =	sadd.s32 $0x1400, s25;
	[sflag:s19] =	ssyncadd.s32 $0xFFFFC180  }
0x82: {  	[spmem:s2] =	stream.indirect.scatter.add.f32 [tilespmem:s17], [sflag:$0x3], $0x80, s26, s16, $0xb8;
	[tilespmem:$0x1E400] =	vst v63  }
0x83: {  	_ =	swait.ge [sflag:s14], $0x3E80  }
0x84: {  	[sflag:s14] =	ssyncset.done $0x0  }
0x85: {  	s26 =	sadd.s32 $0x100, s25;
	[sflag:s14] =	ssyncadd.s32 $0xFFFFC180  }
0x86: {  	[tilespmem:s17], [sflag:$0x1] =	stream.indirect.gather [hbm4b:s4+s16], $0x80, s26, s16, $0xb8;
	[tilespmem:$0x1E400] =	vst v63  }
0x87: {  	_ =	swait.ge [sflag:s20], $0x3E80  }
.Ltmp1:
0x88: {  	[sflag:s20] =	ssyncset.done $0x0;
	(pc) =	sbr.rel @p0 .LBB2_4-.Ltmp1, $4  }
0x89: {  	s25 =	sadd.s32 $0x1480, s25;
	[sflag:s20] =	ssyncadd.s32 $0xFFFFC180  }
0x8a: {  	[spmem:s2] =	stream.indirect.scatter.add.f32 [tilespmem:s18], [sflag:$0x3], $0x80, s25, s16, $0xb8;
	[tilespmem:$0x1E400] =	vst v63  }
0x8b: {  	_ =	swait.ge [sflag:s14], $0x3E80  }
0x8c: {  	s26 =	smov.u32 s30;
	s25 =	sshra.s32 s29, $0x2;
	[sflag:s14] =	ssyncset.done $0x0  }
0x8d: {  	s26 =	sadd.s32 $0x80, s25;
	[sflag:s14] =	ssyncadd.s32 $0xFFFFC180  }
0x8e: {  	[tilespmem:s18], [sflag:$0x2] =	stream.indirect.gather [hbm4b:s4+s16], $0x80, s26, s16, $0xb8;
	[tilespmem:$0x1E400] =	vst v63  }
0x8f: {  	_ =	swait.ge [sflag:s19], $0x3E80  }
0x90: {  	[sflag:s19] =	ssyncset.done $0x0  }
0x91: {  	s29 =	sadd.s32 $0x1400, s25;
	[sflag:s19] =	ssyncadd.s32 $0xFFFFC180  }
0x92: {  	[spmem:s2] =	stream.indirect.scatter.add.f32 [tilespmem:s17], [sflag:$0x3], $0x80, s29, s16, $0xb8;
	[tilespmem:$0x1E400] =	vst v63  }
0x93: {  	_ =	swait.ge [sflag:s14], $0x3E80  }
0x94: {  	[sflag:s14] =	ssyncset.done $0x0  }
0x95: {  	s30 =	sadd.s32 $0x100, s25;
	[sflag:s14] =	ssyncadd.s32 $0xFFFFC180  }
0x96: {  	[tilespmem:s17], [sflag:$0x1] =	stream.indirect.gather [hbm4b:s4+s16], $0x80, s30, s16, $0xb8;
	[tilespmem:$0x1E400] =	vst v63  }
0x97: {  	_ =	swait.ge [sflag:s20], $0x3E80  }
0x98: {  	[sflag:s20] =	ssyncset.done $0x0  }
0x99: {  	s31 =	sadd.s32 $0x1480, s25;
	[sflag:s20] =	ssyncadd.s32 $0xFFFFC180  }
0x9a: {  	[spmem:s2] =	stream.indirect.scatter.add.f32 [tilespmem:s18], [sflag:$0x3], $0x80, s31, s16, $0xb8;
	[tilespmem:$0x1E400] =	vst v63  }
0x9b: {  	_ =	swait.ge [sflag:s14], $0x3E80  }
0x9c: {  	[sflag:s14] =	ssyncset.done $0x0  }
0x9d: {  	[sflag:s14] =	ssyncadd.s32 $0xFFFFC180  }
0x9e: {  	[tilespmem:s18], [sflag:$0x2] =	stream.indirect.gather [hbm4b:s4+s16], $0x80, s21, s16, $0xb8;
	[tilespmem:$0x1E400] =	vst v63  }
0x9f: {  	_ =	swait.ge [sflag:s19], $0x3E80  }
0xa0: {  	[sflag:s19] =	ssyncset.done $0x0  }
0xa1: {  	[sflag:s19] =	ssyncadd.s32 $0xFFFFC180  }
0xa2: {  	[spmem:s2] =	stream.indirect.scatter.add.f32 [tilespmem:s17], [sflag:$0x3], $0x80, s22, s16, $0xb8;
	[tilespmem:$0x1E400] =	vst v63  }
0xa3: {  	_ =	swait.ge [sflag:s14], $0x3E80  }
0xa4: {  	[sflag:s14] =	ssyncset.done $0x0  }
0xa5: {  	[sflag:s14] =	ssyncadd.s32 $0xFFFFC180  }
0xa6: {  	_ =	swait.ge [sflag:s20], $0x3E80  }
0xa7: {  	[sflag:s20] =	ssyncset.done $0x0  }
0xa8: {  	[sflag:s20] =	ssyncadd.s32 $0xFFFFC180  }
0xa9: {  	[spmem:s2] =	stream.indirect.scatter.add.f32 [tilespmem:s18], [sflag:$0x3], $0x80, s23, s16, $0xb8;
	[tilespmem:$0x1E400] =	vst v63  }
0xaa: {  	_ =	swait.ge [sflag:s14], $0x3E80  }
0xab: {  	s24 =	sadd.s32 $0x1, s24;
	[sflag:s14] =	ssyncset.done $0x0  }
0xac: {  	p0 =	sne.s32 s24, s12;
	[sflag:s14] =	ssyncadd.s32 $0xFFFFC180  }
.Ltmp2:
0xad: {  	[bflag:$0x0] =	sbarrier.arrive $0xFFFF;
	(pc) =	sbr.rel @p0 .LBB2_1-.Ltmp2, $4  }
0xae: {  	[hbm:s11], [sflag:s6] =	dma.local [spmem:s13], $0x2780  }
0xaf: {  	_ =	swait.ge [sflag:s14], $0x2780  }
0xb0: {  	[sflag:s14] =	ssyncset.done $0x0  }
0xb1: {  	[sflag:s14] =	ssyncadd.s32 $0xFFFFD880  }
0xb2: {  	_ =	sfence.sel $0x180000  }
0xb3: {  	[bflag:$0x0] =	sbarrier.arrive $0xFFFF  }
0xb4: {  	p0 =	sne.s32 s1, $0x0;
	_ =	strace $0x9000004D  }
0xb5: {  	s0 =	sadd.s32 @!p0 $0x100000, s0;
	[bflag:$0x2] =	sbarrier.arrive $0xFFFF  }
0xb6: {  	[sflag:s0] =	ssyncadd.tile.s32 @!p0 $0x1;
	_ =	shalt  }
.Lfunc_end2:
_tile_overlayer_lowered:
.L_overlay_start_2:
0xb7: {  	(tag) =	ssettag $0x2  }
0xb8: {  	s0 =	rddreg [dreg:$0x0];
	s2 =	stileid.u32  }
0xb9: {  	s1 =	rddreg [dreg:$0x1];
	p0 =	sne.s32 s2, $0x0  }
0xba: {  	s3 =	rddreg [dreg:$0x2];
	[bflag:$0x3] =	sbarrier.arrive $0xFFFF;
	s2 =	simm.s32 @!p0 $0x1C03  }
0xbb: {  	[timem:s3], [sflag:s2] =	dma.local @!p0 [hbm:s0], s1  }
0xbc: {  	s0 =	simm.s32 @!p0 $0x3  }
0xbd: {  	_ =	swait.ge @!p0 [sflag:s0], s1  }
0xbe: {  	s1 =	ssub.s32 @!p0 $0x0, s1;
	[sflag:s0] =	ssyncset.done @!p0 $0x0  }
0xbf: {  	[sflag:s0] =	ssyncadd.s32 @!p0 s1  }
0xc0: {  	[bflag:$0x3] =	sbarrier.arrive $0xFFFF  }
0xc1: {  	_ =	shalt  }

// kernel: kernel.19.cloned.1.call-start
scs
__scs_entry_jumppad:
0x0: {  	(pc) =	sbr.rel $0x88, $3  }
0x1: {  	(tag) =	ssettag $0x0;
	lr =	simm.s32 $0x1  }
0x2: {  	[smem:$0x3F95] =	sst lr;
	_ =	strace $0xD0000000  }
0x3: {  	_ = 	snop  }
0x4: {  	_ = 	snop  }
0x5: {  	_ = 	snop  }
0x6: {  	_ = 	snop  }
0x7: {  	_ = 	snop  }
__scs_overlays_trampoline_lowered:
0x8: {  	[smem:$0x3FA4] =	sst s0  }
0x9: {  	[smem:$0x3FA5] =	sst s1  }
0xa: {  	[smem:$0x3FA6] =	sst s2  }
0xb: {  	[smem:$0x3FA7] =	sst s3  }
0xc: {  	[smem:$0x3FA8] =	sst s4  }
0xd: {  	[smem:$0x3FA9] =	sst s5  }
0xe: {  	[smem:$0x3FAA] =	sst s6  }
0xf: {  	[smem:$0x3FAB] =	sst s7  }
0x10: {  	[smem:$0x3FAC] =	sst s8  }
0x11: {  	[smem:$0x3FAD] =	sst s9;
	s0 =	simm.s32 @!p0 $0x0  }
0x12: {  	s1 =	sld [smem:$0x3F93];
	s0 =	simm.s32 @p0 $0x1  }
0x13: {  	[smem:$0x3FAE] =	sst s0;
	s0 =	simm.s32 @!p1 $0x0  }
0x14: {  	s2 =	sld [smem:$0x3F92];
	s0 =	simm.s32 @p1 $0x1  }
0x15: {  	[smem:$0x3FAF] =	sst s0;
	s0 =	simm.s32 @!p2 $0x0  }
0x16: {  	s3 =	sld [smem:$0x3FDB];
	s0 =	simm.s32 @p2 $0x1  }
0x17: {  	s4 =	simm.s32 $0x1BF5;
	[smem:$0x3FB1] =	sst s0  }
0x18: {  	s0 =	sld [smem:$0x3F94];
	_ =	swait.ge [sflag:s4], $0x0  }
0x19: {  	s7 =	sld [smem:$0x3F95]  }
0x1a: {  	s8 =	sadd.s32 $0xFFFFE003, lr  }
0x1b: {  	s9 =	sadd.s32 $0xFFFFFEF7, lr;
	s5 =	simm.s32 $0xFFFFFFFF;
	p2 =	slt.u32 s8, $0xFFFFF086  }
0x1c: {  	p1 =	slt.u32 s9, $0xF7A;
	s5 =	simm.s32 @!p2 $0x0  }
0x1d: {  	s5 =	simm.s32 @p1 $0x1;
	p0 =	seq.s32 s7, s2  }
0x1e: {  	s7 =	smul.u32 @!p0 $0xF7A, s2;
	p2 =	seq.s32 @!p0 s5, $0x0  }
0x1f: {  	s9 =	smul.u32 $0xF7A, s1;
	s8 =	simm.s32 @!p0 $0x1BF5;
	p2 =	por !p2, p0  }
0x20: {  	[sflag:s8] =	ssyncset.s32 @!p0 $0xFFFFF086;
	s6 =	sadd.s32 @!p0 s3, s7;
	s7 =	simm.s32 @!p0 $0x108  }
0x21: {  	s3 =	sadd.s32 s3, s9;
	s6 =	sadd.s32 @!p0 $0x88, s6;
	s7 =	simm.s32 @p2 $0x1082  }
0x22: {  	[simem:s7], [sflag:s8] =	dma.local @!p0 [hbm:s6], $0xF7A  }
0x23: {  	s9 =	sor.u32 $0xD0000000, s2;
	s6 =	simm.s32 $0x108;
	_ =	swait.ge @!p0 [sflag:s8], $0x0  }
0x24: {  	s3 =	sadd.s32 $0x88, s3;
	s6 =	simm.s32 @!p1 $0x1082;
	[sflag:s4] =	ssyncset.s32 $0xFFFFF086  }
0x25: {  	[simem:s6], [sflag:s4] =	dma.local [hbm:s3], $0xF7A  }
0x26: {  	[smem:$0x3F95] =	sst s1;
	(tag) =	ssettag s2;
	_ =	strace s9  }
0x27: {  	s1 =	sld [smem:$0x3FA5]  }
0x28: {  	s2 =	sld [smem:$0x3FA6]  }
0x29: {  	s4 =	sld [smem:$0x3FA8]  }
0x2a: {  	p0 =	seq.s32 s5, $0x0;
	s5 =	sld [smem:$0x3FA9]  }
0x2b: {  	s6 =	sld [smem:$0x3FAA]  }
0x2c: {  	s7 =	sld [smem:$0x3FAB]  }
0x2d: {  	s3 =	simm.s32 $0x108;
	s8 =	sld [smem:$0x3FAC]  }
0x2e: {  	s3 =	simm.s32 @!p0 $0x1082;
	s9 =	sld [smem:$0x3FAD]  }
0x2f: {  	lr =	sadd.s32 s0, s3;
	s0 =	sld [smem:$0x3FA4]  }
0x30: {  	s3 =	sld [smem:$0x3FA7]  }
0x31: {  	[smem:$0x3FB0] =	sst s10  }
0x32: {  	s10 =	sld [smem:$0x3FAE];
	_ =	sdelay $0x3  }
0x33: {  	p0 =	seq.s32 s10, $0x1;
	s10 =	sld [smem:$0x3FB0];
	_ =	sdelay $0x3  }
0x34: {  	[smem:$0x3FB0] =	sst s10  }
0x35: {  	s10 =	sld [smem:$0x3FAF];
	_ =	sdelay $0x3  }
0x36: {  	p1 =	seq.s32 s10, $0x1;
	s10 =	sld [smem:$0x3FB0];
	_ =	sdelay $0x3  }
0x37: {  	[smem:$0x3FB0] =	sst s10  }
0x38: {  	s10 =	sld [smem:$0x3FB1]  }
0x39: {  	_ = 	snop;
	(pc) =	sbr.ind lr, $3  }
0x3a: {  	_ = 	snop  }
0x3b: {  	_ = 	snop  }
0x3c: {  	p2 =	seq.s32 s10, $0x1;
	s10 =	sld [smem:$0x3FB0]  }
0x3d: {  	_ =	shalt  }
0x3e: {  	_ =	shalt  }
0x3f: {  	_ =	shalt  }
0x40: {  	_ =	shalt  }
0x41: {  	_ =	shalt  }
0x42: {  	_ =	shalt  }
0x43: {  	_ =	shalt  }
0x44: {  	_ =	shalt  }
0x45: {  	_ =	shalt  }
0x46: {  	_ =	shalt  }
0x47: {  	_ =	shalt  }
0x48: {  	_ =	shalt  }
0x49: {  	_ =	shalt  }
0x4a: {  	_ =	shalt  }
0x4b: {  	_ =	shalt  }
0x4c: {  	_ =	shalt  }
0x4d: {  	_ =	shalt  }
0x4e: {  	_ =	shalt  }
0x4f: {  	_ =	shalt  }
0x50: {  	_ =	shalt  }
0x51: {  	_ =	shalt  }
0x52: {  	_ =	shalt  }
0x53: {  	_ =	shalt  }
0x54: {  	_ =	shalt  }
0x55: {  	_ =	shalt  }
0x56: {  	_ =	shalt  }
0x57: {  	_ =	shalt  }
0x58: {  	_ =	shalt  }
0x59: {  	_ =	shalt  }
0x5a: {  	_ =	shalt  }
0x5b: {  	_ =	shalt  }
0x5c: {  	_ =	shalt  }
0x5d: {  	_ =	shalt  }
0x5e: {  	_ =	shalt  }
0x5f: {  	_ =	shalt  }
0x60: {  	_ =	shalt  }
0x61: {  	_ =	shalt  }
0x62: {  	_ =	shalt  }
0x63: {  	_ =	shalt  }
0x64: {  	_ =	shalt  }
0x65: {  	_ =	shalt  }
0x66: {  	_ =	shalt  }
0x67: {  	_ =	shalt  }
0x68: {  	_ =	shalt  }
0x69: {  	_ =	shalt  }
0x6a: {  	_ =	shalt  }
0x6b: {  	_ =	shalt  }
0x6c: {  	_ =	shalt  }
0x6d: {  	_ =	shalt  }
0x6e: {  	_ =	shalt  }
0x6f: {  	_ =	shalt  }
0x70: {  	_ =	shalt  }
0x71: {  	_ =	shalt  }
0x72: {  	_ =	shalt  }
0x73: {  	_ =	shalt  }
0x74: {  	_ =	shalt  }
0x75: {  	_ =	shalt  }
0x76: {  	_ =	shalt  }
0x77: {  	_ =	shalt  }
0x78: {  	_ =	shalt  }
0x79: {  	_ =	shalt  }
0x7a: {  	_ =	shalt  }
0x7b: {  	_ =	shalt  }
0x7c: {  	_ =	shalt  }
0x7d: {  	_ =	shalt  }
0x7e: {  	_ =	shalt  }
0x7f: {  	_ =	shalt  }
0x80: {  	_ =	shalt  }
0x81: {  	_ =	shalt  }
0x82: {  	_ =	shalt  }
0x83: {  	_ =	shalt  }
0x84: {  	_ =	shalt  }
0x85: {  	_ =	shalt  }
0x86: {  	_ =	shalt  }
0x87: {  	_ =	shalt  }
.Lfunc_end0:
.L_simem_size_0:
called_computation.3_lowered:
.L_overlay_start_0:
0x88: {  	s2 =	sld [smem:$0x3FD9]  }
0x89: {  	s3 =	sld [smem:$0x3FFE];
	_ =	sdelay $0x1  }
0x8a: {  	s1 =	srdreg.scid  }
0x8b: {  	s0 =	sand.u32 $0x1, s1  }
0x8c: {  	s17 =	sshll.u32 s0, $0xA;
	s2 =	sadd.s32 s3, s2  }
0x8d: {  	s2 =	sadd.s32 s2, s17  }
0x8e: {  	[smem:$0x3FBC] =	sst s2  }
0x8f: {  	_ = 	snop  }
0x90: {  	s2 =	sld [smem:$0x3FD0];
	(tm) =	ssettm $0x1  }
0x91: {  	s18 =	sld [smem:$0x3FFB];
	_ =	sdelay $0x3  }
0x92: {  	_ =	strace s18  }
0x93: {  	s3 =	sld [smem:$0x3FFC];
	_ =	sdelay $0x3  }
0x94: {  	_ =	strace s3  }
0x95: {  	s3 =	sld [smem:$0x3FFD];
	_ =	sdelay $0x3  }
0x96: {  	_ =	strace s3  }
0x97: {  	_ =	strace $0x8FFFFFFF  }
0x98: {  	s19 =	sld [smem:$0x3FDB];
	_ =	sdelay $0x1  }
0x99: {  	s4 =	simm.s32 $_scs_section_size  }
0x9a: {  	s5 =	simm.s32 $_size__tile_overlayer_lowered;
	s6 =	simm.s32 $_tile_overlayer_lowered  }
0x9b: {  	s22 =	simm.s32 $0x1BFF;
	s21 =	sshll.u32 s6, $0x1;
	s3 =	sadd.s32 s4, s19  }
0x9c: {  	s7 =	simm.s32 $0x0;
	s20 =	sshll.u32 s5, $0x1;
	s5 =	sadd.s32 s21, s3  }
0x9d: {  	[timem:s7], [sflag:s22] =	dma.local [hbm:s5], s20  }
0x9e: {  	_ =	swait.ge [sflag:s22], s20  }
0x9f: {  	s4 =	ssub.s32 $0x0, s20;
	[sflag:s22] =	ssyncset.done $0x0  }
0xa0: {  	[sflag:s22] =	ssyncadd.s32 s4;
	_ =	sdelay $0x1  }
0xa1: {  	s23 =	simm.s32 $0x1B8B  }
0xa2: {  	_ =	swait.ge [sflag:s23], $0x1  }
0xa3: {  	[sflag:s23] =	ssyncset.done $0x0  }
0xa4: {  	s25 =	simm.s32 $0x1B8E;
	s24 =	sld [smem:$0x3FFE];
	[sflag:s23] =	ssyncadd.s32 $0xFFFFFFFF  }
0xa5: {  	s26 =	simm.s32 $execute0_lowered;
	[smem:$0x3FD2] =	sst s25  }
0xa6: {  	s5 =	sshll.u32 s26, $0x1;
	_ =	strace $0x8000004F;
	[dreg:$0x1] =	wrdreg $0xFFFFFFFF  }
0xa7: {  	s28 =	simm.s32 $_size_execute0_lowered;
	s3 =	sadd.s32 s3, s5;
	[dreg:$0x0] =	wrdreg $0x0  }
0xa8: {  	s5 =	sshll.u32 s28, $0x1;
	[dreg:$0x2] =	wrdreg s3  }
0xa9: {  	[dreg:$0x3] =	wrdreg s5  }
0xaa: {  	[dreg:$0x4] =	wrdreg $0xC0  }
0xab: {  	_ =	task [dreg:s7], $0x5FFFF  }
0xac: {  	[dreg:$0x1] =	wrdreg $0xFFFFFFFF  }
0xad: {  	[dreg:$0x0] =	wrdreg $0x60  }
0xae: {  	[dreg:$0x2] =	wrdreg s24  }
0xaf: {  	[dreg:$0x3] =	wrdreg s2  }
0xb0: {  	[dreg:$0x4] =	wrdreg $0xA8000  }
0xb1: {  	[dreg:$0x5] =	wrdreg $0x9  }
0xb2: {  	_ =	task.clear_ibuf [dreg:s7], $0x6FFFF;
	_ =	strace $0x9000004F  }
0xb3: {  	s29 =	simm.s32 $0x9;
	_ =	strace $0x80000051  }
0xb4: {  	_ =	swait.ge [sflag:s29], $0x1  }
0xb5: {  	[sflag:s29] =	ssyncadd.s32 $0xFFFFFFFF  }
0xb6: {  	_ =	strace $0x90000051  }
0xb7: {  	_ =	sfence  }
0xb8: {  	s30 =	sld [smem:$0x0];
	_ =	sdelay $0x2  }
0xb9: {  	s31 =	sshll.u32 s1, $0xD;
	s1 =	sshrl.u32 s1, $0x2  }
0xba: {  	s3 =	sand.u32 $0x4000, s31;
	s1 =	sadd.s32 s1, s30  }
0xbb: {  	s0 =	sor.u32 s3, s0;
	s1 =	sshll.u32 s1, $0x11  }
0xbc: {  	s0 =	sor.u32 s1, s0  }
0xbd: {  	s0 =	sadd.s32 $0x8F2B, s0  }
0xbe: {  	[sflag:s0] =	ssyncadd.remote.s32 $0x1  }
0xbf: {  	_ =	sfence.sel $0xFFFF  }
0xc0: {  	[dreg:$0x0] =	wrdreg $0xFFFFFFFF;
	(pc) =	sbr.abs _section_cstart, $3  }
0xc1: {  	[dreg:$0x1] =	wrdreg $0xFFFFFFFF  }
0xc2: {  	_ =	task.clear_ibuf [dreg:s7], $0x2FFFF;
	_ =	strace $0x9FFFFFFF  }
0xc3: {  	(tm) =	ssettm $0x7FFFFFFF  }
tec
execute0_lowered:
.L_overlay_start_1:
0x0: {  	(tag) =	ssettag $0x1  }
0x1: {  	s5 =	rddreg [dreg:$0x0]  }
0x2: {  	s10 =	rddreg [dreg:$0x1]  }
0x3: {  	s2 =	rddreg [dreg:$0x2]  }
0x4: {  	s0 =	rddreg [dreg:$0x3];
	s3 =	simm.s32 $0x0;
	s1 =	stileid.u32  }
0x5: {  	s4 =	srdreg.scid;
	s15 =	simm.s32 $0x1400;
	s16 =	simm.s32 $0x7D  }
0x6: {  	s17 =	simm.s32 $0x2800;
	s18 =	simm.s32 $0x6800;
	s19 =	simm.s32 $0x1  }
0x7: {  	s20 =	simm.s32 $0x2;
	s21 =	simm.s32 $0x1380;
	s22 =	simm.s32 $0x2700  }
0x8: {  	s23 =	simm.s32 $0x2780;
	s24 =	simm.s32 $0x0;
	[smem:$0x7FF] =	sst s3  }
0x9: {  	s6 =	smul.u32 $0x13C00, s1;
	s7 =	sand.u32 $0x1, s4;
	s4 =	sadd.s32 $0x3200, s5  }
0xa: {  	s9 =	sadd.s32 $0x7A200, s5;
	s25 =	sshll.u32 s1, $0x1;
	s13 =	smul.u32 $0x4F000, s1  }
0xb: {  	s29 =	sshll.u32 s1, $0x6;
	_ =	strace $0x80000050;
	s8 =	smul.u32 $0x13C000, s7  }
0xc: {  	s12 =	ssub.s32 $0x2, s7;
	s7 =	sor.u32 s7, s25;
	s11 =	sshrl.u32 s6, $0x3  }
0xd: {  	s26 =	sshrl.u32 s12, $0x1;
	s7 =	smul.u32 $0x2800, s7;
	s28 =	sshrl.u32 s13, $0x2  }
0xe: {  	s11 =	sadd.s32 s11, s5;
	s6 =	sadd.s32 s6, s8;
	s12 =	ssub.s32 s12, s26  }
0xf: {  	s13 =	sadd.s32 s28, s2;
	s6 =	sshrl.u32 s6, $0x3;
	s30 =	sshrl.u32 s7, $0x3  }
0x10: {  	s12 =	smax.u32 s12, $0x1;
	s13 =	sshrl.u32 s13, $0x3;
	s14 =	sadd.s32 s6, s5  }
0x11: {  	s5 =	sadd.s32 $0x2A400, s11;
	s6 =	sor.u32 $0x1C03, s29;
	s31 =	sadd.s32 $0x280, s30  }
0x12: {  	s7 =	sadd.s32 s9, s30;
	s8 =	sadd.s32 s10, s30;
	s9 =	sadd.s32 s9, s31  }
0x13: {  	s10 =	sadd.s32 s10, s31;
	s11 =	sadd.s32 $0x84200, s14;
	s14 =	simm.s32 $0x3  }
.LBB2_1:
0x14: {  	[spmem:s13], [sflag:s6] =	dma.local [hbm:s5], $0x2780  }
0x15: {  	_ =	swait.ge [sflag:s14], $0x2780  }
0x16: {  	[sflag:s14] =	ssyncset.done $0x0  }
0x17: {  	[sflag:s14] =	ssyncadd.s32 $0xFFFFD880  }
0x18: {  	[bflag:$0x0] =	sbarrier.arrive $0xFFFF  }
0x19: {  	[tilespmem:s3], [sflag:$0x3] =	stream.linear.gather [hbm4b:s7+s3], $0x1400, $0x38;
	[tilespmem:$0x1E400] =	vst v63  }
0x1a: {  	_ =	swait.ge [sflag:s14], $0x1400  }
0x1b: {  	[sflag:s14] =	ssyncset.done $0x0  }
0x1c: {  	[sflag:s14] =	ssyncadd.s32 $0xFFFFEC00  }
0x1d: {  	[tilespmem:s15], [sflag:$0x3] =	stream.linear.gather [hbm4b:s8+s3], $0x1400, $0x38;
	[tilespmem:$0x1E400] =	vst v63  }
0x1e: {  	_ =	swait.ge [sflag:s14], $0x1400  }
0x1f: {  	[sflag:s14] =	ssyncset.done $0x0  }
0x20: {  	[sflag:s14] =	ssyncadd.s32 $0xFFFFEC00  }
0x21: {  	[tilespmem:s17], [sflag:$0x1] =	stream.indirect.gather [hbm4b:s4+s16], $0x80, s3, s16, $0xb8;
	[tilespmem:$0x1E400] =	vst v63  }
0x22: {  	s25 =	simm.s32 $0x80  }
0x23: {  	[tilespmem:s18], [sflag:$0x2] =	stream.indirect.gather [hbm4b:s4+s16], $0x80, s25, s16, $0xb8;
	[tilespmem:$0x1E400] =	vst v63  }
0x24: {  	_ =	swait.ge [sflag:s19], $0x3E80  }
0x25: {  	[sflag:s19] =	ssyncset.done $0x0  }
0x26: {  	s29 =	simm.s32 $0x1400;
	[sflag:s19] =	ssyncadd.s32 $0xFFFFC180  }
0x27: {  	[spmem:s2] =	stream.indirect.scatter.add.f32 [tilespmem:s17], [sflag:$0x3], $0x80, s29, s16, $0xb8;
	[tilespmem:$0x1E400] =	vst v63  }
0x28: {  	_ =	swait.ge [sflag:s14], $0x3E80  }
0x29: {  	[sflag:s14] =	ssyncset.done $0x0  }
0x2a: {  	s30 =	simm.s32 $0x100;
	[sflag:s14] =	ssyncadd.s32 $0xFFFFC180  }
0x2b: {  	[tilespmem:s17], [sflag:$0x1] =	stream.indirect.gather [hbm4b:s4+s16], $0x80, s30, s16, $0xb8;
	[tilespmem:$0x1E400] =	vst v63  }
0x2c: {  	_ =	swait.ge [sflag:s20], $0x3E80  }
0x2d: {  	[sflag:s20] =	ssyncset.done $0x0  }
0x2e: {  	s31 =	simm.s32 $0x1480;
	[sflag:s20] =	ssyncadd.s32 $0xFFFFC180  }
0x2f: {  	[spmem:s2] =	stream.indirect.scatter.add.f32 [tilespmem:s18], [sflag:$0x3], $0x80, s31, s16, $0xb8;
	[tilespmem:$0x1E400] =	vst v63  }
0x30: {  	_ =	swait.ge [sflag:s14], $0x3E80  }
0x31: {  	s26 =	simm.s32 $0x800;
	s25 =	simm.s32 $0x100;
	[sflag:s14] =	ssyncset.done $0x0  }
.LBB2_2:
0x32: {  	s28 =	sadd.s32 $0x80, s25  }
0x33: {  	[sflag:s14] =	ssyncadd.s32 $0xFFFFC180;
	s29 =	smov.u32 s26;
	s30 =	sadd.s32 $0x400, s26  }
0x34: {  	[tilespmem:s18], [sflag:$0x2] =	stream.indirect.gather [hbm4b:s4+s16], $0x80, s28, s16, $0xb8;
	[tilespmem:$0x1E400] =	vst v63  }
0x35: {  	p0 =	sne.s32 s26, $0x4800;
	_ =	swait.ge [sflag:s19], $0x3E80  }
0x36: {  	[sflag:s19] =	ssyncset.done $0x0  }
0x37: {  	s26 =	sadd.s32 $0x1400, s25;
	[sflag:s19] =	ssyncadd.s32 $0xFFFFC180  }
0x38: {  	[spmem:s2] =	stream.indirect.scatter.add.f32 [tilespmem:s17], [sflag:$0x3], $0x80, s26, s16, $0xb8;
	[tilespmem:$0x1E400] =	vst v63  }
0x39: {  	_ =	swait.ge [sflag:s14], $0x3E80  }
0x3a: {  	[sflag:s14] =	ssyncset.done $0x0  }
0x3b: {  	s26 =	sadd.s32 $0x100, s25;
	[sflag:s14] =	ssyncadd.s32 $0xFFFFC180  }
0x3c: {  	[tilespmem:s17], [sflag:$0x1] =	stream.indirect.gather [hbm4b:s4+s16], $0x80, s26, s16, $0xb8;
	[tilespmem:$0x1E400] =	vst v63  }
0x3d: {  	_ =	swait.ge [sflag:s20], $0x3E80  }
.Ltmp0:
0x3e: {  	[sflag:s20] =	ssyncset.done $0x0;
	(pc) =	sbr.rel @p0 .LBB2_2-.Ltmp0, $4  }
0x3f: {  	s25 =	sadd.s32 $0x1480, s25;
	[sflag:s20] =	ssyncadd.s32 $0xFFFFC180  }
0x40: {  	[spmem:s2] =	stream.indirect.scatter.add.f32 [tilespmem:s18], [sflag:$0x3], $0x80, s25, s16, $0xb8;
	[tilespmem:$0x1E400] =	vst v63  }
0x41: {  	_ =	swait.ge [sflag:s14], $0x3E80  }
0x42: {  	s26 =	smov.u32 s30;
	s25 =	sshra.s32 s29, $0x2;
	[sflag:s14] =	ssyncset.done $0x0  }
0x43: {  	s26 =	sadd.s32 $0x80, s25;
	[sflag:s14] =	ssyncadd.s32 $0xFFFFC180  }
0x44: {  	[tilespmem:s18], [sflag:$0x2] =	stream.indirect.gather [hbm4b:s4+s16], $0x80, s26, s16, $0xb8;
	[tilespmem:$0x1E400] =	vst v63  }
0x45: {  	_ =	swait.ge [sflag:s19], $0x3E80  }
0x46: {  	[sflag:s19] =	ssyncset.done $0x0  }
0x47: {  	s29 =	sadd.s32 $0x1400, s25;
	[sflag:s19] =	ssyncadd.s32 $0xFFFFC180  }
0x48: {  	[spmem:s2] =	stream.indirect.scatter.add.f32 [tilespmem:s17], [sflag:$0x3], $0x80, s29, s16, $0xb8;
	[tilespmem:$0x1E400] =	vst v63  }
0x49: {  	_ =	swait.ge [sflag:s14], $0x3E80  }
0x4a: {  	[sflag:s14] =	ssyncset.done $0x0  }
0x4b: {  	s30 =	sadd.s32 $0x100, s25;
	[sflag:s14] =	ssyncadd.s32 $0xFFFFC180  }
0x4c: {  	[tilespmem:s17], [sflag:$0x1] =	stream.indirect.gather [hbm4b:s4+s16], $0x80, s30, s16, $0xb8;
	[tilespmem:$0x1E400] =	vst v63  }
0x4d: {  	_ =	swait.ge [sflag:s20], $0x3E80  }
0x4e: {  	[sflag:s20] =	ssyncset.done $0x0  }
0x4f: {  	s31 =	sadd.s32 $0x1480, s25;
	[sflag:s20] =	ssyncadd.s32 $0xFFFFC180  }
0x50: {  	[spmem:s2] =	stream.indirect.scatter.add.f32 [tilespmem:s18], [sflag:$0x3], $0x80, s31, s16, $0xb8;
	[tilespmem:$0x1E400] =	vst v63  }
0x51: {  	_ =	swait.ge [sflag:s14], $0x3E80  }
0x52: {  	[sflag:s14] =	ssyncset.done $0x0  }
0x53: {  	[sflag:s14] =	ssyncadd.s32 $0xFFFFC180  }
0x54: {  	[tilespmem:s18], [sflag:$0x2] =	stream.indirect.gather [hbm4b:s4+s16], $0x80, s21, s16, $0xb8;
	[tilespmem:$0x1E400] =	vst v63  }
0x55: {  	_ =	swait.ge [sflag:s19], $0x3E80  }
0x56: {  	[sflag:s19] =	ssyncset.done $0x0  }
0x57: {  	[sflag:s19] =	ssyncadd.s32 $0xFFFFC180  }
0x58: {  	[spmem:s2] =	stream.indirect.scatter.add.f32 [tilespmem:s17], [sflag:$0x3], $0x80, s22, s16, $0xb8;
	[tilespmem:$0x1E400] =	vst v63  }
0x59: {  	_ =	swait.ge [sflag:s14], $0x3E80  }
0x5a: {  	[sflag:s14] =	ssyncset.done $0x0  }
0x5b: {  	[sflag:s14] =	ssyncadd.s32 $0xFFFFC180  }
0x5c: {  	_ =	swait.ge [sflag:s20], $0x3E80  }
0x5d: {  	[sflag:s20] =	ssyncset.done $0x0  }
0x5e: {  	[sflag:s20] =	ssyncadd.s32 $0xFFFFC180  }
0x5f: {  	[spmem:s2] =	stream.indirect.scatter.add.f32 [tilespmem:s18], [sflag:$0x3], $0x80, s23, s16, $0xb8;
	[tilespmem:$0x1E400] =	vst v63  }
0x60: {  	_ =	swait.ge [sflag:s14], $0x3E80  }
0x61: {  	[sflag:s14] =	ssyncset.done $0x0  }
0x62: {  	s26 =	simm.s32 $0x0;
	[sflag:s14] =	ssyncadd.s32 $0xFFFFC180  }
0x63: {  	[tilespmem:s26], [sflag:$0x3] =	stream.linear.gather [hbm4b:s9+s26], $0x1400, $0x38;
	[tilespmem:$0x1E400] =	vst v63  }
0x64: {  	_ =	swait.ge [sflag:s14], $0x1400  }
0x65: {  	[sflag:s14] =	ssyncset.done $0x0  }
0x66: {  	[sflag:s14] =	ssyncadd.s32 $0xFFFFEC00  }
0x67: {  	[tilespmem:s15], [sflag:$0x3] =	stream.linear.gather [hbm4b:s10+s26], $0x1400, $0x38;
	[tilespmem:$0x1E400] =	vst v63  }
0x68: {  	_ =	swait.ge [sflag:s14], $0x1400  }
0x69: {  	[sflag:s14] =	ssyncset.done $0x0  }
0x6a: {  	[sflag:s14] =	ssyncadd.s32 $0xFFFFEC00  }
0x6b: {  	[tilespmem:s17], [sflag:$0x1] =	stream.indirect.gather [hbm4b:s4+s16], $0x80, s26, s16, $0xb8;
	[tilespmem:$0x1E400] =	vst v63  }
0x6c: {  	s28 =	simm.s32 $0x80  }
0x6d: {  	[tilespmem:s18], [sflag:$0x2] =	stream.indirect.gather [hbm4b:s4+s16], $0x80, s28, s16, $0xb8;
	[tilespmem:$0x1E400] =	vst v63  }
0x6e: {  	_ =	swait.ge [sflag:s19], $0x3E80  }
0x6f: {  	[sflag:s19] =	ssyncset.done $0x0  }
0x70: {  	s29 =	simm.s32 $0x1400;
	[sflag:s19] =	ssyncadd.s32 $0xFFFFC180  }
0x71: {  	[spmem:s2] =	stream.indirect.scatter.add.f32 [tilespmem:s17], [sflag:$0x3], $0x80, s29, s16, $0xb8;
	[tilespmem:$0x1E400] =	vst v63  }
0x72: {  	_ =	swait.ge [sflag:s14], $0x3E80  }
0x73: {  	[sflag:s14] =	ssyncset.done $0x0  }
0x74: {  	s30 =	simm.s32 $0x100;
	[sflag:s14] =	ssyncadd.s32 $0xFFFFC180  }
0x75: {  	[tilespmem:s17], [sflag:$0x1] =	stream.indirect.gather [hbm4b:s4+s16], $0x80, s30, s16, $0xb8;
	[tilespmem:$0x1E400] =	vst v63  }
0x76: {  	_ =	swait.ge [sflag:s20], $0x3E80  }
0x77: {  	[sflag:s20] =	ssyncset.done $0x0  }
0x78: {  	s31 =	simm.s32 $0x1480;
	[sflag:s20] =	ssyncadd.s32 $0xFFFFC180  }
0x79: {  	[spmem:s2] =	stream.indirect.scatter.add.f32 [tilespmem:s18], [sflag:$0x3], $0x80, s31, s16, $0xb8;
	[tilespmem:$0x1E400] =	vst v63  }
0x7a: {  	_ =	swait.ge [sflag:s14], $0x3E80  }
0x7b: {  	s25 =	simm.s32 $0x100;
	s26 =	simm.s32 $0x800;
	[sflag:s14] =	ssyncset.done $0x0  }
.LBB2_4:
0x7c: {  	s28 =	sadd.s32 $0x80, s25  }
0x7d: {  	[sflag:s14] =	ssyncadd.s32 $0xFFFFC180;
	s29 =	smov.u32 s26;
	s30 =	sadd.s32 $0x400, s26  }
0x7e: {  	[tilespmem:s18], [sflag:$0x2] =	stream.indirect.gather [hbm4b:s4+s16], $0x80, s28, s16, $0xb8;
	[tilespmem:$0x1E400] =	vst v63  }
0x7f: {  	p0 =	sne.s32 s26, $0x4800;
	_ =	swait.ge [sflag:s19], $0x3E80  }
0x80: {  	[sflag:s19] =	ssyncset.done $0x0  }
0x81: {  	s26 =	sadd.s32 $0x1400, s25;
	[sflag:s19] =	ssyncadd.s32 $0xFFFFC180  }
0x82: {  	[spmem:s2] =	stream.indirect.scatter.add.f32 [tilespmem:s17], [sflag:$0x3], $0x80, s26, s16, $0xb8;
	[tilespmem:$0x1E400] =	vst v63  }
0x83: {  	_ =	swait.ge [sflag:s14], $0x3E80  }
0x84: {  	[sflag:s14] =	ssyncset.done $0x0  }
0x85: {  	s26 =	sadd.s32 $0x100, s25;
	[sflag:s14] =	ssyncadd.s32 $0xFFFFC180  }
0x86: {  	[tilespmem:s17], [sflag:$0x1] =	stream.indirect.gather [hbm4b:s4+s16], $0x80, s26, s16, $0xb8;
	[tilespmem:$0x1E400] =	vst v63  }
0x87: {  	_ =	swait.ge [sflag:s20], $0x3E80  }
.Ltmp1:
0x88: {  	[sflag:s20] =	ssyncset.done $0x0;
	(pc) =	sbr.rel @p0 .LBB2_4-.Ltmp1, $4  }
0x89: {  	s25 =	sadd.s32 $0x1480, s25;
	[sflag:s20] =	ssyncadd.s32 $0xFFFFC180  }
0x8a: {  	[spmem:s2] =	stream.indirect.scatter.add.f32 [tilespmem:s18], [sflag:$0x3], $0x80, s25, s16, $0xb8;
	[tilespmem:$0x1E400] =	vst v63  }
0x8b: {  	_ =	swait.ge [sflag:s14], $0x3E80  }
0x8c: {  	s26 =	smov.u32 s30;
	s25 =	sshra.s32 s29, $0x2;
	[sflag:s14] =	ssyncset.done $0x0  }
0x8d: {  	s26 =	sadd.s32 $0x80, s25;
	[sflag:s14] =	ssyncadd.s32 $0xFFFFC180  }
0x8e: {  	[tilespmem:s18], [sflag:$0x2] =	stream.indirect.gather [hbm4b:s4+s16], $0x80, s26, s16, $0xb8;
	[tilespmem:$0x1E400] =	vst v63  }
0x8f: {  	_ =	swait.ge [sflag:s19], $0x3E80  }
0x90: {  	[sflag:s19] =	ssyncset.done $0x0  }
0x91: {  	s29 =	sadd.s32 $0x1400, s25;
	[sflag:s19] =	ssyncadd.s32 $0xFFFFC180  }
0x92: {  	[spmem:s2] =	stream.indirect.scatter.add.f32 [tilespmem:s17], [sflag:$0x3], $0x80, s29, s16, $0xb8;
	[tilespmem:$0x1E400] =	vst v63  }
0x93: {  	_ =	swait.ge [sflag:s14], $0x3E80  }
0x94: {  	[sflag:s14] =	ssyncset.done $0x0  }
0x95: {  	s30 =	sadd.s32 $0x100, s25;
	[sflag:s14] =	ssyncadd.s32 $0xFFFFC180  }
0x96: {  	[tilespmem:s17], [sflag:$0x1] =	stream.indirect.gather [hbm4b:s4+s16], $0x80, s30, s16, $0xb8;
	[tilespmem:$0x1E400] =	vst v63  }
0x97: {  	_ =	swait.ge [sflag:s20], $0x3E80  }
0x98: {  	[sflag:s20] =	ssyncset.done $0x0  }
0x99: {  	s31 =	sadd.s32 $0x1480, s25;
	[sflag:s20] =	ssyncadd.s32 $0xFFFFC180  }
0x9a: {  	[spmem:s2] =	stream.indirect.scatter.add.f32 [tilespmem:s18], [sflag:$0x3], $0x80, s31, s16, $0xb8;
	[tilespmem:$0x1E400] =	vst v63  }
0x9b: {  	_ =	swait.ge [sflag:s14], $0x3E80  }
0x9c: {  	[sflag:s14] =	ssyncset.done $0x0  }
0x9d: {  	[sflag:s14] =	ssyncadd.s32 $0xFFFFC180  }
0x9e: {  	[tilespmem:s18], [sflag:$0x2] =	stream.indirect.gather [hbm4b:s4+s16], $0x80, s21, s16, $0xb8;
	[tilespmem:$0x1E400] =	vst v63  }
0x9f: {  	_ =	swait.ge [sflag:s19], $0x3E80  }
0xa0: {  	[sflag:s19] =	ssyncset.done $0x0  }
0xa1: {  	[sflag:s19] =	ssyncadd.s32 $0xFFFFC180  }
0xa2: {  	[spmem:s2] =	stream.indirect.scatter.add.f32 [tilespmem:s17], [sflag:$0x3], $0x80, s22, s16, $0xb8;
	[tilespmem:$0x1E400] =	vst v63  }
0xa3: {  	_ =	swait.ge [sflag:s14], $0x3E80  }
0xa4: {  	[sflag:s14] =	ssyncset.done $0x0  }
0xa5: {  	[sflag:s14] =	ssyncadd.s32 $0xFFFFC180  }
0xa6: {  	_ =	swait.ge [sflag:s20], $0x3E80  }
0xa7: {  	[sflag:s20] =	ssyncset.done $0x0  }
0xa8: {  	[sflag:s20] =	ssyncadd.s32 $0xFFFFC180  }
0xa9: {  	[spmem:s2] =	stream.indirect.scatter.add.f32 [tilespmem:s18], [sflag:$0x3], $0x80, s23, s16, $0xb8;
	[tilespmem:$0x1E400] =	vst v63  }
0xaa: {  	_ =	swait.ge [sflag:s14], $0x3E80  }
0xab: {  	s24 =	sadd.s32 $0x1, s24;
	[sflag:s14] =	ssyncset.done $0x0  }
0xac: {  	p0 =	sne.s32 s24, s12;
	[sflag:s14] =	ssyncadd.s32 $0xFFFFC180  }
.Ltmp2:
0xad: {  	[bflag:$0x0] =	sbarrier.arrive $0xFFFF;
	(pc) =	sbr.rel @p0 .LBB2_1-.Ltmp2, $4  }
0xae: {  	[hbm:s11], [sflag:s6] =	dma.local [spmem:s13], $0x2780  }
0xaf: {  	_ =	swait.ge [sflag:s14], $0x2780  }
0xb0: {  	[sflag:s14] =	ssyncset.done $0x0  }
0xb1: {  	[sflag:s14] =	ssyncadd.s32 $0xFFFFD880  }
0xb2: {  	_ =	sfence.sel $0x180000  }
0xb3: {  	[bflag:$0x0] =	sbarrier.arrive $0xFFFF  }
0xb4: {  	p0 =	sne.s32 s1, $0x0;
	_ =	strace $0x90000050  }
0xb5: {  	s0 =	sadd.s32 @!p0 $0x100000, s0;
	[bflag:$0x2] =	sbarrier.arrive $0xFFFF  }
0xb6: {  	[sflag:s0] =	ssyncadd.tile.s32 @!p0 $0x1;
	_ =	shalt  }
.Lfunc_end2:
_tile_overlayer_lowered:
.L_overlay_start_2:
0xb7: {  	(tag) =	ssettag $0x2  }
0xb8: {  	s0 =	rddreg [dreg:$0x0];
	s2 =	stileid.u32  }
0xb9: {  	s1 =	rddreg [dreg:$0x1];
	p0 =	sne.s32 s2, $0x0  }
0xba: {  	s3 =	rddreg [dreg:$0x2];
	[bflag:$0x3] =	sbarrier.arrive $0xFFFF;
	s2 =	simm.s32 @!p0 $0x1C03  }
0xbb: {  	[timem:s3], [sflag:s2] =	dma.local @!p0 [hbm:s0], s1  }
0xbc: {  	s0 =	simm.s32 @!p0 $0x3  }
0xbd: {  	_ =	swait.ge @!p0 [sflag:s0], s1  }
0xbe: {  	s1 =	ssub.s32 @!p0 $0x0, s1;
	[sflag:s0] =	ssyncset.done @!p0 $0x0  }
0xbf: {  	[sflag:s0] =	ssyncadd.s32 @!p0 s1  }
0xc0: {  	[bflag:$0x3] =	sbarrier.arrive $0xFFFF  }
0xc1: {  	_ =	shalt  }

</sc_bundles>
